<compile_context>
chip_gen: v7x
topology: tpu7x:2x2x1
jax: 0.10.2.dev20260603
libtpu: 0.0.44.dev20260713+nightly
codegen_flags: <defaults>
</compile_context>

<pallas_src>
import functools

import jax
import jax.numpy as jnp
from jax import lax
from jax.experimental import pallas as pl
from jax.experimental.pallas import tpu as pltpu
from jax.experimental.pallas import tpu_sc as plsc

R = 64
G = 16
OUTW = 128
_SCB = 1

_DN_T = (((1,), (1,)), ((), ()))


def _dispatch_body(B, J, SB, NW, NC, jid_hbm, x_hbm,
                   xs_hbm, pos_hbm, end_hbm,
                   jid_v, hist_v, rank_v, base_v, end_v,
                   pos_v, rows_v, sem):
    wid = lax.axis_index("s") * NC + lax.axis_index("c")
    i32 = jnp.int32

    pltpu.sync_copy(jid_hbm, jid_v)

    for k in range(J // 16):
        hist_v[pl.ds(k * 16, 16)] = jnp.zeros((16,), i32)

    def rank_step(k, c):
        sl = pl.ds(k * 16, 16)
        jv = jid_v[sl]
        before = plsc.load_gather(hist_v, [jv])
        cnt, last = plsc.scan_count(jv)
        rank_v[sl] = before + cnt - _SCB
        plsc.store_scatter(hist_v, [jv], before + cnt + (1 - _SCB), mask=last)
        return c

    lax.fori_loop(0, B // 16, rank_step, jnp.zeros((), i32))

    carry = jnp.zeros((), i32)
    for k in range(J // 16):
        sl = pl.ds(k * 16, 16)
        padded = ((hist_v[sl] + (R - 1)) // R) * R
        incl = plsc.cumsum(padded)
        excl = incl - padded + carry
        base_v[sl] = excl
        end_v[sl] = excl + padded
        carry = carry + jnp.sum(padded)

    @pl.when(wid == 0)
    def _():
        pltpu.sync_copy(end_v, end_hbm)

    for k in range(SB // 16):
        sl = pl.ds(k * 16, 16)
        g = wid * SB + k * 16
        jv = jid_v[pl.ds(g, 16)]
        pos_v[sl] = plsc.load_gather(base_v, [jv]) + rank_v[pl.ds(g, 16)]
    pltpu.sync_copy(pos_v, pos_hbm.at[pl.ds(wid * SB, SB)])

    pltpu.sync_copy(x_hbm.at[pl.ds(wid * SB, SB)], rows_v)
    pltpu.async_copy(rows_v, xs_hbm.at[pos_v], sem).wait()


def _unsort_body(SB, NC, osort_hbm, pos_hbm, out_hbm, pos_v, rows_v, sem):
    wid = lax.axis_index("s") * NC + lax.axis_index("c")
    base = wid * SB
    pltpu.sync_copy(pos_hbm.at[pl.ds(base, SB)], pos_v)
    pltpu.async_copy(osort_hbm.at[pos_v], rows_v, sem).wait()
    pltpu.sync_copy(rows_v, out_hbm.at[pl.ds(base, SB)])


def _segment_body(D, H1, H2, QC, x_ref, end_ref, w1s_ref, w1a_ref, b1c_ref,
                  w2s_ref, w2a_ref, b2c_ref, vws_ref, vwa_ref, vbc_ref,
                  out_ref):
    f32 = jnp.float32
    gg = pl.program_id(0)
    ends = end_ref[...]
    gi = lax.broadcasted_iota(jnp.int32, (QC, QC), 0) // 5
    gj = lax.broadcasted_iota(jnp.int32, (QC, QC), 1) // 5
    grp = (gi == gj).astype(f32)
    ws1 = w1s_ref[...]
    ws2 = w2s_ref[...]
    wsv = vws_ref[...]

    bjs = []
    for sb in range(G):
        s = (gg * G + sb) * R
        bjs.append(jnp.minimum(jnp.sum((ends <= s).astype(jnp.int32)),
                               end_ref.shape[1] - 1))
    z1s = []
    for sb in range(G):
        w1 = ws1 + w1a_ref[bjs[sb]]
        x = x_ref[sb * R:(sb + 1) * R]
        z1s.append(jnp.maximum(
            lax.dot_general(x, w1[:, :D], _DN_T, preferred_element_type=f32)
            + b1c_ref[bjs[sb]], 0.0))
    z2s = []
    for sb in range(G):
        w2 = ws2 + w2a_ref[bjs[sb]]
        z2s.append(jnp.maximum(
            lax.dot_general(z1s[sb], w2[:, :H1], _DN_T,
                            preferred_element_type=f32)
            + b2c_ref[bjs[sb]], 0.0))
    lgs = []
    for sb in range(G):
        vw = wsv + vwa_ref[bjs[sb]]
        lgs.append(lax.dot_general(z2s[sb], vw[:, :H2], _DN_T,
                                   preferred_element_type=f32)
                   + vbc_ref[bjs[sb]])
    for sb in range(G):
        lg = lgs[sb]
        mx = jnp.max(lg, axis=1, keepdims=True)
        e = jnp.exp(lg - mx)
        denom = jnp.dot(e, grp, preferred_element_type=f32)
        out_ref[sb * R:(sb + 1) * R, :QC] = e / denom


def kernel(x, judge_ids, W1_w, W1_b, W2_w, W2_b, W1a_w, W1a_b, W2a_w, W2a_b,
           V_w, V_b, Va_w, Va_b):
    B, D = x.shape
    J, H1, _ = W1a_w.shape
    H2 = W2a_w.shape[1]
    Q, C, _ = V_w.shape
    QC = Q * C
    Bpad = 2 * B
    NB = Bpad // R

    info = plsc.get_sparse_core_info()
    NC, NS = info.num_cores, info.num_subcores
    NW = NC * NS
    SB = B // NW
    i32 = jnp.int32
    f32 = jnp.float32

    jid = judge_ids.astype(i32)
    vws = V_w.reshape(QC, H2 + 1)
    vwa = Va_w.reshape(J, QC, H2 + 1)
    b1c = ((W1_b + W1_w[:, D])[None]
           + W1a_b + W1a_w[:, :, D]).reshape(J, 1, H1)
    b2c = ((W2_b + W2_w[:, H1])[None]
           + W2a_b + W2a_w[:, :, H1]).reshape(J, 1, H2)
    vb = V_b.reshape(QC) + vws[:, H2]
    vbc = (vb[None] + Va_b.reshape(J, QC)
           + vwa[:, :, H2]).reshape(J, 1, QC)

    mesh = plsc.VectorSubcoreMesh(core_axis_name="c", subcore_axis_name="s")

    dispatch = pl.kernel(
        functools.partial(_dispatch_body, B, J, SB, NW, NC),
        out_type=(jax.ShapeDtypeStruct((Bpad, D), f32),
                  jax.ShapeDtypeStruct((B,), i32),
                  jax.ShapeDtypeStruct((J,), i32)),
        mesh=mesh,
        compiler_params=pltpu.CompilerParams(needs_layout_passes=False),
        scratch_types=[
            pltpu.VMEM((B,), i32),
            pltpu.VMEM((J,), i32),
            pltpu.VMEM((B,), i32),
            pltpu.VMEM((J,), i32),
            pltpu.VMEM((J,), i32),
            pltpu.VMEM((SB,), i32),
            pltpu.VMEM((SB, D), f32),
            pltpu.SemaphoreType.DMA,
        ],
    )
    x_sorted, pos, end = dispatch(jid, x)

    out_sorted = pl.pallas_call(
        functools.partial(_segment_body, D, H1, H2, QC),
        grid=(NB // G,),
        in_specs=[
            pl.BlockSpec((G * R, D), lambda g: (g, 0)),
            pl.BlockSpec((1, J), lambda g: (0, 0)),
            pl.BlockSpec((H1, D + 1), lambda g: (0, 0)),
            pl.BlockSpec((J, H1, D + 1), lambda g: (0, 0, 0)),
            pl.BlockSpec((J, 1, H1), lambda g: (0, 0, 0)),
            pl.BlockSpec((H2, H1 + 1), lambda g: (0, 0)),
            pl.BlockSpec((J, H2, H1 + 1), lambda g: (0, 0, 0)),
            pl.BlockSpec((J, 1, H2), lambda g: (0, 0, 0)),
            pl.BlockSpec((QC, H2 + 1), lambda g: (0, 0)),
            pl.BlockSpec((J, QC, H2 + 1), lambda g: (0, 0, 0)),
            pl.BlockSpec((J, 1, QC), lambda g: (0, 0, 0)),
        ],
        out_specs=pl.BlockSpec((G * R, OUTW), lambda g: (g, 0)),
        out_shape=jax.ShapeDtypeStruct((Bpad, OUTW), f32),
    )(x_sorted, end.reshape(1, J), W1_w, W1a_w, b1c,
      W2_w, W2a_w, b2c, vws, vwa, vbc)

    unsort = pl.kernel(
        functools.partial(_unsort_body, SB, NC),
        out_type=jax.ShapeDtypeStruct((B, OUTW), f32),
        mesh=mesh,
        compiler_params=pltpu.CompilerParams(needs_layout_passes=False),
        scratch_types=[
            pltpu.VMEM((SB,), i32),
            pltpu.VMEM((SB, OUTW), f32),
            pltpu.SemaphoreType.DMA,
        ],
    )
    out_full = unsort(out_sorted, pos)
    return out_full[:, :QC].reshape(B, Q, C).transpose(1, 0, 2)

# --- scband reference (transcript-rebuilt; emitter-appended) ---
"""Pipeline reference for scband-calibration-network-44985487458585 (READ-ONLY COPY).

The authoritative reference and input builder live on the scoring server;
editing this copy changes nothing except your own understanding.
"""

import jax, jax.numpy as jnp
import numpy as np

B = 4096
J = 64
D = 128
H1 = 64
H2 = 64
Q = 7
C = 5


def setup_inputs(seed: int = 0) -> dict:
    key = jax.random.key(seed)
    ks = jax.random.split(key, 10)
    x = jax.random.uniform(ks[0], (B, D), dtype=jnp.float32)
    judge_ids = jax.random.randint(ks[1], (B,), 0, J)

    def init_w(k, shape, fan_in):
        return (jax.random.normal(k, shape, dtype=jnp.float32) / np.sqrt(fan_in)).astype(jnp.float32)

    W1_w = init_w(ks[2], (H1, D + 1), D + 1)
    W1_b = jnp.zeros((H1,), jnp.float32)
    W2_w = init_w(ks[3], (H2, H1 + 1), H1 + 1)
    W2_b = jnp.zeros((H2,), jnp.float32)
    W1a_w = init_w(ks[4], (J, H1, D + 1), D + 1)
    W1a_b = jnp.zeros((J, H1), jnp.float32)
    W2a_w = init_w(ks[5], (J, H2, H1 + 1), H1 + 1)
    W2a_b = jnp.zeros((J, H2), jnp.float32)
    V_w = init_w(ks[6], (Q, C, H2 + 1), H2 + 1)
    V_b = jnp.zeros((Q, C), jnp.float32)
    Va_w = init_w(ks[7], (J, Q, C, H2 + 1), H2 + 1)
    Va_b = jnp.zeros((J, Q, C), jnp.float32)
    return {
        'x': x, 'judge_ids': judge_ids,
        'W1_w': W1_w, 'W1_b': W1_b, 'W2_w': W2_w, 'W2_b': W2_b,
        'W1a_w': W1a_w, 'W1a_b': W1a_b, 'W2a_w': W2a_w, 'W2a_b': W2a_b,
        'V_w': V_w, 'V_b': V_b, 'Va_w': Va_w, 'Va_b': Va_b,
    }


def reference(x, judge_ids, W1_w, W1_b, W2_w, W2_b, W1a_w, W1a_b, W2a_w, W2a_b, V_w, V_b, Va_w, Va_b):
    bsz = x.shape[0]
    ones = jnp.ones((bsz, 1), x.dtype)

    # layer 1: shared + judge-specific (gather per-sample expert weights)
    x1 = jnp.concatenate([x, ones], axis=1)
    shared1 = x1 @ W1_w.T + W1_b
    Wg1 = jnp.take(W1a_w, judge_ids, axis=0)           # [B, H1, D+1]
    bg1 = jnp.take(W1a_b, judge_ids, axis=0)           # [B, H1]
    spec1 = jnp.einsum('bi,boi->bo', x1, Wg1) + bg1
    z1 = jax.nn.relu(shared1 + spec1)

    # layer 2
    z1c = jnp.concatenate([z1, ones], axis=1)
    shared2 = z1c @ W2_w.T + W2_b
    Wg2 = jnp.take(W2a_w, judge_ids, axis=0)           # [B, H2, H1+1]
    bg2 = jnp.take(W2a_b, judge_ids, axis=0)
    spec2 = jnp.einsum('bi,boi->bo', z1c, Wg2) + bg2
    z2 = jax.nn.relu(shared2 + spec2)

    # output heads: Q questions, each 5-way softmax, shared + judge-specific
    z2c = jnp.concatenate([z2, ones], axis=1)          # [B, H2+1]
    shared_out = jnp.einsum('bi,qci->bqc', z2c, V_w) + V_b          # [B, Q, C]
    Vag = jnp.take(Va_w, judge_ids, axis=0)                          # [B, Q, C, H2+1]
    bag = jnp.take(Va_b, judge_ids, axis=0)                          # [B, Q, C]
    spec_out = jnp.einsum('bi,bqci->bqc', z2c, Vag) + bag
    out = jax.nn.softmax(shared_out + spec_out, axis=-1)            # [B, Q, C]
    # original returns a list of Q tensors [B, C]; stack to [Q, B, C]
    return jnp.transpose(out, (1, 0, 2))

if __name__ == "__main__":
    import jax
    _d = setup_inputs()
    print(jax.jit(kernel)(*tuple(_d.values())))

</pallas_src>

<mosaic_0001>
#map = affine_map<(d0, d1) -> (0, 0)>
#map1 = affine_map<(d0, d1) -> (0)>
module attributes {stable_mosaic.version = 14 : i64} {
  func.func @_unsort_body(%arg0: i32, %arg1: i32, %arg2: memref<8192x128xf32, #tpu.memory_space<hbm>>, %arg3: memref<4096xi32, #tpu.memory_space<hbm>>, %arg4: memref<4096x128xf32, #tpu.memory_space<hbm>>, %arg5: memref<128xi32, #tpu.memory_space<vmem>>, %arg6: memref<128x128xf32, #tpu.memory_space<vmem>>, %arg7: memref<!tpu.dma_semaphore, #tpu.memory_space<semaphore_mem>>) attributes {dimension_semantics = [#tpu.dimension_semantics<core_parallel>, #tpu.dimension_semantics<subcore_parallel>], iteration_bounds = array<i64: 2, 16>, scalar_prefetch = 0 : i64, scratch_operands = 3 : i64, tpu.core_type = #tpu.core_type<sc_vector_subcore>, window_params = [{transform_indices = #map}, {transform_indices = #map1}, {transform_indices = #map}]} {
    %mul3A = arith.constant 2 : i32
    %mul3A_0 = arith.muli %arg1, %mul3A : i32
    %add3A = arith.addi %mul3A_0, %arg0 : i32
    %mul3A_1 = arith.constant 128 : i32
    %mul3A_2 = arith.muli %add3A, %mul3A_1 : i32
    "tpu.region"() ({
      %run_scoped3A = tpu.sem_alloc : memref<!tpu.dma_semaphore, #tpu.memory_space<semaphore_mem>>
      %dma_start3A_7 = tpu.memref_slice %arg3[%mul3A_2] : memref<4096xi32, #tpu.memory_space<hbm>> -> memref<128xi32, #tpu.memory_space<hbm>>
      %dma_start3A_8 = tpu.memref_slice %arg3[%mul3A_2] : memref<4096xi32, #tpu.memory_space<hbm>> -> memref<128xi32, #tpu.memory_space<hbm>>
      tpu.enqueue_dma source(%dma_start3A_8 : memref<128xi32, #tpu.memory_space<hbm>>) target(%arg5 : memref<128xi32, #tpu.memory_space<vmem>>) target_semaphore(%run_scoped3A : memref<!tpu.dma_semaphore, #tpu.memory_space<semaphore_mem>>)
      %dma_wait3A_9 = tpu.memref_slice %arg3[%mul3A_2] : memref<4096xi32, #tpu.memory_space<hbm>> -> memref<128xi32, #tpu.memory_space<hbm>>
      %dma_wait3A_10 = tpu.memref_slice %arg3[%mul3A_2] : memref<4096xi32, #tpu.memory_space<hbm>> -> memref<128xi32, #tpu.memory_space<hbm>>
      tpu.wait_dma2 semaphore(%run_scoped3A : memref<!tpu.dma_semaphore, #tpu.memory_space<semaphore_mem>>) src(%dma_wait3A_10 : memref<128xi32, #tpu.memory_space<hbm>>) dst(%arg5 : memref<128xi32, #tpu.memory_space<vmem>>)
      tpu.yield
    }) : () -> ()
    %dma_start3A = arith.constant 0 : i32
    %dma_start3A_3 = arith.constant 0 : i32
    %dma_start3A_4 = tpu.memref_slice %arg2[%dma_start3A, %dma_start3A_3] : memref<8192x128xf32, #tpu.memory_space<hbm>> -> memref<8192x128xf32, #tpu.memory_space<hbm>>
    tpu.enqueue_indirect_dma source(%dma_start3A_4 : memref<8192x128xf32, #tpu.memory_space<hbm>>) target(%arg6 : memref<128x128xf32, #tpu.memory_space<vmem>>) offsets(%arg5 : memref<128xi32, #tpu.memory_space<vmem>>) semaphore(%arg7 : memref<!tpu.dma_semaphore, #tpu.memory_space<semaphore_mem>>)
    %dma_wait3A = arith.constant 0 : i32
    %dma_wait3A_5 = arith.constant 0 : i32
    %dma_wait3A_6 = tpu.memref_slice %arg2[%dma_wait3A, %dma_wait3A_5] : memref<8192x128xf32, #tpu.memory_space<hbm>> -> memref<8192x128xf32, #tpu.memory_space<hbm>>
    tpu.wait_indirect_dma semaphore(%arg7 : memref<!tpu.dma_semaphore, #tpu.memory_space<semaphore_mem>>) src(%dma_wait3A_6 : memref<8192x128xf32, #tpu.memory_space<hbm>>) dst(%arg6 : memref<128x128xf32, #tpu.memory_space<vmem>>)
    "tpu.region"() ({
      %run_scoped3A = tpu.sem_alloc : memref<!tpu.dma_semaphore, #tpu.memory_space<semaphore_mem>>
      %dma_start3A_7 = arith.constant 0 : i32
      %dma_start3A_8 = tpu.memref_slice %arg4[%mul3A_2, %dma_start3A_7] : memref<4096x128xf32, #tpu.memory_space<hbm>> -> memref<128x128xf32, #tpu.memory_space<hbm>>
      %dma_start3A_9 = arith.constant 0 : i32
      %dma_start3A_10 = tpu.memref_slice %arg4[%mul3A_2, %dma_start3A_9] : memref<4096x128xf32, #tpu.memory_space<hbm>> -> memref<128x128xf32, #tpu.memory_space<hbm>>
      tpu.enqueue_dma source(%arg6 : memref<128x128xf32, #tpu.memory_space<vmem>>) target(%dma_start3A_10 : memref<128x128xf32, #tpu.memory_space<hbm>>) target_semaphore(%run_scoped3A : memref<!tpu.dma_semaphore, #tpu.memory_space<semaphore_mem>>)
      %dma_wait3A_11 = arith.constant 0 : i32
      %dma_wait3A_12 = tpu.memref_slice %arg4[%mul3A_2, %dma_wait3A_11] : memref<4096x128xf32, #tpu.memory_space<hbm>> -> memref<128x128xf32, #tpu.memory_space<hbm>>
      %dma_wait3A_13 = arith.constant 0 : i32
      %dma_wait3A_14 = tpu.memref_slice %arg4[%mul3A_2, %dma_wait3A_13] : memref<4096x128xf32, #tpu.memory_space<hbm>> -> memref<128x128xf32, #tpu.memory_space<hbm>>
      tpu.wait_dma2 semaphore(%run_scoped3A : memref<!tpu.dma_semaphore, #tpu.memory_space<semaphore_mem>>) src(%arg6 : memref<128x128xf32, #tpu.memory_space<vmem>>) dst(%dma_wait3A_14 : memref<128x128xf32, #tpu.memory_space<hbm>>)
      tpu.yield
    }) : () -> ()
    return
  }
}

#map = affine_map<(d0, d1) -> (0)>
#map1 = affine_map<(d0, d1) -> (0, 0)>
module attributes {stable_mosaic.version = 14 : i64} {
  func.func @_dispatch_body(%arg0: i32, %arg1: i32, %arg2: memref<4096xi32, #tpu.memory_space<hbm>>, %arg3: memref<4096x128xf32, #tpu.memory_space<hbm>>, %arg4: memref<8192x128xf32, #tpu.memory_space<hbm>>, %arg5: memref<4096xi32, #tpu.memory_space<hbm>>, %arg6: memref<64xi32, #tpu.memory_space<hbm>>, %arg7: memref<4096xi32, #tpu.memory_space<vmem>>, %arg8: memref<64xi32, #tpu.memory_space<vmem>>, %arg9: memref<4096xi32, #tpu.memory_space<vmem>>, %arg10: memref<64xi32, #tpu.memory_space<vmem>>, %arg11: memref<64xi32, #tpu.memory_space<vmem>>, %arg12: memref<128xi32, #tpu.memory_space<vmem>>, %arg13: memref<128x128xf32, #tpu.memory_space<vmem>>, %arg14: memref<!tpu.dma_semaphore, #tpu.memory_space<semaphore_mem>>) attributes {dimension_semantics = [#tpu.dimension_semantics<core_parallel>, #tpu.dimension_semantics<subcore_parallel>], iteration_bounds = array<i64: 2, 16>, scalar_prefetch = 0 : i64, scratch_operands = 8 : i64, tpu.core_type = #tpu.core_type<sc_vector_subcore>, window_params = [{transform_indices = #map}, {transform_indices = #map1}, {transform_indices = #map1}, {transform_indices = #map}, {transform_indices = #map}]} {
    %mul3A = arith.constant 2 : i32
    %mul3A_0 = arith.muli %arg1, %mul3A : i32
    %add3A = arith.addi %mul3A_0, %arg0 : i32
    "tpu.region"() ({
      %run_scoped3A = tpu.sem_alloc : memref<!tpu.dma_semaphore, #tpu.memory_space<semaphore_mem>>
      tpu.enqueue_dma source(%arg2 : memref<4096xi32, #tpu.memory_space<hbm>>) target(%arg7 : memref<4096xi32, #tpu.memory_space<vmem>>) target_semaphore(%run_scoped3A : memref<!tpu.dma_semaphore, #tpu.memory_space<semaphore_mem>>)
      tpu.wait_dma2 semaphore(%run_scoped3A : memref<!tpu.dma_semaphore, #tpu.memory_space<semaphore_mem>>) src(%arg2 : memref<4096xi32, #tpu.memory_space<hbm>>) dst(%arg7 : memref<4096xi32, #tpu.memory_space<vmem>>)
      tpu.yield
    }) : () -> ()
    %broadcast_in_dim3A = arith.constant 0 : i32
    %broadcast_in_dim3A_1 = vector.broadcast %broadcast_in_dim3A : i32 to vector<16xi32>
    %swap3A = arith.constant 0 : index
    %swap3A_2 = tpu.vector_load %arg8[%swap3A] {strides = array<i32>} : memref<64xi32, #tpu.memory_space<vmem>>, vector<16xi32>,
    tpu.vector_store %arg8[%swap3A], %broadcast_in_dim3A_1 {strides = array<i32>} : memref<64xi32, #tpu.memory_space<vmem>>, vector<16xi32>,
    %broadcast_in_dim3A_3 = arith.constant 0 : i32
    %broadcast_in_dim3A_4 = vector.broadcast %broadcast_in_dim3A_3 : i32 to vector<16xi32>
    %swap3A_5 = arith.constant 16 : index
    %swap3A_6 = tpu.vector_load %arg8[%swap3A_5] {strides = array<i32>} : memref<64xi32, #tpu.memory_space<vmem>>, vector<16xi32>,
    tpu.vector_store %arg8[%swap3A_5], %broadcast_in_dim3A_4 {strides = array<i32>} : memref<64xi32, #tpu.memory_space<vmem>>, vector<16xi32>,
    %broadcast_in_dim3A_7 = arith.constant 0 : i32
    %broadcast_in_dim3A_8 = vector.broadcast %broadcast_in_dim3A_7 : i32 to vector<16xi32>
    %swap3A_9 = arith.constant 32 : index
    %swap3A_10 = tpu.vector_load %arg8[%swap3A_9] {strides = array<i32>} : memref<64xi32, #tpu.memory_space<vmem>>, vector<16xi32>,
    tpu.vector_store %arg8[%swap3A_9], %broadcast_in_dim3A_8 {strides = array<i32>} : memref<64xi32, #tpu.memory_space<vmem>>, vector<16xi32>,
    %broadcast_in_dim3A_11 = arith.constant 0 : i32
    %broadcast_in_dim3A_12 = vector.broadcast %broadcast_in_dim3A_11 : i32 to vector<16xi32>
    %swap3A_13 = arith.constant 48 : index
    %swap3A_14 = tpu.vector_load %arg8[%swap3A_13] {strides = array<i32>} : memref<64xi32, #tpu.memory_space<vmem>>, vector<16xi32>,
    tpu.vector_store %arg8[%swap3A_13], %broadcast_in_dim3A_12 {strides = array<i32>} : memref<64xi32, #tpu.memory_space<vmem>>, vector<16xi32>,
    %scan3A = arith.constant 0 : i32
    %scan3A_15 = arith.constant 0 : i32
    %scan3A_16 = arith.constant 256 : i32
    %scan3A_17 = arith.addi %scan3A_15, %scan3A_16 : i32
    %scan3A_18 = arith.constant 1 : i32
    scf.for %scan3A_336 = %scan3A_15 to %scan3A_17 step %scan3A_18  : i32 {
      %mul3A_337 = arith.constant 16 : i32
      %mul3A_338 = arith.muli %scan3A_336, %mul3A_337 : i32
      %get3A_339 = arith.index_cast %mul3A_338 : i32 to index
      %get3A_340 = tpu.vector_load %arg7[%get3A_339] {strides = array<i32>} : memref<4096xi32, #tpu.memory_space<vmem>>, vector<16xi32>,
      %gather3A_341 = tpu.vector_load_idx %arg8[%get3A_340] : memref<64xi32, #tpu.memory_space<vmem>>[vector<16xi32>], vector<16xi32>,
      %broadcast_in_dim3A_342 = arith.constant true
      %broadcast_in_dim3A_343 = vector.broadcast %broadcast_in_dim3A_342 : i1 to vector<16xi1>
      %unique3A, %unique3A_344 = tpu.scan_count mask(%broadcast_in_dim3A_343 : vector<16xi1>) value(%get3A_340 : vector<16xi32>) : vector<16xi1>, vector<16xi32>
      %add3A_345 = arith.addi %gather3A_341, %unique3A_344 : vector<16xi32>
      %sub3A_346 = arith.constant 1 : i32
      %sub3A_347 = vector.broadcast %sub3A_346 : i32 to vector<16xi32>
      %sub3A_348 = arith.subi %add3A_345, %sub3A_347 : vector<16xi32>
      %swap3A_349 = arith.index_cast %mul3A_338 : i32 to index
      %swap3A_350 = tpu.vector_load %arg9[%swap3A_349] {strides = array<i32>} : memref<4096xi32, #tpu.memory_space<vmem>>, vector<16xi32>,
      tpu.vector_store %arg9[%swap3A_349], %sub3A_348 {strides = array<i32>} : memref<4096xi32, #tpu.memory_space<vmem>>, vector<16xi32>,
      %add3A_351 = arith.addi %gather3A_341, %unique3A_344 : vector<16xi32>
      %add3A_352 = arith.constant 0 : i32
      %add3A_353 = vector.broadcast %add3A_352 : i32 to vector<16xi32>
      %add3A_354 = arith.addi %add3A_351, %add3A_353 : vector<16xi32>
      tpu.vector_store_idx %arg8[%get3A_340], %add3A_354 masked %unique3A : memref<64xi32, #tpu.memory_space<vmem>>[vector<16xi32>], vector<16xi32>, vector<16xi1>
    }
    %scan3A_19 = arith.constant 256 : i32
    %get3A = arith.constant 0 : index
    %get3A_20 = tpu.vector_load %arg8[%get3A] {strides = array<i32>} : memref<64xi32, #tpu.memory_space<vmem>>, vector<16xi32>,
    %add3A_21 = arith.constant 63 : i32
    %add3A_22 = vector.broadcast %add3A_21 : i32 to vector<16xi32>
    %add3A_23 = arith.addi %get3A_20, %add3A_22 : vector<16xi32>
    %jit3A = arith.constant 64 : i32
    %div3A = vector.broadcast %jit3A : i32 to vector<16xi32>
    %div3A_24 = arith.divsi %add3A_23, %div3A : vector<16xi32>
    %sign3A = arith.constant 0 : i32
    %sign3A_25 = vector.broadcast %sign3A : i32 to vector<16xi32>
    %sign3A_26 = arith.cmpi sgt, %add3A_23, %sign3A_25 : vector<16xi32>
    %sign3A_27 = arith.extui %sign3A_26 : vector<16xi1> to vector<16xi32>
    %sign3A_28 = arith.constant 0 : i32
    %sign3A_29 = vector.broadcast %sign3A_28 : i32 to vector<16xi32>
    %sign3A_30 = arith.cmpi slt, %add3A_23, %sign3A_29 : vector<16xi32>
    %sign3A_31 = arith.extui %sign3A_30 : vector<16xi1> to vector<16xi32>
    %sign3A_32 = arith.subi %sign3A_27, %sign3A_31 : vector<16xi32>
    %sign3A_33 = arith.constant 0 : i32
    %sign3A_34 = arith.cmpi sgt, %jit3A, %sign3A_33 : i32
    %sign3A_35 = arith.extui %sign3A_34 : i1 to i32
    %sign3A_36 = arith.constant 0 : i32
    %sign3A_37 = arith.cmpi slt, %jit3A, %sign3A_36 : i32
    %sign3A_38 = arith.extui %sign3A_37 : i1 to i32
    %sign3A_39 = arith.subi %sign3A_35, %sign3A_38 : i32
    %ne3A = vector.broadcast %sign3A_39 : i32 to vector<16xi32>
    %ne3A_40 = arith.cmpi ne, %sign3A_32, %ne3A : vector<16xi32>
    %rem3A = vector.broadcast %jit3A : i32 to vector<16xi32>
    %rem3A_41 = arith.remsi %add3A_23, %rem3A : vector<16xi32>
    %ne3A_42 = arith.constant 0 : i32
    %ne3A_43 = vector.broadcast %ne3A_42 : i32 to vector<16xi32>
    %ne3A_44 = arith.cmpi ne, %rem3A_41, %ne3A_43 : vector<16xi32>
    %and3A = arith.andi %ne3A_40, %ne3A_44 : vector<16xi1>
    %sub3A = arith.constant 1 : i32
    %sub3A_45 = vector.broadcast %sub3A : i32 to vector<16xi32>
    %sub3A_46 = arith.subi %div3A_24, %sub3A_45 : vector<16xi32>
    %select_n3A = arith.select %and3A, %sub3A_46, %div3A_24 : vector<16xi1>, vector<16xi32>
    %mul3A_47 = arith.constant 64 : i32
    %mul3A_48 = vector.broadcast %mul3A_47 : i32 to vector<16xi32>
    %mul3A_49 = arith.muli %select_n3A, %mul3A_48 : vector<16xi32>
    %broadcast_in_dim3A_50 = arith.constant true
    %broadcast_in_dim3A_51 = vector.broadcast %broadcast_in_dim3A_50 : i1 to vector<16xi1>
    %masked_cumsum3A = tpu.scan <sum>, %mul3A_49 masked %broadcast_in_dim3A_51 : vector<16xi32>, vector<16xi1> -> vector<16xi32>
    %sub3A_52 = arith.subi %masked_cumsum3A, %mul3A_49 : vector<16xi32>
    %add3A_53 = arith.constant 0 : i32
    %add3A_54 = vector.broadcast %add3A_53 : i32 to vector<16xi32>
    %add3A_55 = arith.addi %sub3A_52, %add3A_54 : vector<16xi32>
    %swap3A_56 = arith.constant 0 : index
    %swap3A_57 = tpu.vector_load %arg10[%swap3A_56] {strides = array<i32>} : memref<64xi32, #tpu.memory_space<vmem>>, vector<16xi32>,
    tpu.vector_store %arg10[%swap3A_56], %add3A_55 {strides = array<i32>} : memref<64xi32, #tpu.memory_space<vmem>>, vector<16xi32>,
    %add3A_58 = arith.addi %add3A_55, %mul3A_49 : vector<16xi32>
    %swap3A_59 = arith.constant 0 : index
    %swap3A_60 = tpu.vector_load %arg11[%swap3A_59] {strides = array<i32>} : memref<64xi32, #tpu.memory_space<vmem>>, vector<16xi32>,
    tpu.vector_store %arg11[%swap3A_59], %add3A_58 {strides = array<i32>} : memref<64xi32, #tpu.memory_space<vmem>>, vector<16xi32>,
    %reduce_sum3A = arith.constant true
    %reduce_sum3A_61 = vector.broadcast %reduce_sum3A : i1 to vector<16xi1>
    %reduce_sum3A_62 = tpu.scan <sum>, %mul3A_49 masked %reduce_sum3A_61 : vector<16xi32>, vector<16xi1> -> vector<16xi32>
    %reduce_sum3A_63 = vector.extract %reduce_sum3A_62[15] : i32 from vector<16xi32>
    %add3A_64 = arith.constant 0 : i32
    %add3A_65 = arith.addi %add3A_64, %reduce_sum3A_63 : i32
    %get3A_66 = arith.constant 16 : index
    %get3A_67 = tpu.vector_load %arg8[%get3A_66] {strides = array<i32>} : memref<64xi32, #tpu.memory_space<vmem>>, vector<16xi32>,
    %add3A_68 = arith.constant 63 : i32
    %add3A_69 = vector.broadcast %add3A_68 : i32 to vector<16xi32>
    %add3A_70 = arith.addi %get3A_67, %add3A_69 : vector<16xi32>
    %jit3A_71 = arith.constant 64 : i32
    %div3A_72 = vector.broadcast %jit3A_71 : i32 to vector<16xi32>
    %div3A_73 = arith.divsi %add3A_70, %div3A_72 : vector<16xi32>
    %sign3A_74 = arith.constant 0 : i32
    %sign3A_75 = vector.broadcast %sign3A_74 : i32 to vector<16xi32>
    %sign3A_76 = arith.cmpi sgt, %add3A_70, %sign3A_75 : vector<16xi32>
    %sign3A_77 = arith.extui %sign3A_76 : vector<16xi1> to vector<16xi32>
    %sign3A_78 = arith.constant 0 : i32
    %sign3A_79 = vector.broadcast %sign3A_78 : i32 to vector<16xi32>
    %sign3A_80 = arith.cmpi slt, %add3A_70, %sign3A_79 : vector<16xi32>
    %sign3A_81 = arith.extui %sign3A_80 : vector<16xi1> to vector<16xi32>
    %sign3A_82 = arith.subi %sign3A_77, %sign3A_81 : vector<16xi32>
    %sign3A_83 = arith.constant 0 : i32
    %sign3A_84 = arith.cmpi sgt, %jit3A_71, %sign3A_83 : i32
    %sign3A_85 = arith.extui %sign3A_84 : i1 to i32
    %sign3A_86 = arith.constant 0 : i32
    %sign3A_87 = arith.cmpi slt, %jit3A_71, %sign3A_86 : i32
    %sign3A_88 = arith.extui %sign3A_87 : i1 to i32
    %sign3A_89 = arith.subi %sign3A_85, %sign3A_88 : i32
    %ne3A_90 = vector.broadcast %sign3A_89 : i32 to vector<16xi32>
    %ne3A_91 = arith.cmpi ne, %sign3A_82, %ne3A_90 : vector<16xi32>
    %rem3A_92 = vector.broadcast %jit3A_71 : i32 to vector<16xi32>
    %rem3A_93 = arith.remsi %add3A_70, %rem3A_92 : vector<16xi32>
    %ne3A_94 = arith.constant 0 : i32
    %ne3A_95 = vector.broadcast %ne3A_94 : i32 to vector<16xi32>
    %ne3A_96 = arith.cmpi ne, %rem3A_93, %ne3A_95 : vector<16xi32>
    %and3A_97 = arith.andi %ne3A_91, %ne3A_96 : vector<16xi1>
    %sub3A_98 = arith.constant 1 : i32
    %sub3A_99 = vector.broadcast %sub3A_98 : i32 to vector<16xi32>
    %sub3A_100 = arith.subi %div3A_73, %sub3A_99 : vector<16xi32>
    %select_n3A_101 = arith.select %and3A_97, %sub3A_100, %div3A_73 : vector<16xi1>, vector<16xi32>
    %mul3A_102 = arith.constant 64 : i32
    %mul3A_103 = vector.broadcast %mul3A_102 : i32 to vector<16xi32>
    %mul3A_104 = arith.muli %select_n3A_101, %mul3A_103 : vector<16xi32>
    %broadcast_in_dim3A_105 = arith.constant true
    %broadcast_in_dim3A_106 = vector.broadcast %broadcast_in_dim3A_105 : i1 to vector<16xi1>
    %masked_cumsum3A_107 = tpu.scan <sum>, %mul3A_104 masked %broadcast_in_dim3A_106 : vector<16xi32>, vector<16xi1> -> vector<16xi32>
    %sub3A_108 = arith.subi %masked_cumsum3A_107, %mul3A_104 : vector<16xi32>
    %add3A_109 = vector.broadcast %add3A_65 : i32 to vector<16xi32>
    %add3A_110 = arith.addi %sub3A_108, %add3A_109 : vector<16xi32>
    %swap3A_111 = arith.constant 16 : index
    %swap3A_112 = tpu.vector_load %arg10[%swap3A_111] {strides = array<i32>} : memref<64xi32, #tpu.memory_space<vmem>>, vector<16xi32>,
    tpu.vector_store %arg10[%swap3A_111], %add3A_110 {strides = array<i32>} : memref<64xi32, #tpu.memory_space<vmem>>, vector<16xi32>,
    %add3A_113 = arith.addi %add3A_110, %mul3A_104 : vector<16xi32>
    %swap3A_114 = arith.constant 16 : index
    %swap3A_115 = tpu.vector_load %arg11[%swap3A_114] {strides = array<i32>} : memref<64xi32, #tpu.memory_space<vmem>>, vector<16xi32>,
    tpu.vector_store %arg11[%swap3A_114], %add3A_113 {strides = array<i32>} : memref<64xi32, #tpu.memory_space<vmem>>, vector<16xi32>,
    %reduce_sum3A_116 = arith.constant true
    %reduce_sum3A_117 = vector.broadcast %reduce_sum3A_116 : i1 to vector<16xi1>
    %reduce_sum3A_118 = tpu.scan <sum>, %mul3A_104 masked %reduce_sum3A_117 : vector<16xi32>, vector<16xi1> -> vector<16xi32>
    %reduce_sum3A_119 = vector.extract %reduce_sum3A_118[15] : i32 from vector<16xi32>
    %add3A_120 = arith.addi %add3A_65, %reduce_sum3A_119 : i32
    %get3A_121 = arith.constant 32 : index
    %get3A_122 = tpu.vector_load %arg8[%get3A_121] {strides = array<i32>} : memref<64xi32, #tpu.memory_space<vmem>>, vector<16xi32>,
    %add3A_123 = arith.constant 63 : i32
    %add3A_124 = vector.broadcast %add3A_123 : i32 to vector<16xi32>
    %add3A_125 = arith.addi %get3A_122, %add3A_124 : vector<16xi32>
    %jit3A_126 = arith.constant 64 : i32
    %div3A_127 = vector.broadcast %jit3A_126 : i32 to vector<16xi32>
    %div3A_128 = arith.divsi %add3A_125, %div3A_127 : vector<16xi32>
    %sign3A_129 = arith.constant 0 : i32
    %sign3A_130 = vector.broadcast %sign3A_129 : i32 to vector<16xi32>
    %sign3A_131 = arith.cmpi sgt, %add3A_125, %sign3A_130 : vector<16xi32>
    %sign3A_132 = arith.extui %sign3A_131 : vector<16xi1> to vector<16xi32>
    %sign3A_133 = arith.constant 0 : i32
    %sign3A_134 = vector.broadcast %sign3A_133 : i32 to vector<16xi32>
    %sign3A_135 = arith.cmpi slt, %add3A_125, %sign3A_134 : vector<16xi32>
    %sign3A_136 = arith.extui %sign3A_135 : vector<16xi1> to vector<16xi32>
    %sign3A_137 = arith.subi %sign3A_132, %sign3A_136 : vector<16xi32>
    %sign3A_138 = arith.constant 0 : i32
    %sign3A_139 = arith.cmpi sgt, %jit3A_126, %sign3A_138 : i32
    %sign3A_140 = arith.extui %sign3A_139 : i1 to i32
    %sign3A_141 = arith.constant 0 : i32
    %sign3A_142 = arith.cmpi slt, %jit3A_126, %sign3A_141 : i32
    %sign3A_143 = arith.extui %sign3A_142 : i1 to i32
    %sign3A_144 = arith.subi %sign3A_140, %sign3A_143 : i32
    %ne3A_145 = vector.broadcast %sign3A_144 : i32 to vector<16xi32>
    %ne3A_146 = arith.cmpi ne, %sign3A_137, %ne3A_145 : vector<16xi32>
    %rem3A_147 = vector.broadcast %jit3A_126 : i32 to vector<16xi32>
    %rem3A_148 = arith.remsi %add3A_125, %rem3A_147 : vector<16xi32>
    %ne3A_149 = arith.constant 0 : i32
    %ne3A_150 = vector.broadcast %ne3A_149 : i32 to vector<16xi32>
    %ne3A_151 = arith.cmpi ne, %rem3A_148, %ne3A_150 : vector<16xi32>
    %and3A_152 = arith.andi %ne3A_146, %ne3A_151 : vector<16xi1>
    %sub3A_153 = arith.constant 1 : i32
    %sub3A_154 = vector.broadcast %sub3A_153 : i32 to vector<16xi32>
    %sub3A_155 = arith.subi %div3A_128, %sub3A_154 : vector<16xi32>
    %select_n3A_156 = arith.select %and3A_152, %sub3A_155, %div3A_128 : vector<16xi1>, vector<16xi32>
    %mul3A_157 = arith.constant 64 : i32
    %mul3A_158 = vector.broadcast %mul3A_157 : i32 to vector<16xi32>
    %mul3A_159 = arith.muli %select_n3A_156, %mul3A_158 : vector<16xi32>
    %broadcast_in_dim3A_160 = arith.constant true
    %broadcast_in_dim3A_161 = vector.broadcast %broadcast_in_dim3A_160 : i1 to vector<16xi1>
    %masked_cumsum3A_162 = tpu.scan <sum>, %mul3A_159 masked %broadcast_in_dim3A_161 : vector<16xi32>, vector<16xi1> -> vector<16xi32>
    %sub3A_163 = arith.subi %masked_cumsum3A_162, %mul3A_159 : vector<16xi32>
    %add3A_164 = vector.broadcast %add3A_120 : i32 to vector<16xi32>
    %add3A_165 = arith.addi %sub3A_163, %add3A_164 : vector<16xi32>
    %swap3A_166 = arith.constant 32 : index
    %swap3A_167 = tpu.vector_load %arg10[%swap3A_166] {strides = array<i32>} : memref<64xi32, #tpu.memory_space<vmem>>, vector<16xi32>,
    tpu.vector_store %arg10[%swap3A_166], %add3A_165 {strides = array<i32>} : memref<64xi32, #tpu.memory_space<vmem>>, vector<16xi32>,
    %add3A_168 = arith.addi %add3A_165, %mul3A_159 : vector<16xi32>
    %swap3A_169 = arith.constant 32 : index
    %swap3A_170 = tpu.vector_load %arg11[%swap3A_169] {strides = array<i32>} : memref<64xi32, #tpu.memory_space<vmem>>, vector<16xi32>,
    tpu.vector_store %arg11[%swap3A_169], %add3A_168 {strides = array<i32>} : memref<64xi32, #tpu.memory_space<vmem>>, vector<16xi32>,
    %reduce_sum3A_171 = arith.constant true
    %reduce_sum3A_172 = vector.broadcast %reduce_sum3A_171 : i1 to vector<16xi1>
    %reduce_sum3A_173 = tpu.scan <sum>, %mul3A_159 masked %reduce_sum3A_172 : vector<16xi32>, vector<16xi1> -> vector<16xi32>
    %reduce_sum3A_174 = vector.extract %reduce_sum3A_173[15] : i32 from vector<16xi32>
    %add3A_175 = arith.addi %add3A_120, %reduce_sum3A_174 : i32
    %get3A_176 = arith.constant 48 : index
    %get3A_177 = tpu.vector_load %arg8[%get3A_176] {strides = array<i32>} : memref<64xi32, #tpu.memory_space<vmem>>, vector<16xi32>,
    %add3A_178 = arith.constant 63 : i32
    %add3A_179 = vector.broadcast %add3A_178 : i32 to vector<16xi32>
    %add3A_180 = arith.addi %get3A_177, %add3A_179 : vector<16xi32>
    %jit3A_181 = arith.constant 64 : i32
    %div3A_182 = vector.broadcast %jit3A_181 : i32 to vector<16xi32>
    %div3A_183 = arith.divsi %add3A_180, %div3A_182 : vector<16xi32>
    %sign3A_184 = arith.constant 0 : i32
    %sign3A_185 = vector.broadcast %sign3A_184 : i32 to vector<16xi32>
    %sign3A_186 = arith.cmpi sgt, %add3A_180, %sign3A_185 : vector<16xi32>
    %sign3A_187 = arith.extui %sign3A_186 : vector<16xi1> to vector<16xi32>
    %sign3A_188 = arith.constant 0 : i32
    %sign3A_189 = vector.broadcast %sign3A_188 : i32 to vector<16xi32>
    %sign3A_190 = arith.cmpi slt, %add3A_180, %sign3A_189 : vector<16xi32>
    %sign3A_191 = arith.extui %sign3A_190 : vector<16xi1> to vector<16xi32>
    %sign3A_192 = arith.subi %sign3A_187, %sign3A_191 : vector<16xi32>
    %sign3A_193 = arith.constant 0 : i32
    %sign3A_194 = arith.cmpi sgt, %jit3A_181, %sign3A_193 : i32
    %sign3A_195 = arith.extui %sign3A_194 : i1 to i32
    %sign3A_196 = arith.constant 0 : i32
    %sign3A_197 = arith.cmpi slt, %jit3A_181, %sign3A_196 : i32
    %sign3A_198 = arith.extui %sign3A_197 : i1 to i32
    %sign3A_199 = arith.subi %sign3A_195, %sign3A_198 : i32
    %ne3A_200 = vector.broadcast %sign3A_199 : i32 to vector<16xi32>
    %ne3A_201 = arith.cmpi ne, %sign3A_192, %ne3A_200 : vector<16xi32>
    %rem3A_202 = vector.broadcast %jit3A_181 : i32 to vector<16xi32>
    %rem3A_203 = arith.remsi %add3A_180, %rem3A_202 : vector<16xi32>
    %ne3A_204 = arith.constant 0 : i32
    %ne3A_205 = vector.broadcast %ne3A_204 : i32 to vector<16xi32>
    %ne3A_206 = arith.cmpi ne, %rem3A_203, %ne3A_205 : vector<16xi32>
    %and3A_207 = arith.andi %ne3A_201, %ne3A_206 : vector<16xi1>
    %sub3A_208 = arith.constant 1 : i32
    %sub3A_209 = vector.broadcast %sub3A_208 : i32 to vector<16xi32>
    %sub3A_210 = arith.subi %div3A_183, %sub3A_209 : vector<16xi32>
    %select_n3A_211 = arith.select %and3A_207, %sub3A_210, %div3A_183 : vector<16xi1>, vector<16xi32>
    %mul3A_212 = arith.constant 64 : i32
    %mul3A_213 = vector.broadcast %mul3A_212 : i32 to vector<16xi32>
    %mul3A_214 = arith.muli %select_n3A_211, %mul3A_213 : vector<16xi32>
    %broadcast_in_dim3A_215 = arith.constant true
    %broadcast_in_dim3A_216 = vector.broadcast %broadcast_in_dim3A_215 : i1 to vector<16xi1>
    %masked_cumsum3A_217 = tpu.scan <sum>, %mul3A_214 masked %broadcast_in_dim3A_216 : vector<16xi32>, vector<16xi1> -> vector<16xi32>
    %sub3A_218 = arith.subi %masked_cumsum3A_217, %mul3A_214 : vector<16xi32>
    %add3A_219 = vector.broadcast %add3A_175 : i32 to vector<16xi32>
    %add3A_220 = arith.addi %sub3A_218, %add3A_219 : vector<16xi32>
    %swap3A_221 = arith.constant 48 : index
    %swap3A_222 = tpu.vector_load %arg10[%swap3A_221] {strides = array<i32>} : memref<64xi32, #tpu.memory_space<vmem>>, vector<16xi32>,
    tpu.vector_store %arg10[%swap3A_221], %add3A_220 {strides = array<i32>} : memref<64xi32, #tpu.memory_space<vmem>>, vector<16xi32>,
    %add3A_223 = arith.addi %add3A_220, %mul3A_214 : vector<16xi32>
    %swap3A_224 = arith.constant 48 : index
    %swap3A_225 = tpu.vector_load %arg11[%swap3A_224] {strides = array<i32>} : memref<64xi32, #tpu.memory_space<vmem>>, vector<16xi32>,
    tpu.vector_store %arg11[%swap3A_224], %add3A_223 {strides = array<i32>} : memref<64xi32, #tpu.memory_space<vmem>>, vector<16xi32>,
    %reduce_sum3A_226 = arith.constant true
    %reduce_sum3A_227 = vector.broadcast %reduce_sum3A_226 : i1 to vector<16xi1>
    %reduce_sum3A_228 = tpu.scan <sum>, %mul3A_214 masked %reduce_sum3A_227 : vector<16xi32>, vector<16xi1> -> vector<16xi32>
    %reduce_sum3A_229 = vector.extract %reduce_sum3A_228[15] : i32 from vector<16xi32>
    %add3A_230 = arith.addi %add3A_175, %reduce_sum3A_229 : i32
    %eq3A = arith.constant 0 : i32
    %eq3A_231 = arith.cmpi eq, %add3A, %eq3A : i32
    %convert_element_type3A = arith.extui %eq3A_231 : i1 to i32
    %cond3A = arith.constant 0 : i32
    %cond3A_232 = arith.cmpi ne, %convert_element_type3A, %cond3A : i32
    scf.if %cond3A_232 {
      "tpu.region"() ({
        %run_scoped3A = tpu.sem_alloc : memref<!tpu.dma_semaphore, #tpu.memory_space<semaphore_mem>>
        tpu.enqueue_dma source(%arg11 : memref<64xi32, #tpu.memory_space<vmem>>) target(%arg6 : memref<64xi32, #tpu.memory_space<hbm>>) target_semaphore(%run_scoped3A : memref<!tpu.dma_semaphore, #tpu.memory_space<semaphore_mem>>)
        tpu.wait_dma2 semaphore(%run_scoped3A : memref<!tpu.dma_semaphore, #tpu.memory_space<semaphore_mem>>) src(%arg11 : memref<64xi32, #tpu.memory_space<vmem>>) dst(%arg6 : memref<64xi32, #tpu.memory_space<hbm>>)
        tpu.yield
      }) : () -> ()
    } else {
    }
    %mul3A_233 = arith.constant 128 : i32
    %mul3A_234 = arith.muli %add3A, %mul3A_233 : i32
    %add3A_235 = arith.constant 0 : i32
    %add3A_236 = arith.addi %mul3A_234, %add3A_235 : i32
    %get3A_237 = arith.index_cast %add3A_236 : i32 to index
    %get3A_238 = tpu.vector_load %arg7[%get3A_237] {strides = array<i32>} : memref<4096xi32, #tpu.memory_space<vmem>>, vector<16xi32>,
    %gather3A = tpu.vector_load_idx %arg10[%get3A_238] : memref<64xi32, #tpu.memory_space<vmem>>[vector<16xi32>], vector<16xi32>,
    %get3A_239 = arith.index_cast %add3A_236 : i32 to index
    %get3A_240 = tpu.vector_load %arg9[%get3A_239] {strides = array<i32>} : memref<4096xi32, #tpu.memory_space<vmem>>, vector<16xi32>,
    %add3A_241 = arith.addi %gather3A, %get3A_240 : vector<16xi32>
    %swap3A_242 = arith.constant 0 : index
    %swap3A_243 = tpu.vector_load %arg12[%swap3A_242] {strides = array<i32>} : memref<128xi32, #tpu.memory_space<vmem>>, vector<16xi32>,
    tpu.vector_store %arg12[%swap3A_242], %add3A_241 {strides = array<i32>} : memref<128xi32, #tpu.memory_space<vmem>>, vector<16xi32>,
    %mul3A_244 = arith.constant 128 : i32
    %mul3A_245 = arith.muli %add3A, %mul3A_244 : i32
    %add3A_246 = arith.constant 16 : i32
    %add3A_247 = arith.addi %mul3A_245, %add3A_246 : i32
    %get3A_248 = arith.index_cast %add3A_247 : i32 to index
    %get3A_249 = tpu.vector_load %arg7[%get3A_248] {strides = array<i32>} : memref<4096xi32, #tpu.memory_space<vmem>>, vector<16xi32>,
    %gather3A_250 = tpu.vector_load_idx %arg10[%get3A_249] : memref<64xi32, #tpu.memory_space<vmem>>[vector<16xi32>], vector<16xi32>,
    %get3A_251 = arith.index_cast %add3A_247 : i32 to index
    %get3A_252 = tpu.vector_load %arg9[%get3A_251] {strides = array<i32>} : memref<4096xi32, #tpu.memory_space<vmem>>, vector<16xi32>,
    %add3A_253 = arith.addi %gather3A_250, %get3A_252 : vector<16xi32>
    %swap3A_254 = arith.constant 16 : index
    %swap3A_255 = tpu.vector_load %arg12[%swap3A_254] {strides = array<i32>} : memref<128xi32, #tpu.memory_space<vmem>>, vector<16xi32>,
    tpu.vector_store %arg12[%swap3A_254], %add3A_253 {strides = array<i32>} : memref<128xi32, #tpu.memory_space<vmem>>, vector<16xi32>,
    %mul3A_256 = arith.constant 128 : i32
    %mul3A_257 = arith.muli %add3A, %mul3A_256 : i32
    %add3A_258 = arith.constant 32 : i32
    %add3A_259 = arith.addi %mul3A_257, %add3A_258 : i32
    %get3A_260 = arith.index_cast %add3A_259 : i32 to index
    %get3A_261 = tpu.vector_load %arg7[%get3A_260] {strides = array<i32>} : memref<4096xi32, #tpu.memory_space<vmem>>, vector<16xi32>,
    %gather3A_262 = tpu.vector_load_idx %arg10[%get3A_261] : memref<64xi32, #tpu.memory_space<vmem>>[vector<16xi32>], vector<16xi32>,
    %get3A_263 = arith.index_cast %add3A_259 : i32 to index
    %get3A_264 = tpu.vector_load %arg9[%get3A_263] {strides = array<i32>} : memref<4096xi32, #tpu.memory_space<vmem>>, vector<16xi32>,
    %add3A_265 = arith.addi %gather3A_262, %get3A_264 : vector<16xi32>
    %swap3A_266 = arith.constant 32 : index
    %swap3A_267 = tpu.vector_load %arg12[%swap3A_266] {strides = array<i32>} : memref<128xi32, #tpu.memory_space<vmem>>, vector<16xi32>,
    tpu.vector_store %arg12[%swap3A_266], %add3A_265 {strides = array<i32>} : memref<128xi32, #tpu.memory_space<vmem>>, vector<16xi32>,
    %mul3A_268 = arith.constant 128 : i32
    %mul3A_269 = arith.muli %add3A, %mul3A_268 : i32
    %add3A_270 = arith.constant 48 : i32
    %add3A_271 = arith.addi %mul3A_269, %add3A_270 : i32
    %get3A_272 = arith.index_cast %add3A_271 : i32 to index
    %get3A_273 = tpu.vector_load %arg7[%get3A_272] {strides = array<i32>} : memref<4096xi32, #tpu.memory_space<vmem>>, vector<16xi32>,
    %gather3A_274 = tpu.vector_load_idx %arg10[%get3A_273] : memref<64xi32, #tpu.memory_space<vmem>>[vector<16xi32>], vector<16xi32>,
    %get3A_275 = arith.index_cast %add3A_271 : i32 to index
    %get3A_276 = tpu.vector_load %arg9[%get3A_275] {strides = array<i32>} : memref<4096xi32, #tpu.memory_space<vmem>>, vector<16xi32>,
    %add3A_277 = arith.addi %gather3A_274, %get3A_276 : vector<16xi32>
    %swap3A_278 = arith.constant 48 : index
    %swap3A_279 = tpu.vector_load %arg12[%swap3A_278] {strides = array<i32>} : memref<128xi32, #tpu.memory_space<vmem>>, vector<16xi32>,
    tpu.vector_store %arg12[%swap3A_278], %add3A_277 {strides = array<i32>} : memref<128xi32, #tpu.memory_space<vmem>>, vector<16xi32>,
    %mul3A_280 = arith.constant 128 : i32
    %mul3A_281 = arith.muli %add3A, %mul3A_280 : i32
    %add3A_282 = arith.constant 64 : i32
    %add3A_283 = arith.addi %mul3A_281, %add3A_282 : i32
    %get3A_284 = arith.index_cast %add3A_283 : i32 to index
    %get3A_285 = tpu.vector_load %arg7[%get3A_284] {strides = array<i32>} : memref<4096xi32, #tpu.memory_space<vmem>>, vector<16xi32>,
    %gather3A_286 = tpu.vector_load_idx %arg10[%get3A_285] : memref<64xi32, #tpu.memory_space<vmem>>[vector<16xi32>], vector<16xi32>,
    %get3A_287 = arith.index_cast %add3A_283 : i32 to index
    %get3A_288 = tpu.vector_load %arg9[%get3A_287] {strides = array<i32>} : memref<4096xi32, #tpu.memory_space<vmem>>, vector<16xi32>,
    %add3A_289 = arith.addi %gather3A_286, %get3A_288 : vector<16xi32>
    %swap3A_290 = arith.constant 64 : index
    %swap3A_291 = tpu.vector_load %arg12[%swap3A_290] {strides = array<i32>} : memref<128xi32, #tpu.memory_space<vmem>>, vector<16xi32>,
    tpu.vector_store %arg12[%swap3A_290], %add3A_289 {strides = array<i32>} : memref<128xi32, #tpu.memory_space<vmem>>, vector<16xi32>,
    %mul3A_292 = arith.constant 128 : i32
    %mul3A_293 = arith.muli %add3A, %mul3A_292 : i32
    %add3A_294 = arith.constant 80 : i32
    %add3A_295 = arith.addi %mul3A_293, %add3A_294 : i32
    %get3A_296 = arith.index_cast %add3A_295 : i32 to index
    %get3A_297 = tpu.vector_load %arg7[%get3A_296] {strides = array<i32>} : memref<4096xi32, #tpu.memory_space<vmem>>, vector<16xi32>,
    %gather3A_298 = tpu.vector_load_idx %arg10[%get3A_297] : memref<64xi32, #tpu.memory_space<vmem>>[vector<16xi32>], vector<16xi32>,
    %get3A_299 = arith.index_cast %add3A_295 : i32 to index
    %get3A_300 = tpu.vector_load %arg9[%get3A_299] {strides = array<i32>} : memref<4096xi32, #tpu.memory_space<vmem>>, vector<16xi32>,
    %add3A_301 = arith.addi %gather3A_298, %get3A_300 : vector<16xi32>
    %swap3A_302 = arith.constant 80 : index
    %swap3A_303 = tpu.vector_load %arg12[%swap3A_302] {strides = array<i32>} : memref<128xi32, #tpu.memory_space<vmem>>, vector<16xi32>,
    tpu.vector_store %arg12[%swap3A_302], %add3A_301 {strides = array<i32>} : memref<128xi32, #tpu.memory_space<vmem>>, vector<16xi32>,
    %mul3A_304 = arith.constant 128 : i32
    %mul3A_305 = arith.muli %add3A, %mul3A_304 : i32
    %add3A_306 = arith.constant 96 : i32
    %add3A_307 = arith.addi %mul3A_305, %add3A_306 : i32
    %get3A_308 = arith.index_cast %add3A_307 : i32 to index
    %get3A_309 = tpu.vector_load %arg7[%get3A_308] {strides = array<i32>} : memref<4096xi32, #tpu.memory_space<vmem>>, vector<16xi32>,
    %gather3A_310 = tpu.vector_load_idx %arg10[%get3A_309] : memref<64xi32, #tpu.memory_space<vmem>>[vector<16xi32>], vector<16xi32>,
    %get3A_311 = arith.index_cast %add3A_307 : i32 to index
    %get3A_312 = tpu.vector_load %arg9[%get3A_311] {strides = array<i32>} : memref<4096xi32, #tpu.memory_space<vmem>>, vector<16xi32>,
    %add3A_313 = arith.addi %gather3A_310, %get3A_312 : vector<16xi32>
    %swap3A_314 = arith.constant 96 : index
    %swap3A_315 = tpu.vector_load %arg12[%swap3A_314] {strides = array<i32>} : memref<128xi32, #tpu.memory_space<vmem>>, vector<16xi32>,
    tpu.vector_store %arg12[%swap3A_314], %add3A_313 {strides = array<i32>} : memref<128xi32, #tpu.memory_space<vmem>>, vector<16xi32>,
    %mul3A_316 = arith.constant 128 : i32
    %mul3A_317 = arith.muli %add3A, %mul3A_316 : i32
    %add3A_318 = arith.constant 112 : i32
    %add3A_319 = arith.addi %mul3A_317, %add3A_318 : i32
    %get3A_320 = arith.index_cast %add3A_319 : i32 to index
    %get3A_321 = tpu.vector_load %arg7[%get3A_320] {strides = array<i32>} : memref<4096xi32, #tpu.memory_space<vmem>>, vector<16xi32>,
    %gather3A_322 = tpu.vector_load_idx %arg10[%get3A_321] : memref<64xi32, #tpu.memory_space<vmem>>[vector<16xi32>], vector<16xi32>,
    %get3A_323 = arith.index_cast %add3A_319 : i32 to index
    %get3A_324 = tpu.vector_load %arg9[%get3A_323] {strides = array<i32>} : memref<4096xi32, #tpu.memory_space<vmem>>, vector<16xi32>,
    %add3A_325 = arith.addi %gather3A_322, %get3A_324 : vector<16xi32>
    %swap3A_326 = arith.constant 112 : index
    %swap3A_327 = tpu.vector_load %arg12[%swap3A_326] {strides = array<i32>} : memref<128xi32, #tpu.memory_space<vmem>>, vector<16xi32>,
    tpu.vector_store %arg12[%swap3A_326], %add3A_325 {strides = array<i32>} : memref<128xi32, #tpu.memory_space<vmem>>, vector<16xi32>,
    %mul3A_328 = arith.constant 128 : i32
    %mul3A_329 = arith.muli %add3A, %mul3A_328 : i32
    "tpu.region"() ({
      %run_scoped3A = tpu.sem_alloc : memref<!tpu.dma_semaphore, #tpu.memory_space<semaphore_mem>>
      %dma_start3A_336 = tpu.memref_slice %arg5[%mul3A_329] : memref<4096xi32, #tpu.memory_space<hbm>> -> memref<128xi32, #tpu.memory_space<hbm>>
      %dma_start3A_337 = tpu.memref_slice %arg5[%mul3A_329] : memref<4096xi32, #tpu.memory_space<hbm>> -> memref<128xi32, #tpu.memory_space<hbm>>
      tpu.enqueue_dma source(%arg12 : memref<128xi32, #tpu.memory_space<vmem>>) target(%dma_start3A_337 : memref<128xi32, #tpu.memory_space<hbm>>) target_semaphore(%run_scoped3A : memref<!tpu.dma_semaphore, #tpu.memory_space<semaphore_mem>>)
      %dma_wait3A_338 = tpu.memref_slice %arg5[%mul3A_329] : memref<4096xi32, #tpu.memory_space<hbm>> -> memref<128xi32, #tpu.memory_space<hbm>>
      %dma_wait3A_339 = tpu.memref_slice %arg5[%mul3A_329] : memref<4096xi32, #tpu.memory_space<hbm>> -> memref<128xi32, #tpu.memory_space<hbm>>
      tpu.wait_dma2 semaphore(%run_scoped3A : memref<!tpu.dma_semaphore, #tpu.memory_space<semaphore_mem>>) src(%arg12 : memref<128xi32, #tpu.memory_space<vmem>>) dst(%dma_wait3A_339 : memref<128xi32, #tpu.memory_space<hbm>>)
      tpu.yield
    }) : () -> ()
    %mul3A_330 = arith.constant 128 : i32
    %mul3A_331 = arith.muli %add3A, %mul3A_330 : i32
    "tpu.region"() ({
      %run_scoped3A = tpu.sem_alloc : memref<!tpu.dma_semaphore, #tpu.memory_space<semaphore_mem>>
      %dma_start3A_336 = arith.constant 0 : i32
      %dma_start3A_337 = tpu.memref_slice %arg3[%mul3A_331, %dma_start3A_336] : memref<4096x128xf32, #tpu.memory_space<hbm>> -> memref<128x128xf32, #tpu.memory_space<hbm>>
      %dma_start3A_338 = arith.constant 0 : i32
      %dma_start3A_339 = tpu.memref_slice %arg3[%mul3A_331, %dma_start3A_338] : memref<4096x128xf32, #tpu.memory_space<hbm>> -> memref<128x128xf32, #tpu.memory_space<hbm>>
      tpu.enqueue_dma source(%dma_start3A_339 : memref<128x128xf32, #tpu.memory_space<hbm>>) target(%arg13 : memref<128x128xf32, #tpu.memory_space<vmem>>) target_semaphore(%run_scoped3A : memref<!tpu.dma_semaphore, #tpu.memory_space<semaphore_mem>>)
      %dma_wait3A_340 = arith.constant 0 : i32
      %dma_wait3A_341 = tpu.memref_slice %arg3[%mul3A_331, %dma_wait3A_340] : memref<4096x128xf32, #tpu.memory_space<hbm>> -> memref<128x128xf32, #tpu.memory_space<hbm>>
      %dma_wait3A_342 = arith.constant 0 : i32
      %dma_wait3A_343 = tpu.memref_slice %arg3[%mul3A_331, %dma_wait3A_342] : memref<4096x128xf32, #tpu.memory_space<hbm>> -> memref<128x128xf32, #tpu.memory_space<hbm>>
      tpu.wait_dma2 semaphore(%run_scoped3A : memref<!tpu.dma_semaphore, #tpu.memory_space<semaphore_mem>>) src(%dma_wait3A_343 : memref<128x128xf32, #tpu.memory_space<hbm>>) dst(%arg13 : memref<128x128xf32, #tpu.memory_space<vmem>>)
      tpu.yield
    }) : () -> ()
    %dma_start3A = arith.constant 0 : i32
    %dma_start3A_332 = arith.constant 0 : i32
    %dma_start3A_333 = tpu.memref_slice %arg4[%dma_start3A, %dma_start3A_332] : memref<8192x128xf32, #tpu.memory_space<hbm>> -> memref<8192x128xf32, #tpu.memory_space<hbm>>
    tpu.enqueue_indirect_dma source(%arg13 : memref<128x128xf32, #tpu.memory_space<vmem>>) target(%dma_start3A_333 : memref<8192x128xf32, #tpu.memory_space<hbm>>) offsets(%arg12 : memref<128xi32, #tpu.memory_space<vmem>>) semaphore(%arg14 : memref<!tpu.dma_semaphore, #tpu.memory_space<semaphore_mem>>)
    %dma_wait3A = arith.constant 0 : i32
    %dma_wait3A_334 = arith.constant 0 : i32
    %dma_wait3A_335 = tpu.memref_slice %arg4[%dma_wait3A, %dma_wait3A_334] : memref<8192x128xf32, #tpu.memory_space<hbm>> -> memref<8192x128xf32, #tpu.memory_space<hbm>>
    tpu.wait_indirect_dma semaphore(%arg14 : memref<!tpu.dma_semaphore, #tpu.memory_space<semaphore_mem>>) src(%arg13 : memref<128x128xf32, #tpu.memory_space<vmem>>) dst(%dma_wait3A_335 : memref<8192x128xf32, #tpu.memory_space<hbm>>)
    return
  }
}

module attributes {stable_mosaic.version = 14 : i64} {
  func.func @_segment_body(%arg0: i32, %arg1: memref<1024x128xf32, #tpu.memory_space<vmem>>, %arg2: memref<1x64xi32, #tpu.memory_space<vmem>>, %arg3: memref<64x129xf32, #tpu.memory_space<vmem>>, %arg4: memref<64x64x129xf32, #tpu.memory_space<vmem>>, %arg5: memref<64x1x64xf32, #tpu.memory_space<vmem>>, %arg6: memref<64x65xf32, #tpu.memory_space<vmem>>, %arg7: memref<64x64x65xf32, #tpu.memory_space<vmem>>, %arg8: memref<64x1x64xf32, #tpu.memory_space<vmem>>, %arg9: memref<35x65xf32, #tpu.memory_space<vmem>>, %arg10: memref<64x35x65xf32, #tpu.memory_space<vmem>>, %arg11: memref<64x1x35xf32, #tpu.memory_space<vmem>>, %arg12: memref<1024x128xf32, #tpu.memory_space<vmem>>) attributes {dimension_semantics = [#tpu.dimension_semantics<arbitrary>], iteration_bounds = array<i64: 8>, scalar_prefetch = 0 : i64, scratch_operands = 0 : i64, tpu.core_type = #tpu.core_type<tc>, window_params = [{transform_indices = @transform_0, window_bounds = array<i64: 1024, 128>}, {pipeline_mode = #tpu.pipeline_mode<synchronous>, transform_indices = @transform_1, window_bounds = array<i64: 1, 64>}, {pipeline_mode = #tpu.pipeline_mode<synchronous>, transform_indices = @transform_2, window_bounds = array<i64: 64, 129>}, {pipeline_mode = #tpu.pipeline_mode<synchronous>, transform_indices = @transform_3, window_bounds = array<i64: 64, 64, 129>}, {pipeline_mode = #tpu.pipeline_mode<synchronous>, transform_indices = @transform_4, window_bounds = array<i64: 64, 1, 64>}, {pipeline_mode = #tpu.pipeline_mode<synchronous>, transform_indices = @transform_5, window_bounds = array<i64: 64, 65>}, {pipeline_mode = #tpu.pipeline_mode<synchronous>, transform_indices = @transform_6, window_bounds = array<i64: 64, 64, 65>}, {pipeline_mode = #tpu.pipeline_mode<synchronous>, transform_indices = @transform_7, window_bounds = array<i64: 64, 1, 64>}, {pipeline_mode = #tpu.pipeline_mode<synchronous>, transform_indices = @transform_8, window_bounds = array<i64: 35, 65>}, {pipeline_mode = #tpu.pipeline_mode<synchronous>, transform_indices = @transform_9, window_bounds = array<i64: 64, 35, 65>}, {pipeline_mode = #tpu.pipeline_mode<synchronous>, transform_indices = @transform_10, window_bounds = array<i64: 64, 1, 35>}, {transform_indices = @transform_11, window_bounds = array<i64: 1024, 128>}]} {
    %get3A = arith.constant 0 : index
    %get3A_0 = arith.constant 0 : index
    %get3A_1 = vector.load %arg2[%get3A, %get3A_0] : memref<1x64xi32, #tpu.memory_space<vmem>>, vector<1x64xi32>
    %iota3A = tpu.iota {dimensions = array<i32: 0>} : vector<35x35xi32>
    %jit3A = arith.constant 5 : i32
    %div3A = vector.broadcast %jit3A : i32 to vector<35x35xi32>
    %div3A_2 = arith.divsi %iota3A, %div3A : vector<35x35xi32>
    %sign3A = arith.constant 0 : i32
    %sign3A_3 = vector.broadcast %sign3A : i32 to vector<35x35xi32>
    %sign3A_4 = arith.cmpi sgt, %iota3A, %sign3A_3 : vector<35x35xi32>
    %sign3A_5 = arith.extui %sign3A_4 : vector<35x35xi1> to vector<35x35xi32>
    %sign3A_6 = arith.constant 0 : i32
    %sign3A_7 = vector.broadcast %sign3A_6 : i32 to vector<35x35xi32>
    %sign3A_8 = arith.cmpi slt, %iota3A, %sign3A_7 : vector<35x35xi32>
    %sign3A_9 = arith.extui %sign3A_8 : vector<35x35xi1> to vector<35x35xi32>
    %sign3A_10 = arith.subi %sign3A_5, %sign3A_9 : vector<35x35xi32>
    %sign3A_11 = arith.constant 0 : i32
    %sign3A_12 = arith.cmpi sgt, %jit3A, %sign3A_11 : i32
    %sign3A_13 = arith.extui %sign3A_12 : i1 to i32
    %sign3A_14 = arith.constant 0 : i32
    %sign3A_15 = arith.cmpi slt, %jit3A, %sign3A_14 : i32
    %sign3A_16 = arith.extui %sign3A_15 : i1 to i32
    %sign3A_17 = arith.subi %sign3A_13, %sign3A_16 : i32
    %ne3A = vector.broadcast %sign3A_17 : i32 to vector<35x35xi32>
    %ne3A_18 = arith.cmpi ne, %sign3A_10, %ne3A : vector<35x35xi32>
    %rem3A = vector.broadcast %jit3A : i32 to vector<35x35xi32>
    %rem3A_19 = arith.remsi %iota3A, %rem3A : vector<35x35xi32>
    %ne3A_20 = arith.constant 0 : i32
    %ne3A_21 = vector.broadcast %ne3A_20 : i32 to vector<35x35xi32>
    %ne3A_22 = arith.cmpi ne, %rem3A_19, %ne3A_21 : vector<35x35xi32>
    %and3A = arith.andi %ne3A_18, %ne3A_22 : vector<35x35xi1>
    %sub3A = arith.constant 1 : i32
    %sub3A_23 = vector.broadcast %sub3A : i32 to vector<35x35xi32>
    %sub3A_24 = arith.subi %div3A_2, %sub3A_23 : vector<35x35xi32>
    %select_n3A = arith.select %and3A, %sub3A_24, %div3A_2 : vector<35x35xi1>, vector<35x35xi32>
    %iota3A_25 = tpu.iota {dimensions = array<i32: 1>} : vector<35x35xi32>
    %jit3A_26 = arith.constant 5 : i32
    %div3A_27 = vector.broadcast %jit3A_26 : i32 to vector<35x35xi32>
    %div3A_28 = arith.divsi %iota3A_25, %div3A_27 : vector<35x35xi32>
    %sign3A_29 = arith.constant 0 : i32
    %sign3A_30 = vector.broadcast %sign3A_29 : i32 to vector<35x35xi32>
    %sign3A_31 = arith.cmpi sgt, %iota3A_25, %sign3A_30 : vector<35x35xi32>
    %sign3A_32 = arith.extui %sign3A_31 : vector<35x35xi1> to vector<35x35xi32>
    %sign3A_33 = arith.constant 0 : i32
    %sign3A_34 = vector.broadcast %sign3A_33 : i32 to vector<35x35xi32>
    %sign3A_35 = arith.cmpi slt, %iota3A_25, %sign3A_34 : vector<35x35xi32>
    %sign3A_36 = arith.extui %sign3A_35 : vector<35x35xi1> to vector<35x35xi32>
    %sign3A_37 = arith.subi %sign3A_32, %sign3A_36 : vector<35x35xi32>
    %sign3A_38 = arith.constant 0 : i32
    %sign3A_39 = arith.cmpi sgt, %jit3A_26, %sign3A_38 : i32
    %sign3A_40 = arith.extui %sign3A_39 : i1 to i32
    %sign3A_41 = arith.constant 0 : i32
    %sign3A_42 = arith.cmpi slt, %jit3A_26, %sign3A_41 : i32
    %sign3A_43 = arith.extui %sign3A_42 : i1 to i32
    %sign3A_44 = arith.subi %sign3A_40, %sign3A_43 : i32
    %ne3A_45 = vector.broadcast %sign3A_44 : i32 to vector<35x35xi32>
    %ne3A_46 = arith.cmpi ne, %sign3A_37, %ne3A_45 : vector<35x35xi32>
    %rem3A_47 = vector.broadcast %jit3A_26 : i32 to vector<35x35xi32>
    %rem3A_48 = arith.remsi %iota3A_25, %rem3A_47 : vector<35x35xi32>
    %ne3A_49 = arith.constant 0 : i32
    %ne3A_50 = vector.broadcast %ne3A_49 : i32 to vector<35x35xi32>
    %ne3A_51 = arith.cmpi ne, %rem3A_48, %ne3A_50 : vector<35x35xi32>
    %and3A_52 = arith.andi %ne3A_46, %ne3A_51 : vector<35x35xi1>
    %sub3A_53 = arith.constant 1 : i32
    %sub3A_54 = vector.broadcast %sub3A_53 : i32 to vector<35x35xi32>
    %sub3A_55 = arith.subi %div3A_28, %sub3A_54 : vector<35x35xi32>
    %select_n3A_56 = arith.select %and3A_52, %sub3A_55, %div3A_28 : vector<35x35xi1>, vector<35x35xi32>
    %eq3A = arith.cmpi eq, %select_n3A, %select_n3A_56 : vector<35x35xi32>
    %convert_element_type3A = arith.extui %eq3A : vector<35x35xi1> to vector<35x35xi32>
    %convert_element_type3A_57 = arith.sitofp %convert_element_type3A : vector<35x35xi32> to vector<35x35xf32>
    %get3A_58 = arith.constant 0 : index
    %get3A_59 = arith.constant 0 : index
    %get3A_60 = vector.load %arg3[%get3A_58, %get3A_59] : memref<64x129xf32, #tpu.memory_space<vmem>>, vector<64x129xf32>
    %get3A_61 = arith.constant 0 : index
    %get3A_62 = arith.constant 0 : index
    %get3A_63 = vector.load %arg6[%get3A_61, %get3A_62] : memref<64x65xf32, #tpu.memory_space<vmem>>, vector<64x65xf32>
    %get3A_64 = arith.constant 0 : index
    %get3A_65 = arith.constant 0 : index
    %get3A_66 = vector.load %arg9[%get3A_64, %get3A_65] : memref<35x65xf32, #tpu.memory_space<vmem>>, vector<35x65xf32>
    %mul3A = arith.constant 16 : i32
    %mul3A_67 = arith.muli %arg0, %mul3A : i32
    %add3A = arith.constant 0 : i32
    %add3A_68 = arith.addi %mul3A_67, %add3A : i32
    %mul3A_69 = arith.constant 64 : i32
    %mul3A_70 = arith.muli %add3A_68, %mul3A_69 : i32
    %le3A = vector.broadcast %mul3A_70 : i32 to vector<1x64xi32>
    %le3A_71 = arith.cmpi sle, %get3A_1, %le3A : vector<1x64xi32>
    %convert_element_type3A_72 = arith.extui %le3A_71 : vector<1x64xi1> to vector<1x64xi32>
    %reduce_sum3A = vector.shape_cast %convert_element_type3A_72 : vector<1x64xi32> to vector<1x1x64xi32>
    %reduce_sum3A_73 = arith.constant dense<0> : vector<1xi32>
    %reduce_sum3A_74 = vector.multi_reduction <add>, %reduce_sum3A, %reduce_sum3A_73 [1, 2] : vector<1x1x64xi32> to vector<1xi32>
    %reduce_sum3A_75 = vector.shape_cast %reduce_sum3A_74 : vector<1xi32> to vector<1x1x1xi32>
    %reduce_sum3A_76 = vector.extract %reduce_sum3A_75[0, 0, 0] : i32 from vector<1x1x1xi32>
    %min3A = arith.constant 63 : i32
    %min3A_77 = arith.minsi %reduce_sum3A_76, %min3A : i32
    %mul3A_78 = arith.constant 16 : i32
    %mul3A_79 = arith.muli %arg0, %mul3A_78 : i32
    %add3A_80 = arith.constant 1 : i32
    %add3A_81 = arith.addi %mul3A_79, %add3A_80 : i32
    %mul3A_82 = arith.constant 64 : i32
    %mul3A_83 = arith.muli %add3A_81, %mul3A_82 : i32
    %le3A_84 = vector.broadcast %mul3A_83 : i32 to vector<1x64xi32>
    %le3A_85 = arith.cmpi sle, %get3A_1, %le3A_84 : vector<1x64xi32>
    %convert_element_type3A_86 = arith.extui %le3A_85 : vector<1x64xi1> to vector<1x64xi32>
    %reduce_sum3A_87 = vector.shape_cast %convert_element_type3A_86 : vector<1x64xi32> to vector<1x1x64xi32>
    %reduce_sum3A_88 = arith.constant dense<0> : vector<1xi32>
    %reduce_sum3A_89 = vector.multi_reduction <add>, %reduce_sum3A_87, %reduce_sum3A_88 [1, 2] : vector<1x1x64xi32> to vector<1xi32>
    %reduce_sum3A_90 = vector.shape_cast %reduce_sum3A_89 : vector<1xi32> to vector<1x1x1xi32>
    %reduce_sum3A_91 = vector.extract %reduce_sum3A_90[0, 0, 0] : i32 from vector<1x1x1xi32>
    %min3A_92 = arith.constant 63 : i32
    %min3A_93 = arith.minsi %reduce_sum3A_91, %min3A_92 : i32
    %mul3A_94 = arith.constant 16 : i32
    %mul3A_95 = arith.muli %arg0, %mul3A_94 : i32
    %add3A_96 = arith.constant 2 : i32
    %add3A_97 = arith.addi %mul3A_95, %add3A_96 : i32
    %mul3A_98 = arith.constant 64 : i32
    %mul3A_99 = arith.muli %add3A_97, %mul3A_98 : i32
    %le3A_100 = vector.broadcast %mul3A_99 : i32 to vector<1x64xi32>
    %le3A_101 = arith.cmpi sle, %get3A_1, %le3A_100 : vector<1x64xi32>
    %convert_element_type3A_102 = arith.extui %le3A_101 : vector<1x64xi1> to vector<1x64xi32>
    %reduce_sum3A_103 = vector.shape_cast %convert_element_type3A_102 : vector<1x64xi32> to vector<1x1x64xi32>
    %reduce_sum3A_104 = arith.constant dense<0> : vector<1xi32>
    %reduce_sum3A_105 = vector.multi_reduction <add>, %reduce_sum3A_103, %reduce_sum3A_104 [1, 2] : vector<1x1x64xi32> to vector<1xi32>
    %reduce_sum3A_106 = vector.shape_cast %reduce_sum3A_105 : vector<1xi32> to vector<1x1x1xi32>
    %reduce_sum3A_107 = vector.extract %reduce_sum3A_106[0, 0, 0] : i32 from vector<1x1x1xi32>
    %min3A_108 = arith.constant 63 : i32
    %min3A_109 = arith.minsi %reduce_sum3A_107, %min3A_108 : i32
    %mul3A_110 = arith.constant 16 : i32
    %mul3A_111 = arith.muli %arg0, %mul3A_110 : i32
    %add3A_112 = arith.constant 3 : i32
    %add3A_113 = arith.addi %mul3A_111, %add3A_112 : i32
    %mul3A_114 = arith.constant 64 : i32
    %mul3A_115 = arith.muli %add3A_113, %mul3A_114 : i32
    %le3A_116 = vector.broadcast %mul3A_115 : i32 to vector<1x64xi32>
    %le3A_117 = arith.cmpi sle, %get3A_1, %le3A_116 : vector<1x64xi32>
    %convert_element_type3A_118 = arith.extui %le3A_117 : vector<1x64xi1> to vector<1x64xi32>
    %reduce_sum3A_119 = vector.shape_cast %convert_element_type3A_118 : vector<1x64xi32> to vector<1x1x64xi32>
    %reduce_sum3A_120 = arith.constant dense<0> : vector<1xi32>
    %reduce_sum3A_121 = vector.multi_reduction <add>, %reduce_sum3A_119, %reduce_sum3A_120 [1, 2] : vector<1x1x64xi32> to vector<1xi32>
    %reduce_sum3A_122 = vector.shape_cast %reduce_sum3A_121 : vector<1xi32> to vector<1x1x1xi32>
    %reduce_sum3A_123 = vector.extract %reduce_sum3A_122[0, 0, 0] : i32 from vector<1x1x1xi32>
    %min3A_124 = arith.constant 63 : i32
    %min3A_125 = arith.minsi %reduce_sum3A_123, %min3A_124 : i32
    %mul3A_126 = arith.constant 16 : i32
    %mul3A_127 = arith.muli %arg0, %mul3A_126 : i32
    %add3A_128 = arith.constant 4 : i32
    %add3A_129 = arith.addi %mul3A_127, %add3A_128 : i32
    %mul3A_130 = arith.constant 64 : i32
    %mul3A_131 = arith.muli %add3A_129, %mul3A_130 : i32
    %le3A_132 = vector.broadcast %mul3A_131 : i32 to vector<1x64xi32>
    %le3A_133 = arith.cmpi sle, %get3A_1, %le3A_132 : vector<1x64xi32>
    %convert_element_type3A_134 = arith.extui %le3A_133 : vector<1x64xi1> to vector<1x64xi32>
    %reduce_sum3A_135 = vector.shape_cast %convert_element_type3A_134 : vector<1x64xi32> to vector<1x1x64xi32>
    %reduce_sum3A_136 = arith.constant dense<0> : vector<1xi32>
    %reduce_sum3A_137 = vector.multi_reduction <add>, %reduce_sum3A_135, %reduce_sum3A_136 [1, 2] : vector<1x1x64xi32> to vector<1xi32>
    %reduce_sum3A_138 = vector.shape_cast %reduce_sum3A_137 : vector<1xi32> to vector<1x1x1xi32>
    %reduce_sum3A_139 = vector.extract %reduce_sum3A_138[0, 0, 0] : i32 from vector<1x1x1xi32>
    %min3A_140 = arith.constant 63 : i32
    %min3A_141 = arith.minsi %reduce_sum3A_139, %min3A_140 : i32
    %mul3A_142 = arith.constant 16 : i32
    %mul3A_143 = arith.muli %arg0, %mul3A_142 : i32
    %add3A_144 = arith.constant 5 : i32
    %add3A_145 = arith.addi %mul3A_143, %add3A_144 : i32
    %mul3A_146 = arith.constant 64 : i32
    %mul3A_147 = arith.muli %add3A_145, %mul3A_146 : i32
    %le3A_148 = vector.broadcast %mul3A_147 : i32 to vector<1x64xi32>
    %le3A_149 = arith.cmpi sle, %get3A_1, %le3A_148 : vector<1x64xi32>
    %convert_element_type3A_150 = arith.extui %le3A_149 : vector<1x64xi1> to vector<1x64xi32>
    %reduce_sum3A_151 = vector.shape_cast %convert_element_type3A_150 : vector<1x64xi32> to vector<1x1x64xi32>
    %reduce_sum3A_152 = arith.constant dense<0> : vector<1xi32>
    %reduce_sum3A_153 = vector.multi_reduction <add>, %reduce_sum3A_151, %reduce_sum3A_152 [1, 2] : vector<1x1x64xi32> to vector<1xi32>
    %reduce_sum3A_154 = vector.shape_cast %reduce_sum3A_153 : vector<1xi32> to vector<1x1x1xi32>
    %reduce_sum3A_155 = vector.extract %reduce_sum3A_154[0, 0, 0] : i32 from vector<1x1x1xi32>
    %min3A_156 = arith.constant 63 : i32
    %min3A_157 = arith.minsi %reduce_sum3A_155, %min3A_156 : i32
    %mul3A_158 = arith.constant 16 : i32
    %mul3A_159 = arith.muli %arg0, %mul3A_158 : i32
    %add3A_160 = arith.constant 6 : i32
    %add3A_161 = arith.addi %mul3A_159, %add3A_160 : i32
    %mul3A_162 = arith.constant 64 : i32
    %mul3A_163 = arith.muli %add3A_161, %mul3A_162 : i32
    %le3A_164 = vector.broadcast %mul3A_163 : i32 to vector<1x64xi32>
    %le3A_165 = arith.cmpi sle, %get3A_1, %le3A_164 : vector<1x64xi32>
    %convert_element_type3A_166 = arith.extui %le3A_165 : vector<1x64xi1> to vector<1x64xi32>
    %reduce_sum3A_167 = vector.shape_cast %convert_element_type3A_166 : vector<1x64xi32> to vector<1x1x64xi32>
    %reduce_sum3A_168 = arith.constant dense<0> : vector<1xi32>
    %reduce_sum3A_169 = vector.multi_reduction <add>, %reduce_sum3A_167, %reduce_sum3A_168 [1, 2] : vector<1x1x64xi32> to vector<1xi32>
    %reduce_sum3A_170 = vector.shape_cast %reduce_sum3A_169 : vector<1xi32> to vector<1x1x1xi32>
    %reduce_sum3A_171 = vector.extract %reduce_sum3A_170[0, 0, 0] : i32 from vector<1x1x1xi32>
    %min3A_172 = arith.constant 63 : i32
    %min3A_173 = arith.minsi %reduce_sum3A_171, %min3A_172 : i32
    %mul3A_174 = arith.constant 16 : i32
    %mul3A_175 = arith.muli %arg0, %mul3A_174 : i32
    %add3A_176 = arith.constant 7 : i32
    %add3A_177 = arith.addi %mul3A_175, %add3A_176 : i32
    %mul3A_178 = arith.constant 64 : i32
    %mul3A_179 = arith.muli %add3A_177, %mul3A_178 : i32
    %le3A_180 = vector.broadcast %mul3A_179 : i32 to vector<1x64xi32>
    %le3A_181 = arith.cmpi sle, %get3A_1, %le3A_180 : vector<1x64xi32>
    %convert_element_type3A_182 = arith.extui %le3A_181 : vector<1x64xi1> to vector<1x64xi32>
    %reduce_sum3A_183 = vector.shape_cast %convert_element_type3A_182 : vector<1x64xi32> to vector<1x1x64xi32>
    %reduce_sum3A_184 = arith.constant dense<0> : vector<1xi32>
    %reduce_sum3A_185 = vector.multi_reduction <add>, %reduce_sum3A_183, %reduce_sum3A_184 [1, 2] : vector<1x1x64xi32> to vector<1xi32>
    %reduce_sum3A_186 = vector.shape_cast %reduce_sum3A_185 : vector<1xi32> to vector<1x1x1xi32>
    %reduce_sum3A_187 = vector.extract %reduce_sum3A_186[0, 0, 0] : i32 from vector<1x1x1xi32>
    %min3A_188 = arith.constant 63 : i32
    %min3A_189 = arith.minsi %reduce_sum3A_187, %min3A_188 : i32
    %mul3A_190 = arith.constant 16 : i32
    %mul3A_191 = arith.muli %arg0, %mul3A_190 : i32
    %add3A_192 = arith.constant 8 : i32
    %add3A_193 = arith.addi %mul3A_191, %add3A_192 : i32
    %mul3A_194 = arith.constant 64 : i32
    %mul3A_195 = arith.muli %add3A_193, %mul3A_194 : i32
    %le3A_196 = vector.broadcast %mul3A_195 : i32 to vector<1x64xi32>
    %le3A_197 = arith.cmpi sle, %get3A_1, %le3A_196 : vector<1x64xi32>
    %convert_element_type3A_198 = arith.extui %le3A_197 : vector<1x64xi1> to vector<1x64xi32>
    %reduce_sum3A_199 = vector.shape_cast %convert_element_type3A_198 : vector<1x64xi32> to vector<1x1x64xi32>
    %reduce_sum3A_200 = arith.constant dense<0> : vector<1xi32>
    %reduce_sum3A_201 = vector.multi_reduction <add>, %reduce_sum3A_199, %reduce_sum3A_200 [1, 2] : vector<1x1x64xi32> to vector<1xi32>
    %reduce_sum3A_202 = vector.shape_cast %reduce_sum3A_201 : vector<1xi32> to vector<1x1x1xi32>
    %reduce_sum3A_203 = vector.extract %reduce_sum3A_202[0, 0, 0] : i32 from vector<1x1x1xi32>
    %min3A_204 = arith.constant 63 : i32
    %min3A_205 = arith.minsi %reduce_sum3A_203, %min3A_204 : i32
    %mul3A_206 = arith.constant 16 : i32
    %mul3A_207 = arith.muli %arg0, %mul3A_206 : i32
    %add3A_208 = arith.constant 9 : i32
    %add3A_209 = arith.addi %mul3A_207, %add3A_208 : i32
    %mul3A_210 = arith.constant 64 : i32
    %mul3A_211 = arith.muli %add3A_209, %mul3A_210 : i32
    %le3A_212 = vector.broadcast %mul3A_211 : i32 to vector<1x64xi32>
    %le3A_213 = arith.cmpi sle, %get3A_1, %le3A_212 : vector<1x64xi32>
    %convert_element_type3A_214 = arith.extui %le3A_213 : vector<1x64xi1> to vector<1x64xi32>
    %reduce_sum3A_215 = vector.shape_cast %convert_element_type3A_214 : vector<1x64xi32> to vector<1x1x64xi32>
    %reduce_sum3A_216 = arith.constant dense<0> : vector<1xi32>
    %reduce_sum3A_217 = vector.multi_reduction <add>, %reduce_sum3A_215, %reduce_sum3A_216 [1, 2] : vector<1x1x64xi32> to vector<1xi32>
    %reduce_sum3A_218 = vector.shape_cast %reduce_sum3A_217 : vector<1xi32> to vector<1x1x1xi32>
    %reduce_sum3A_219 = vector.extract %reduce_sum3A_218[0, 0, 0] : i32 from vector<1x1x1xi32>
    %min3A_220 = arith.constant 63 : i32
    %min3A_221 = arith.minsi %reduce_sum3A_219, %min3A_220 : i32
    %mul3A_222 = arith.constant 16 : i32
    %mul3A_223 = arith.muli %arg0, %mul3A_222 : i32
    %add3A_224 = arith.constant 10 : i32
    %add3A_225 = arith.addi %mul3A_223, %add3A_224 : i32
    %mul3A_226 = arith.constant 64 : i32
    %mul3A_227 = arith.muli %add3A_225, %mul3A_226 : i32
    %le3A_228 = vector.broadcast %mul3A_227 : i32 to vector<1x64xi32>
    %le3A_229 = arith.cmpi sle, %get3A_1, %le3A_228 : vector<1x64xi32>
    %convert_element_type3A_230 = arith.extui %le3A_229 : vector<1x64xi1> to vector<1x64xi32>
    %reduce_sum3A_231 = vector.shape_cast %convert_element_type3A_230 : vector<1x64xi32> to vector<1x1x64xi32>
    %reduce_sum3A_232 = arith.constant dense<0> : vector<1xi32>
    %reduce_sum3A_233 = vector.multi_reduction <add>, %reduce_sum3A_231, %reduce_sum3A_232 [1, 2] : vector<1x1x64xi32> to vector<1xi32>
    %reduce_sum3A_234 = vector.shape_cast %reduce_sum3A_233 : vector<1xi32> to vector<1x1x1xi32>
    %reduce_sum3A_235 = vector.extract %reduce_sum3A_234[0, 0, 0] : i32 from vector<1x1x1xi32>
    %min3A_236 = arith.constant 63 : i32
    %min3A_237 = arith.minsi %reduce_sum3A_235, %min3A_236 : i32
    %mul3A_238 = arith.constant 16 : i32
    %mul3A_239 = arith.muli %arg0, %mul3A_238 : i32
    %add3A_240 = arith.constant 11 : i32
    %add3A_241 = arith.addi %mul3A_239, %add3A_240 : i32
    %mul3A_242 = arith.constant 64 : i32
    %mul3A_243 = arith.muli %add3A_241, %mul3A_242 : i32
    %le3A_244 = vector.broadcast %mul3A_243 : i32 to vector<1x64xi32>
    %le3A_245 = arith.cmpi sle, %get3A_1, %le3A_244 : vector<1x64xi32>
    %convert_element_type3A_246 = arith.extui %le3A_245 : vector<1x64xi1> to vector<1x64xi32>
    %reduce_sum3A_247 = vector.shape_cast %convert_element_type3A_246 : vector<1x64xi32> to vector<1x1x64xi32>
    %reduce_sum3A_248 = arith.constant dense<0> : vector<1xi32>
    %reduce_sum3A_249 = vector.multi_reduction <add>, %reduce_sum3A_247, %reduce_sum3A_248 [1, 2] : vector<1x1x64xi32> to vector<1xi32>
    %reduce_sum3A_250 = vector.shape_cast %reduce_sum3A_249 : vector<1xi32> to vector<1x1x1xi32>
    %reduce_sum3A_251 = vector.extract %reduce_sum3A_250[0, 0, 0] : i32 from vector<1x1x1xi32>
    %min3A_252 = arith.constant 63 : i32
    %min3A_253 = arith.minsi %reduce_sum3A_251, %min3A_252 : i32
    %mul3A_254 = arith.constant 16 : i32
    %mul3A_255 = arith.muli %arg0, %mul3A_254 : i32
    %add3A_256 = arith.constant 12 : i32
    %add3A_257 = arith.addi %mul3A_255, %add3A_256 : i32
    %mul3A_258 = arith.constant 64 : i32
    %mul3A_259 = arith.muli %add3A_257, %mul3A_258 : i32
    %le3A_260 = vector.broadcast %mul3A_259 : i32 to vector<1x64xi32>
    %le3A_261 = arith.cmpi sle, %get3A_1, %le3A_260 : vector<1x64xi32>
    %convert_element_type3A_262 = arith.extui %le3A_261 : vector<1x64xi1> to vector<1x64xi32>
    %reduce_sum3A_263 = vector.shape_cast %convert_element_type3A_262 : vector<1x64xi32> to vector<1x1x64xi32>
    %reduce_sum3A_264 = arith.constant dense<0> : vector<1xi32>
    %reduce_sum3A_265 = vector.multi_reduction <add>, %reduce_sum3A_263, %reduce_sum3A_264 [1, 2] : vector<1x1x64xi32> to vector<1xi32>
    %reduce_sum3A_266 = vector.shape_cast %reduce_sum3A_265 : vector<1xi32> to vector<1x1x1xi32>
    %reduce_sum3A_267 = vector.extract %reduce_sum3A_266[0, 0, 0] : i32 from vector<1x1x1xi32>
    %min3A_268 = arith.constant 63 : i32
    %min3A_269 = arith.minsi %reduce_sum3A_267, %min3A_268 : i32
    %mul3A_270 = arith.constant 16 : i32
    %mul3A_271 = arith.muli %arg0, %mul3A_270 : i32
    %add3A_272 = arith.constant 13 : i32
    %add3A_273 = arith.addi %mul3A_271, %add3A_272 : i32
    %mul3A_274 = arith.constant 64 : i32
    %mul3A_275 = arith.muli %add3A_273, %mul3A_274 : i32
    %le3A_276 = vector.broadcast %mul3A_275 : i32 to vector<1x64xi32>
    %le3A_277 = arith.cmpi sle, %get3A_1, %le3A_276 : vector<1x64xi32>
    %convert_element_type3A_278 = arith.extui %le3A_277 : vector<1x64xi1> to vector<1x64xi32>
    %reduce_sum3A_279 = vector.shape_cast %convert_element_type3A_278 : vector<1x64xi32> to vector<1x1x64xi32>
    %reduce_sum3A_280 = arith.constant dense<0> : vector<1xi32>
    %reduce_sum3A_281 = vector.multi_reduction <add>, %reduce_sum3A_279, %reduce_sum3A_280 [1, 2] : vector<1x1x64xi32> to vector<1xi32>
    %reduce_sum3A_282 = vector.shape_cast %reduce_sum3A_281 : vector<1xi32> to vector<1x1x1xi32>
    %reduce_sum3A_283 = vector.extract %reduce_sum3A_282[0, 0, 0] : i32 from vector<1x1x1xi32>
    %min3A_284 = arith.constant 63 : i32
    %min3A_285 = arith.minsi %reduce_sum3A_283, %min3A_284 : i32
    %mul3A_286 = arith.constant 16 : i32
    %mul3A_287 = arith.muli %arg0, %mul3A_286 : i32
    %add3A_288 = arith.constant 14 : i32
    %add3A_289 = arith.addi %mul3A_287, %add3A_288 : i32
    %mul3A_290 = arith.constant 64 : i32
    %mul3A_291 = arith.muli %add3A_289, %mul3A_290 : i32
    %le3A_292 = vector.broadcast %mul3A_291 : i32 to vector<1x64xi32>
    %le3A_293 = arith.cmpi sle, %get3A_1, %le3A_292 : vector<1x64xi32>
    %convert_element_type3A_294 = arith.extui %le3A_293 : vector<1x64xi1> to vector<1x64xi32>
    %reduce_sum3A_295 = vector.shape_cast %convert_element_type3A_294 : vector<1x64xi32> to vector<1x1x64xi32>
    %reduce_sum3A_296 = arith.constant dense<0> : vector<1xi32>
    %reduce_sum3A_297 = vector.multi_reduction <add>, %reduce_sum3A_295, %reduce_sum3A_296 [1, 2] : vector<1x1x64xi32> to vector<1xi32>
    %reduce_sum3A_298 = vector.shape_cast %reduce_sum3A_297 : vector<1xi32> to vector<1x1x1xi32>
    %reduce_sum3A_299 = vector.extract %reduce_sum3A_298[0, 0, 0] : i32 from vector<1x1x1xi32>
    %min3A_300 = arith.constant 63 : i32
    %min3A_301 = arith.minsi %reduce_sum3A_299, %min3A_300 : i32
    %mul3A_302 = arith.constant 16 : i32
    %mul3A_303 = arith.muli %arg0, %mul3A_302 : i32
    %add3A_304 = arith.constant 15 : i32
    %add3A_305 = arith.addi %mul3A_303, %add3A_304 : i32
    %mul3A_306 = arith.constant 64 : i32
    %mul3A_307 = arith.muli %add3A_305, %mul3A_306 : i32
    %le3A_308 = vector.broadcast %mul3A_307 : i32 to vector<1x64xi32>
    %le3A_309 = arith.cmpi sle, %get3A_1, %le3A_308 : vector<1x64xi32>
    %convert_element_type3A_310 = arith.extui %le3A_309 : vector<1x64xi1> to vector<1x64xi32>
    %reduce_sum3A_311 = vector.shape_cast %convert_element_type3A_310 : vector<1x64xi32> to vector<1x1x64xi32>
    %reduce_sum3A_312 = arith.constant dense<0> : vector<1xi32>
    %reduce_sum3A_313 = vector.multi_reduction <add>, %reduce_sum3A_311, %reduce_sum3A_312 [1, 2] : vector<1x1x64xi32> to vector<1xi32>
    %reduce_sum3A_314 = vector.shape_cast %reduce_sum3A_313 : vector<1xi32> to vector<1x1x1xi32>
    %reduce_sum3A_315 = vector.extract %reduce_sum3A_314[0, 0, 0] : i32 from vector<1x1x1xi32>
    %min3A_316 = arith.constant 63 : i32
    %min3A_317 = arith.minsi %reduce_sum3A_315, %min3A_316 : i32
    %get3A_318 = arith.index_cast %min3A_77 : i32 to index
    %get3A_319 = arith.constant 0 : index
    %get3A_320 = arith.constant 0 : index
    %get3A_321 = vector.load %arg4[%get3A_318, %get3A_319, %get3A_320] : memref<64x64x129xf32, #tpu.memory_space<vmem>>, vector<1x64x129xf32>
    %get3A_322 = vector.shape_cast %get3A_321 : vector<1x64x129xf32> to vector<64x129xf32>
    %add3A_323 = arith.addf %get3A_60, %get3A_322 : vector<64x129xf32>
    %get3A_324 = arith.constant 0 : index
    %get3A_325 = arith.constant 0 : index
    %get3A_326 = vector.load %arg1[%get3A_324, %get3A_325] : memref<1024x128xf32, #tpu.memory_space<vmem>>, vector<64x128xf32>
    %slice3A = vector.extract_strided_slice %add3A_323 {offsets = [0, 0], sizes = [64, 128], strides = [1, 1]} : vector<64x129xf32> to vector<64x128xf32>
    %dot_general3A = arith.constant dense<0.000000e+00> : vector<64x64xf32>
    %dot_general3A_327 = tpu.matmul %get3A_326, %slice3A, %dot_general3A {dimension_numbers = #tpu.dot_dimension_numbers<[1], [1], [0], [0], [0, 0, 1, 0], [], []>, transpose_lhs_hint = false} : vector<64x128xf32>, vector<64x128xf32>, vector<64x64xf32> -> vector<64x64xf32>
    %get3A_328 = arith.index_cast %min3A_77 : i32 to index
    %get3A_329 = arith.constant 0 : index
    %get3A_330 = arith.constant 0 : index
    %get3A_331 = vector.load %arg5[%get3A_328, %get3A_329, %get3A_330] : memref<64x1x64xf32, #tpu.memory_space<vmem>>, vector<1x1x64xf32>
    %get3A_332 = vector.shape_cast %get3A_331 : vector<1x1x64xf32> to vector<1x64xf32>
    %add3A_333 = vector.broadcast %get3A_332 : vector<1x64xf32> to vector<64x64xf32>
    %add3A_334 = arith.addf %dot_general3A_327, %add3A_333 : vector<64x64xf32>
    %max3A = arith.constant 0.000000e+00 : f32
    %max3A_335 = vector.broadcast %max3A : f32 to vector<64x64xf32>
    %max3A_336 = arith.maximumf %add3A_334, %max3A_335 : vector<64x64xf32>
    %get3A_337 = arith.index_cast %min3A_93 : i32 to index
    %get3A_338 = arith.constant 0 : index
    %get3A_339 = arith.constant 0 : index
    %get3A_340 = vector.load %arg4[%get3A_337, %get3A_338, %get3A_339] : memref<64x64x129xf32, #tpu.memory_space<vmem>>, vector<1x64x129xf32>
    %get3A_341 = vector.shape_cast %get3A_340 : vector<1x64x129xf32> to vector<64x129xf32>
    %add3A_342 = arith.addf %get3A_60, %get3A_341 : vector<64x129xf32>
    %get3A_343 = arith.constant 64 : index
    %get3A_344 = arith.constant 0 : index
    %get3A_345 = vector.load %arg1[%get3A_343, %get3A_344] : memref<1024x128xf32, #tpu.memory_space<vmem>>, vector<64x128xf32>
    %slice3A_346 = vector.extract_strided_slice %add3A_342 {offsets = [0, 0], sizes = [64, 128], strides = [1, 1]} : vector<64x129xf32> to vector<64x128xf32>
    %dot_general3A_347 = arith.constant dense<0.000000e+00> : vector<64x64xf32>
    %dot_general3A_348 = tpu.matmul %get3A_345, %slice3A_346, %dot_general3A_347 {dimension_numbers = #tpu.dot_dimension_numbers<[1], [1], [0], [0], [0, 0, 1, 0], [], []>, transpose_lhs_hint = false} : vector<64x128xf32>, vector<64x128xf32>, vector<64x64xf32> -> vector<64x64xf32>
    %get3A_349 = arith.index_cast %min3A_93 : i32 to index
    %get3A_350 = arith.constant 0 : index
    %get3A_351 = arith.constant 0 : index
    %get3A_352 = vector.load %arg5[%get3A_349, %get3A_350, %get3A_351] : memref<64x1x64xf32, #tpu.memory_space<vmem>>, vector<1x1x64xf32>
    %get3A_353 = vector.shape_cast %get3A_352 : vector<1x1x64xf32> to vector<1x64xf32>
    %add3A_354 = vector.broadcast %get3A_353 : vector<1x64xf32> to vector<64x64xf32>
    %add3A_355 = arith.addf %dot_general3A_348, %add3A_354 : vector<64x64xf32>
    %max3A_356 = arith.constant 0.000000e+00 : f32
    %max3A_357 = vector.broadcast %max3A_356 : f32 to vector<64x64xf32>
    %max3A_358 = arith.maximumf %add3A_355, %max3A_357 : vector<64x64xf32>
    %get3A_359 = arith.index_cast %min3A_109 : i32 to index
    %get3A_360 = arith.constant 0 : index
    %get3A_361 = arith.constant 0 : index
    %get3A_362 = vector.load %arg4[%get3A_359, %get3A_360, %get3A_361] : memref<64x64x129xf32, #tpu.memory_space<vmem>>, vector<1x64x129xf32>
    %get3A_363 = vector.shape_cast %get3A_362 : vector<1x64x129xf32> to vector<64x129xf32>
    %add3A_364 = arith.addf %get3A_60, %get3A_363 : vector<64x129xf32>
    %get3A_365 = arith.constant 128 : index
    %get3A_366 = arith.constant 0 : index
    %get3A_367 = vector.load %arg1[%get3A_365, %get3A_366] : memref<1024x128xf32, #tpu.memory_space<vmem>>, vector<64x128xf32>
    %slice3A_368 = vector.extract_strided_slice %add3A_364 {offsets = [0, 0], sizes = [64, 128], strides = [1, 1]} : vector<64x129xf32> to vector<64x128xf32>
    %dot_general3A_369 = arith.constant dense<0.000000e+00> : vector<64x64xf32>
    %dot_general3A_370 = tpu.matmul %get3A_367, %slice3A_368, %dot_general3A_369 {dimension_numbers = #tpu.dot_dimension_numbers<[1], [1], [0], [0], [0, 0, 1, 0], [], []>, transpose_lhs_hint = false} : vector<64x128xf32>, vector<64x128xf32>, vector<64x64xf32> -> vector<64x64xf32>
    %get3A_371 = arith.index_cast %min3A_109 : i32 to index
    %get3A_372 = arith.constant 0 : index
    %get3A_373 = arith.constant 0 : index
    %get3A_374 = vector.load %arg5[%get3A_371, %get3A_372, %get3A_373] : memref<64x1x64xf32, #tpu.memory_space<vmem>>, vector<1x1x64xf32>
    %get3A_375 = vector.shape_cast %get3A_374 : vector<1x1x64xf32> to vector<1x64xf32>
    %add3A_376 = vector.broadcast %get3A_375 : vector<1x64xf32> to vector<64x64xf32>
    %add3A_377 = arith.addf %dot_general3A_370, %add3A_376 : vector<64x64xf32>
    %max3A_378 = arith.constant 0.000000e+00 : f32
    %max3A_379 = vector.broadcast %max3A_378 : f32 to vector<64x64xf32>
    %max3A_380 = arith.maximumf %add3A_377, %max3A_379 : vector<64x64xf32>
    %get3A_381 = arith.index_cast %min3A_125 : i32 to index
    %get3A_382 = arith.constant 0 : index
    %get3A_383 = arith.constant 0 : index
    %get3A_384 = vector.load %arg4[%get3A_381, %get3A_382, %get3A_383] : memref<64x64x129xf32, #tpu.memory_space<vmem>>, vector<1x64x129xf32>
    %get3A_385 = vector.shape_cast %get3A_384 : vector<1x64x129xf32> to vector<64x129xf32>
    %add3A_386 = arith.addf %get3A_60, %get3A_385 : vector<64x129xf32>
    %get3A_387 = arith.constant 192 : index
    %get3A_388 = arith.constant 0 : index
    %get3A_389 = vector.load %arg1[%get3A_387, %get3A_388] : memref<1024x128xf32, #tpu.memory_space<vmem>>, vector<64x128xf32>
    %slice3A_390 = vector.extract_strided_slice %add3A_386 {offsets = [0, 0], sizes = [64, 128], strides = [1, 1]} : vector<64x129xf32> to vector<64x128xf32>
    %dot_general3A_391 = arith.constant dense<0.000000e+00> : vector<64x64xf32>
    %dot_general3A_392 = tpu.matmul %get3A_389, %slice3A_390, %dot_general3A_391 {dimension_numbers = #tpu.dot_dimension_numbers<[1], [1], [0], [0], [0, 0, 1, 0], [], []>, transpose_lhs_hint = false} : vector<64x128xf32>, vector<64x128xf32>, vector<64x64xf32> -> vector<64x64xf32>
    %get3A_393 = arith.index_cast %min3A_125 : i32 to index
    %get3A_394 = arith.constant 0 : index
    %get3A_395 = arith.constant 0 : index
    %get3A_396 = vector.load %arg5[%get3A_393, %get3A_394, %get3A_395] : memref<64x1x64xf32, #tpu.memory_space<vmem>>, vector<1x1x64xf32>
    %get3A_397 = vector.shape_cast %get3A_396 : vector<1x1x64xf32> to vector<1x64xf32>
    %add3A_398 = vector.broadcast %get3A_397 : vector<1x64xf32> to vector<64x64xf32>
    %add3A_399 = arith.addf %dot_general3A_392, %add3A_398 : vector<64x64xf32>
    %max3A_400 = arith.constant 0.000000e+00 : f32
    %max3A_401 = vector.broadcast %max3A_400 : f32 to vector<64x64xf32>
    %max3A_402 = arith.maximumf %add3A_399, %max3A_401 : vector<64x64xf32>
    %get3A_403 = arith.index_cast %min3A_141 : i32 to index
    %get3A_404 = arith.constant 0 : index
    %get3A_405 = arith.constant 0 : index
    %get3A_406 = vector.load %arg4[%get3A_403, %get3A_404, %get3A_405] : memref<64x64x129xf32, #tpu.memory_space<vmem>>, vector<1x64x129xf32>
    %get3A_407 = vector.shape_cast %get3A_406 : vector<1x64x129xf32> to vector<64x129xf32>
    %add3A_408 = arith.addf %get3A_60, %get3A_407 : vector<64x129xf32>
    %get3A_409 = arith.constant 256 : index
    %get3A_410 = arith.constant 0 : index
    %get3A_411 = vector.load %arg1[%get3A_409, %get3A_410] : memref<1024x128xf32, #tpu.memory_space<vmem>>, vector<64x128xf32>
    %slice3A_412 = vector.extract_strided_slice %add3A_408 {offsets = [0, 0], sizes = [64, 128], strides = [1, 1]} : vector<64x129xf32> to vector<64x128xf32>
    %dot_general3A_413 = arith.constant dense<0.000000e+00> : vector<64x64xf32>
    %dot_general3A_414 = tpu.matmul %get3A_411, %slice3A_412, %dot_general3A_413 {dimension_numbers = #tpu.dot_dimension_numbers<[1], [1], [0], [0], [0, 0, 1, 0], [], []>, transpose_lhs_hint = false} : vector<64x128xf32>, vector<64x128xf32>, vector<64x64xf32> -> vector<64x64xf32>
    %get3A_415 = arith.index_cast %min3A_141 : i32 to index
    %get3A_416 = arith.constant 0 : index
    %get3A_417 = arith.constant 0 : index
    %get3A_418 = vector.load %arg5[%get3A_415, %get3A_416, %get3A_417] : memref<64x1x64xf32, #tpu.memory_space<vmem>>, vector<1x1x64xf32>
    %get3A_419 = vector.shape_cast %get3A_418 : vector<1x1x64xf32> to vector<1x64xf32>
    %add3A_420 = vector.broadcast %get3A_419 : vector<1x64xf32> to vector<64x64xf32>
    %add3A_421 = arith.addf %dot_general3A_414, %add3A_420 : vector<64x64xf32>
    %max3A_422 = arith.constant 0.000000e+00 : f32
    %max3A_423 = vector.broadcast %max3A_422 : f32 to vector<64x64xf32>
    %max3A_424 = arith.maximumf %add3A_421, %max3A_423 : vector<64x64xf32>
    %get3A_425 = arith.index_cast %min3A_157 : i32 to index
    %get3A_426 = arith.constant 0 : index
    %get3A_427 = arith.constant 0 : index
    %get3A_428 = vector.load %arg4[%get3A_425, %get3A_426, %get3A_427] : memref<64x64x129xf32, #tpu.memory_space<vmem>>, vector<1x64x129xf32>
    %get3A_429 = vector.shape_cast %get3A_428 : vector<1x64x129xf32> to vector<64x129xf32>
    %add3A_430 = arith.addf %get3A_60, %get3A_429 : vector<64x129xf32>
    %get3A_431 = arith.constant 320 : index
    %get3A_432 = arith.constant 0 : index
    %get3A_433 = vector.load %arg1[%get3A_431, %get3A_432] : memref<1024x128xf32, #tpu.memory_space<vmem>>, vector<64x128xf32>
    %slice3A_434 = vector.extract_strided_slice %add3A_430 {offsets = [0, 0], sizes = [64, 128], strides = [1, 1]} : vector<64x129xf32> to vector<64x128xf32>
    %dot_general3A_435 = arith.constant dense<0.000000e+00> : vector<64x64xf32>
    %dot_general3A_436 = tpu.matmul %get3A_433, %slice3A_434, %dot_general3A_435 {dimension_numbers = #tpu.dot_dimension_numbers<[1], [1], [0], [0], [0, 0, 1, 0], [], []>, transpose_lhs_hint = false} : vector<64x128xf32>, vector<64x128xf32>, vector<64x64xf32> -> vector<64x64xf32>
    %get3A_437 = arith.index_cast %min3A_157 : i32 to index
    %get3A_438 = arith.constant 0 : index
    %get3A_439 = arith.constant 0 : index
    %get3A_440 = vector.load %arg5[%get3A_437, %get3A_438, %get3A_439] : memref<64x1x64xf32, #tpu.memory_space<vmem>>, vector<1x1x64xf32>
    %get3A_441 = vector.shape_cast %get3A_440 : vector<1x1x64xf32> to vector<1x64xf32>
    %add3A_442 = vector.broadcast %get3A_441 : vector<1x64xf32> to vector<64x64xf32>
    %add3A_443 = arith.addf %dot_general3A_436, %add3A_442 : vector<64x64xf32>
    %max3A_444 = arith.constant 0.000000e+00 : f32
    %max3A_445 = vector.broadcast %max3A_444 : f32 to vector<64x64xf32>
    %max3A_446 = arith.maximumf %add3A_443, %max3A_445 : vector<64x64xf32>
    %get3A_447 = arith.index_cast %min3A_173 : i32 to index
    %get3A_448 = arith.constant 0 : index
    %get3A_449 = arith.constant 0 : index
    %get3A_450 = vector.load %arg4[%get3A_447, %get3A_448, %get3A_449] : memref<64x64x129xf32, #tpu.memory_space<vmem>>, vector<1x64x129xf32>
    %get3A_451 = vector.shape_cast %get3A_450 : vector<1x64x129xf32> to vector<64x129xf32>
    %add3A_452 = arith.addf %get3A_60, %get3A_451 : vector<64x129xf32>
    %get3A_453 = arith.constant 384 : index
    %get3A_454 = arith.constant 0 : index
    %get3A_455 = vector.load %arg1[%get3A_453, %get3A_454] : memref<1024x128xf32, #tpu.memory_space<vmem>>, vector<64x128xf32>
    %slice3A_456 = vector.extract_strided_slice %add3A_452 {offsets = [0, 0], sizes = [64, 128], strides = [1, 1]} : vector<64x129xf32> to vector<64x128xf32>
    %dot_general3A_457 = arith.constant dense<0.000000e+00> : vector<64x64xf32>
    %dot_general3A_458 = tpu.matmul %get3A_455, %slice3A_456, %dot_general3A_457 {dimension_numbers = #tpu.dot_dimension_numbers<[1], [1], [0], [0], [0, 0, 1, 0], [], []>, transpose_lhs_hint = false} : vector<64x128xf32>, vector<64x128xf32>, vector<64x64xf32> -> vector<64x64xf32>
    %get3A_459 = arith.index_cast %min3A_173 : i32 to index
    %get3A_460 = arith.constant 0 : index
    %get3A_461 = arith.constant 0 : index
    %get3A_462 = vector.load %arg5[%get3A_459, %get3A_460, %get3A_461] : memref<64x1x64xf32, #tpu.memory_space<vmem>>, vector<1x1x64xf32>
    %get3A_463 = vector.shape_cast %get3A_462 : vector<1x1x64xf32> to vector<1x64xf32>
    %add3A_464 = vector.broadcast %get3A_463 : vector<1x64xf32> to vector<64x64xf32>
    %add3A_465 = arith.addf %dot_general3A_458, %add3A_464 : vector<64x64xf32>
    %max3A_466 = arith.constant 0.000000e+00 : f32
    %max3A_467 = vector.broadcast %max3A_466 : f32 to vector<64x64xf32>
    %max3A_468 = arith.maximumf %add3A_465, %max3A_467 : vector<64x64xf32>
    %get3A_469 = arith.index_cast %min3A_189 : i32 to index
    %get3A_470 = arith.constant 0 : index
    %get3A_471 = arith.constant 0 : index
    %get3A_472 = vector.load %arg4[%get3A_469, %get3A_470, %get3A_471] : memref<64x64x129xf32, #tpu.memory_space<vmem>>, vector<1x64x129xf32>
    %get3A_473 = vector.shape_cast %get3A_472 : vector<1x64x129xf32> to vector<64x129xf32>
    %add3A_474 = arith.addf %get3A_60, %get3A_473 : vector<64x129xf32>
    %get3A_475 = arith.constant 448 : index
    %get3A_476 = arith.constant 0 : index
    %get3A_477 = vector.load %arg1[%get3A_475, %get3A_476] : memref<1024x128xf32, #tpu.memory_space<vmem>>, vector<64x128xf32>
    %slice3A_478 = vector.extract_strided_slice %add3A_474 {offsets = [0, 0], sizes = [64, 128], strides = [1, 1]} : vector<64x129xf32> to vector<64x128xf32>
    %dot_general3A_479 = arith.constant dense<0.000000e+00> : vector<64x64xf32>
    %dot_general3A_480 = tpu.matmul %get3A_477, %slice3A_478, %dot_general3A_479 {dimension_numbers = #tpu.dot_dimension_numbers<[1], [1], [0], [0], [0, 0, 1, 0], [], []>, transpose_lhs_hint = false} : vector<64x128xf32>, vector<64x128xf32>, vector<64x64xf32> -> vector<64x64xf32>
    %get3A_481 = arith.index_cast %min3A_189 : i32 to index
    %get3A_482 = arith.constant 0 : index
    %get3A_483 = arith.constant 0 : index
    %get3A_484 = vector.load %arg5[%get3A_481, %get3A_482, %get3A_483] : memref<64x1x64xf32, #tpu.memory_space<vmem>>, vector<1x1x64xf32>
    %get3A_485 = vector.shape_cast %get3A_484 : vector<1x1x64xf32> to vector<1x64xf32>
    %add3A_486 = vector.broadcast %get3A_485 : vector<1x64xf32> to vector<64x64xf32>
    %add3A_487 = arith.addf %dot_general3A_480, %add3A_486 : vector<64x64xf32>
    %max3A_488 = arith.constant 0.000000e+00 : f32
    %max3A_489 = vector.broadcast %max3A_488 : f32 to vector<64x64xf32>
    %max3A_490 = arith.maximumf %add3A_487, %max3A_489 : vector<64x64xf32>
    %get3A_491 = arith.index_cast %min3A_205 : i32 to index
    %get3A_492 = arith.constant 0 : index
    %get3A_493 = arith.constant 0 : index
    %get3A_494 = vector.load %arg4[%get3A_491, %get3A_492, %get3A_493] : memref<64x64x129xf32, #tpu.memory_space<vmem>>, vector<1x64x129xf32>
    %get3A_495 = vector.shape_cast %get3A_494 : vector<1x64x129xf32> to vector<64x129xf32>
    %add3A_496 = arith.addf %get3A_60, %get3A_495 : vector<64x129xf32>
    %get3A_497 = arith.constant 512 : index
    %get3A_498 = arith.constant 0 : index
    %get3A_499 = vector.load %arg1[%get3A_497, %get3A_498] : memref<1024x128xf32, #tpu.memory_space<vmem>>, vector<64x128xf32>
    %slice3A_500 = vector.extract_strided_slice %add3A_496 {offsets = [0, 0], sizes = [64, 128], strides = [1, 1]} : vector<64x129xf32> to vector<64x128xf32>
    %dot_general3A_501 = arith.constant dense<0.000000e+00> : vector<64x64xf32>
    %dot_general3A_502 = tpu.matmul %get3A_499, %slice3A_500, %dot_general3A_501 {dimension_numbers = #tpu.dot_dimension_numbers<[1], [1], [0], [0], [0, 0, 1, 0], [], []>, transpose_lhs_hint = false} : vector<64x128xf32>, vector<64x128xf32>, vector<64x64xf32> -> vector<64x64xf32>
    %get3A_503 = arith.index_cast %min3A_205 : i32 to index
    %get3A_504 = arith.constant 0 : index
    %get3A_505 = arith.constant 0 : index
    %get3A_506 = vector.load %arg5[%get3A_503, %get3A_504, %get3A_505] : memref<64x1x64xf32, #tpu.memory_space<vmem>>, vector<1x1x64xf32>
    %get3A_507 = vector.shape_cast %get3A_506 : vector<1x1x64xf32> to vector<1x64xf32>
    %add3A_508 = vector.broadcast %get3A_507 : vector<1x64xf32> to vector<64x64xf32>
    %add3A_509 = arith.addf %dot_general3A_502, %add3A_508 : vector<64x64xf32>
    %max3A_510 = arith.constant 0.000000e+00 : f32
    %max3A_511 = vector.broadcast %max3A_510 : f32 to vector<64x64xf32>
    %max3A_512 = arith.maximumf %add3A_509, %max3A_511 : vector<64x64xf32>
    %get3A_513 = arith.index_cast %min3A_221 : i32 to index
    %get3A_514 = arith.constant 0 : index
    %get3A_515 = arith.constant 0 : index
    %get3A_516 = vector.load %arg4[%get3A_513, %get3A_514, %get3A_515] : memref<64x64x129xf32, #tpu.memory_space<vmem>>, vector<1x64x129xf32>
    %get3A_517 = vector.shape_cast %get3A_516 : vector<1x64x129xf32> to vector<64x129xf32>
    %add3A_518 = arith.addf %get3A_60, %get3A_517 : vector<64x129xf32>
    %get3A_519 = arith.constant 576 : index
    %get3A_520 = arith.constant 0 : index
    %get3A_521 = vector.load %arg1[%get3A_519, %get3A_520] : memref<1024x128xf32, #tpu.memory_space<vmem>>, vector<64x128xf32>
    %slice3A_522 = vector.extract_strided_slice %add3A_518 {offsets = [0, 0], sizes = [64, 128], strides = [1, 1]} : vector<64x129xf32> to vector<64x128xf32>
    %dot_general3A_523 = arith.constant dense<0.000000e+00> : vector<64x64xf32>
    %dot_general3A_524 = tpu.matmul %get3A_521, %slice3A_522, %dot_general3A_523 {dimension_numbers = #tpu.dot_dimension_numbers<[1], [1], [0], [0], [0, 0, 1, 0], [], []>, transpose_lhs_hint = false} : vector<64x128xf32>, vector<64x128xf32>, vector<64x64xf32> -> vector<64x64xf32>
    %get3A_525 = arith.index_cast %min3A_221 : i32 to index
    %get3A_526 = arith.constant 0 : index
    %get3A_527 = arith.constant 0 : index
    %get3A_528 = vector.load %arg5[%get3A_525, %get3A_526, %get3A_527] : memref<64x1x64xf32, #tpu.memory_space<vmem>>, vector<1x1x64xf32>
    %get3A_529 = vector.shape_cast %get3A_528 : vector<1x1x64xf32> to vector<1x64xf32>
    %add3A_530 = vector.broadcast %get3A_529 : vector<1x64xf32> to vector<64x64xf32>
    %add3A_531 = arith.addf %dot_general3A_524, %add3A_530 : vector<64x64xf32>
    %max3A_532 = arith.constant 0.000000e+00 : f32
    %max3A_533 = vector.broadcast %max3A_532 : f32 to vector<64x64xf32>
    %max3A_534 = arith.maximumf %add3A_531, %max3A_533 : vector<64x64xf32>
    %get3A_535 = arith.index_cast %min3A_237 : i32 to index
    %get3A_536 = arith.constant 0 : index
    %get3A_537 = arith.constant 0 : index
    %get3A_538 = vector.load %arg4[%get3A_535, %get3A_536, %get3A_537] : memref<64x64x129xf32, #tpu.memory_space<vmem>>, vector<1x64x129xf32>
    %get3A_539 = vector.shape_cast %get3A_538 : vector<1x64x129xf32> to vector<64x129xf32>
    %add3A_540 = arith.addf %get3A_60, %get3A_539 : vector<64x129xf32>
    %get3A_541 = arith.constant 640 : index
    %get3A_542 = arith.constant 0 : index
    %get3A_543 = vector.load %arg1[%get3A_541, %get3A_542] : memref<1024x128xf32, #tpu.memory_space<vmem>>, vector<64x128xf32>
    %slice3A_544 = vector.extract_strided_slice %add3A_540 {offsets = [0, 0], sizes = [64, 128], strides = [1, 1]} : vector<64x129xf32> to vector<64x128xf32>
    %dot_general3A_545 = arith.constant dense<0.000000e+00> : vector<64x64xf32>
    %dot_general3A_546 = tpu.matmul %get3A_543, %slice3A_544, %dot_general3A_545 {dimension_numbers = #tpu.dot_dimension_numbers<[1], [1], [0], [0], [0, 0, 1, 0], [], []>, transpose_lhs_hint = false} : vector<64x128xf32>, vector<64x128xf32>, vector<64x64xf32> -> vector<64x64xf32>
    %get3A_547 = arith.index_cast %min3A_237 : i32 to index
    %get3A_548 = arith.constant 0 : index
    %get3A_549 = arith.constant 0 : index
    %get3A_550 = vector.load %arg5[%get3A_547, %get3A_548, %get3A_549] : memref<64x1x64xf32, #tpu.memory_space<vmem>>, vector<1x1x64xf32>
    %get3A_551 = vector.shape_cast %get3A_550 : vector<1x1x64xf32> to vector<1x64xf32>
    %add3A_552 = vector.broadcast %get3A_551 : vector<1x64xf32> to vector<64x64xf32>
    %add3A_553 = arith.addf %dot_general3A_546, %add3A_552 : vector<64x64xf32>
    %max3A_554 = arith.constant 0.000000e+00 : f32
    %max3A_555 = vector.broadcast %max3A_554 : f32 to vector<64x64xf32>
    %max3A_556 = arith.maximumf %add3A_553, %max3A_555 : vector<64x64xf32>
    %get3A_557 = arith.index_cast %min3A_253 : i32 to index
    %get3A_558 = arith.constant 0 : index
    %get3A_559 = arith.constant 0 : index
    %get3A_560 = vector.load %arg4[%get3A_557, %get3A_558, %get3A_559] : memref<64x64x129xf32, #tpu.memory_space<vmem>>, vector<1x64x129xf32>
    %get3A_561 = vector.shape_cast %get3A_560 : vector<1x64x129xf32> to vector<64x129xf32>
    %add3A_562 = arith.addf %get3A_60, %get3A_561 : vector<64x129xf32>
    %get3A_563 = arith.constant 704 : index
    %get3A_564 = arith.constant 0 : index
    %get3A_565 = vector.load %arg1[%get3A_563, %get3A_564] : memref<1024x128xf32, #tpu.memory_space<vmem>>, vector<64x128xf32>
    %slice3A_566 = vector.extract_strided_slice %add3A_562 {offsets = [0, 0], sizes = [64, 128], strides = [1, 1]} : vector<64x129xf32> to vector<64x128xf32>
    %dot_general3A_567 = arith.constant dense<0.000000e+00> : vector<64x64xf32>
    %dot_general3A_568 = tpu.matmul %get3A_565, %slice3A_566, %dot_general3A_567 {dimension_numbers = #tpu.dot_dimension_numbers<[1], [1], [0], [0], [0, 0, 1, 0], [], []>, transpose_lhs_hint = false} : vector<64x128xf32>, vector<64x128xf32>, vector<64x64xf32> -> vector<64x64xf32>
    %get3A_569 = arith.index_cast %min3A_253 : i32 to index
    %get3A_570 = arith.constant 0 : index
    %get3A_571 = arith.constant 0 : index
    %get3A_572 = vector.load %arg5[%get3A_569, %get3A_570, %get3A_571] : memref<64x1x64xf32, #tpu.memory_space<vmem>>, vector<1x1x64xf32>
    %get3A_573 = vector.shape_cast %get3A_572 : vector<1x1x64xf32> to vector<1x64xf32>
    %add3A_574 = vector.broadcast %get3A_573 : vector<1x64xf32> to vector<64x64xf32>
    %add3A_575 = arith.addf %dot_general3A_568, %add3A_574 : vector<64x64xf32>
    %max3A_576 = arith.constant 0.000000e+00 : f32
    %max3A_577 = vector.broadcast %max3A_576 : f32 to vector<64x64xf32>
    %max3A_578 = arith.maximumf %add3A_575, %max3A_577 : vector<64x64xf32>
    %get3A_579 = arith.index_cast %min3A_269 : i32 to index
    %get3A_580 = arith.constant 0 : index
    %get3A_581 = arith.constant 0 : index
    %get3A_582 = vector.load %arg4[%get3A_579, %get3A_580, %get3A_581] : memref<64x64x129xf32, #tpu.memory_space<vmem>>, vector<1x64x129xf32>
    %get3A_583 = vector.shape_cast %get3A_582 : vector<1x64x129xf32> to vector<64x129xf32>
    %add3A_584 = arith.addf %get3A_60, %get3A_583 : vector<64x129xf32>
    %get3A_585 = arith.constant 768 : index
    %get3A_586 = arith.constant 0 : index
    %get3A_587 = vector.load %arg1[%get3A_585, %get3A_586] : memref<1024x128xf32, #tpu.memory_space<vmem>>, vector<64x128xf32>
    %slice3A_588 = vector.extract_strided_slice %add3A_584 {offsets = [0, 0], sizes = [64, 128], strides = [1, 1]} : vector<64x129xf32> to vector<64x128xf32>
    %dot_general3A_589 = arith.constant dense<0.000000e+00> : vector<64x64xf32>
    %dot_general3A_590 = tpu.matmul %get3A_587, %slice3A_588, %dot_general3A_589 {dimension_numbers = #tpu.dot_dimension_numbers<[1], [1], [0], [0], [0, 0, 1, 0], [], []>, transpose_lhs_hint = false} : vector<64x128xf32>, vector<64x128xf32>, vector<64x64xf32> -> vector<64x64xf32>
    %get3A_591 = arith.index_cast %min3A_269 : i32 to index
    %get3A_592 = arith.constant 0 : index
    %get3A_593 = arith.constant 0 : index
    %get3A_594 = vector.load %arg5[%get3A_591, %get3A_592, %get3A_593] : memref<64x1x64xf32, #tpu.memory_space<vmem>>, vector<1x1x64xf32>
    %get3A_595 = vector.shape_cast %get3A_594 : vector<1x1x64xf32> to vector<1x64xf32>
    %add3A_596 = vector.broadcast %get3A_595 : vector<1x64xf32> to vector<64x64xf32>
    %add3A_597 = arith.addf %dot_general3A_590, %add3A_596 : vector<64x64xf32>
    %max3A_598 = arith.constant 0.000000e+00 : f32
    %max3A_599 = vector.broadcast %max3A_598 : f32 to vector<64x64xf32>
    %max3A_600 = arith.maximumf %add3A_597, %max3A_599 : vector<64x64xf32>
    %get3A_601 = arith.index_cast %min3A_285 : i32 to index
    %get3A_602 = arith.constant 0 : index
    %get3A_603 = arith.constant 0 : index
    %get3A_604 = vector.load %arg4[%get3A_601, %get3A_602, %get3A_603] : memref<64x64x129xf32, #tpu.memory_space<vmem>>, vector<1x64x129xf32>
    %get3A_605 = vector.shape_cast %get3A_604 : vector<1x64x129xf32> to vector<64x129xf32>
    %add3A_606 = arith.addf %get3A_60, %get3A_605 : vector<64x129xf32>
    %get3A_607 = arith.constant 832 : index
    %get3A_608 = arith.constant 0 : index
    %get3A_609 = vector.load %arg1[%get3A_607, %get3A_608] : memref<1024x128xf32, #tpu.memory_space<vmem>>, vector<64x128xf32>
    %slice3A_610 = vector.extract_strided_slice %add3A_606 {offsets = [0, 0], sizes = [64, 128], strides = [1, 1]} : vector<64x129xf32> to vector<64x128xf32>
    %dot_general3A_611 = arith.constant dense<0.000000e+00> : vector<64x64xf32>
    %dot_general3A_612 = tpu.matmul %get3A_609, %slice3A_610, %dot_general3A_611 {dimension_numbers = #tpu.dot_dimension_numbers<[1], [1], [0], [0], [0, 0, 1, 0], [], []>, transpose_lhs_hint = false} : vector<64x128xf32>, vector<64x128xf32>, vector<64x64xf32> -> vector<64x64xf32>
    %get3A_613 = arith.index_cast %min3A_285 : i32 to index
    %get3A_614 = arith.constant 0 : index
    %get3A_615 = arith.constant 0 : index
    %get3A_616 = vector.load %arg5[%get3A_613, %get3A_614, %get3A_615] : memref<64x1x64xf32, #tpu.memory_space<vmem>>, vector<1x1x64xf32>
    %get3A_617 = vector.shape_cast %get3A_616 : vector<1x1x64xf32> to vector<1x64xf32>
    %add3A_618 = vector.broadcast %get3A_617 : vector<1x64xf32> to vector<64x64xf32>
    %add3A_619 = arith.addf %dot_general3A_612, %add3A_618 : vector<64x64xf32>
    %max3A_620 = arith.constant 0.000000e+00 : f32
    %max3A_621 = vector.broadcast %max3A_620 : f32 to vector<64x64xf32>
    %max3A_622 = arith.maximumf %add3A_619, %max3A_621 : vector<64x64xf32>
    %get3A_623 = arith.index_cast %min3A_301 : i32 to index
    %get3A_624 = arith.constant 0 : index
    %get3A_625 = arith.constant 0 : index
    %get3A_626 = vector.load %arg4[%get3A_623, %get3A_624, %get3A_625] : memref<64x64x129xf32, #tpu.memory_space<vmem>>, vector<1x64x129xf32>
    %get3A_627 = vector.shape_cast %get3A_626 : vector<1x64x129xf32> to vector<64x129xf32>
    %add3A_628 = arith.addf %get3A_60, %get3A_627 : vector<64x129xf32>
    %get3A_629 = arith.constant 896 : index
    %get3A_630 = arith.constant 0 : index
    %get3A_631 = vector.load %arg1[%get3A_629, %get3A_630] : memref<1024x128xf32, #tpu.memory_space<vmem>>, vector<64x128xf32>
    %slice3A_632 = vector.extract_strided_slice %add3A_628 {offsets = [0, 0], sizes = [64, 128], strides = [1, 1]} : vector<64x129xf32> to vector<64x128xf32>
    %dot_general3A_633 = arith.constant dense<0.000000e+00> : vector<64x64xf32>
    %dot_general3A_634 = tpu.matmul %get3A_631, %slice3A_632, %dot_general3A_633 {dimension_numbers = #tpu.dot_dimension_numbers<[1], [1], [0], [0], [0, 0, 1, 0], [], []>, transpose_lhs_hint = false} : vector<64x128xf32>, vector<64x128xf32>, vector<64x64xf32> -> vector<64x64xf32>
    %get3A_635 = arith.index_cast %min3A_301 : i32 to index
    %get3A_636 = arith.constant 0 : index
    %get3A_637 = arith.constant 0 : index
    %get3A_638 = vector.load %arg5[%get3A_635, %get3A_636, %get3A_637] : memref<64x1x64xf32, #tpu.memory_space<vmem>>, vector<1x1x64xf32>
    %get3A_639 = vector.shape_cast %get3A_638 : vector<1x1x64xf32> to vector<1x64xf32>
    %add3A_640 = vector.broadcast %get3A_639 : vector<1x64xf32> to vector<64x64xf32>
    %add3A_641 = arith.addf %dot_general3A_634, %add3A_640 : vector<64x64xf32>
    %max3A_642 = arith.constant 0.000000e+00 : f32
    %max3A_643 = vector.broadcast %max3A_642 : f32 to vector<64x64xf32>
    %max3A_644 = arith.maximumf %add3A_641, %max3A_643 : vector<64x64xf32>
    %get3A_645 = arith.index_cast %min3A_317 : i32 to index
    %get3A_646 = arith.constant 0 : index
    %get3A_647 = arith.constant 0 : index
    %get3A_648 = vector.load %arg4[%get3A_645, %get3A_646, %get3A_647] : memref<64x64x129xf32, #tpu.memory_space<vmem>>, vector<1x64x129xf32>
    %get3A_649 = vector.shape_cast %get3A_648 : vector<1x64x129xf32> to vector<64x129xf32>
    %add3A_650 = arith.addf %get3A_60, %get3A_649 : vector<64x129xf32>
    %get3A_651 = arith.constant 960 : index
    %get3A_652 = arith.constant 0 : index
    %get3A_653 = vector.load %arg1[%get3A_651, %get3A_652] : memref<1024x128xf32, #tpu.memory_space<vmem>>, vector<64x128xf32>
    %slice3A_654 = vector.extract_strided_slice %add3A_650 {offsets = [0, 0], sizes = [64, 128], strides = [1, 1]} : vector<64x129xf32> to vector<64x128xf32>
    %dot_general3A_655 = arith.constant dense<0.000000e+00> : vector<64x64xf32>
    %dot_general3A_656 = tpu.matmul %get3A_653, %slice3A_654, %dot_general3A_655 {dimension_numbers = #tpu.dot_dimension_numbers<[1], [1], [0], [0], [0, 0, 1, 0], [], []>, transpose_lhs_hint = false} : vector<64x128xf32>, vector<64x128xf32>, vector<64x64xf32> -> vector<64x64xf32>
    %get3A_657 = arith.index_cast %min3A_317 : i32 to index
    %get3A_658 = arith.constant 0 : index
    %get3A_659 = arith.constant 0 : index
    %get3A_660 = vector.load %arg5[%get3A_657, %get3A_658, %get3A_659] : memref<64x1x64xf32, #tpu.memory_space<vmem>>, vector<1x1x64xf32>
    %get3A_661 = vector.shape_cast %get3A_660 : vector<1x1x64xf32> to vector<1x64xf32>
    %add3A_662 = vector.broadcast %get3A_661 : vector<1x64xf32> to vector<64x64xf32>
    %add3A_663 = arith.addf %dot_general3A_656, %add3A_662 : vector<64x64xf32>
    %max3A_664 = arith.constant 0.000000e+00 : f32
    %max3A_665 = vector.broadcast %max3A_664 : f32 to vector<64x64xf32>
    %max3A_666 = arith.maximumf %add3A_663, %max3A_665 : vector<64x64xf32>
    %get3A_667 = arith.index_cast %min3A_77 : i32 to index
    %get3A_668 = arith.constant 0 : index
    %get3A_669 = arith.constant 0 : index
    %get3A_670 = vector.load %arg7[%get3A_667, %get3A_668, %get3A_669] : memref<64x64x65xf32, #tpu.memory_space<vmem>>, vector<1x64x65xf32>
    %get3A_671 = vector.shape_cast %get3A_670 : vector<1x64x65xf32> to vector<64x65xf32>
    %add3A_672 = arith.addf %get3A_63, %get3A_671 : vector<64x65xf32>
    %slice3A_673 = vector.extract_strided_slice %add3A_672 {offsets = [0, 0], sizes = [64, 64], strides = [1, 1]} : vector<64x65xf32> to vector<64x64xf32>
    %dot_general3A_674 = arith.constant dense<0.000000e+00> : vector<64x64xf32>
    %dot_general3A_675 = tpu.matmul %max3A_336, %slice3A_673, %dot_general3A_674 {dimension_numbers = #tpu.dot_dimension_numbers<[1], [1], [0], [0], [0, 0, 1, 0], [], []>, transpose_lhs_hint = false} : vector<64x64xf32>, vector<64x64xf32>, vector<64x64xf32> -> vector<64x64xf32>
    %get3A_676 = arith.index_cast %min3A_77 : i32 to index
    %get3A_677 = arith.constant 0 : index
    %get3A_678 = arith.constant 0 : index
    %get3A_679 = vector.load %arg8[%get3A_676, %get3A_677, %get3A_678] : memref<64x1x64xf32, #tpu.memory_space<vmem>>, vector<1x1x64xf32>
    %get3A_680 = vector.shape_cast %get3A_679 : vector<1x1x64xf32> to vector<1x64xf32>
    %add3A_681 = vector.broadcast %get3A_680 : vector<1x64xf32> to vector<64x64xf32>
    %add3A_682 = arith.addf %dot_general3A_675, %add3A_681 : vector<64x64xf32>
    %max3A_683 = arith.constant 0.000000e+00 : f32
    %max3A_684 = vector.broadcast %max3A_683 : f32 to vector<64x64xf32>
    %max3A_685 = arith.maximumf %add3A_682, %max3A_684 : vector<64x64xf32>
    %get3A_686 = arith.index_cast %min3A_93 : i32 to index
    %get3A_687 = arith.constant 0 : index
    %get3A_688 = arith.constant 0 : index
    %get3A_689 = vector.load %arg7[%get3A_686, %get3A_687, %get3A_688] : memref<64x64x65xf32, #tpu.memory_space<vmem>>, vector<1x64x65xf32>
    %get3A_690 = vector.shape_cast %get3A_689 : vector<1x64x65xf32> to vector<64x65xf32>
    %add3A_691 = arith.addf %get3A_63, %get3A_690 : vector<64x65xf32>
    %slice3A_692 = vector.extract_strided_slice %add3A_691 {offsets = [0, 0], sizes = [64, 64], strides = [1, 1]} : vector<64x65xf32> to vector<64x64xf32>
    %dot_general3A_693 = arith.constant dense<0.000000e+00> : vector<64x64xf32>
    %dot_general3A_694 = tpu.matmul %max3A_358, %slice3A_692, %dot_general3A_693 {dimension_numbers = #tpu.dot_dimension_numbers<[1], [1], [0], [0], [0, 0, 1, 0], [], []>, transpose_lhs_hint = false} : vector<64x64xf32>, vector<64x64xf32>, vector<64x64xf32> -> vector<64x64xf32>
    %get3A_695 = arith.index_cast %min3A_93 : i32 to index
    %get3A_696 = arith.constant 0 : index
    %get3A_697 = arith.constant 0 : index
    %get3A_698 = vector.load %arg8[%get3A_695, %get3A_696, %get3A_697] : memref<64x1x64xf32, #tpu.memory_space<vmem>>, vector<1x1x64xf32>
    %get3A_699 = vector.shape_cast %get3A_698 : vector<1x1x64xf32> to vector<1x64xf32>
    %add3A_700 = vector.broadcast %get3A_699 : vector<1x64xf32> to vector<64x64xf32>
    %add3A_701 = arith.addf %dot_general3A_694, %add3A_700 : vector<64x64xf32>
    %max3A_702 = arith.constant 0.000000e+00 : f32
    %max3A_703 = vector.broadcast %max3A_702 : f32 to vector<64x64xf32>
    %max3A_704 = arith.maximumf %add3A_701, %max3A_703 : vector<64x64xf32>
    %get3A_705 = arith.index_cast %min3A_109 : i32 to index
    %get3A_706 = arith.constant 0 : index
    %get3A_707 = arith.constant 0 : index
    %get3A_708 = vector.load %arg7[%get3A_705, %get3A_706, %get3A_707] : memref<64x64x65xf32, #tpu.memory_space<vmem>>, vector<1x64x65xf32>
    %get3A_709 = vector.shape_cast %get3A_708 : vector<1x64x65xf32> to vector<64x65xf32>
    %add3A_710 = arith.addf %get3A_63, %get3A_709 : vector<64x65xf32>
    %slice3A_711 = vector.extract_strided_slice %add3A_710 {offsets = [0, 0], sizes = [64, 64], strides = [1, 1]} : vector<64x65xf32> to vector<64x64xf32>
    %dot_general3A_712 = arith.constant dense<0.000000e+00> : vector<64x64xf32>
    %dot_general3A_713 = tpu.matmul %max3A_380, %slice3A_711, %dot_general3A_712 {dimension_numbers = #tpu.dot_dimension_numbers<[1], [1], [0], [0], [0, 0, 1, 0], [], []>, transpose_lhs_hint = false} : vector<64x64xf32>, vector<64x64xf32>, vector<64x64xf32> -> vector<64x64xf32>
    %get3A_714 = arith.index_cast %min3A_109 : i32 to index
    %get3A_715 = arith.constant 0 : index
    %get3A_716 = arith.constant 0 : index
    %get3A_717 = vector.load %arg8[%get3A_714, %get3A_715, %get3A_716] : memref<64x1x64xf32, #tpu.memory_space<vmem>>, vector<1x1x64xf32>
    %get3A_718 = vector.shape_cast %get3A_717 : vector<1x1x64xf32> to vector<1x64xf32>
    %add3A_719 = vector.broadcast %get3A_718 : vector<1x64xf32> to vector<64x64xf32>
    %add3A_720 = arith.addf %dot_general3A_713, %add3A_719 : vector<64x64xf32>
    %max3A_721 = arith.constant 0.000000e+00 : f32
    %max3A_722 = vector.broadcast %max3A_721 : f32 to vector<64x64xf32>
    %max3A_723 = arith.maximumf %add3A_720, %max3A_722 : vector<64x64xf32>
    %get3A_724 = arith.index_cast %min3A_125 : i32 to index
    %get3A_725 = arith.constant 0 : index
    %get3A_726 = arith.constant 0 : index
    %get3A_727 = vector.load %arg7[%get3A_724, %get3A_725, %get3A_726] : memref<64x64x65xf32, #tpu.memory_space<vmem>>, vector<1x64x65xf32>
    %get3A_728 = vector.shape_cast %get3A_727 : vector<1x64x65xf32> to vector<64x65xf32>
    %add3A_729 = arith.addf %get3A_63, %get3A_728 : vector<64x65xf32>
    %slice3A_730 = vector.extract_strided_slice %add3A_729 {offsets = [0, 0], sizes = [64, 64], strides = [1, 1]} : vector<64x65xf32> to vector<64x64xf32>
    %dot_general3A_731 = arith.constant dense<0.000000e+00> : vector<64x64xf32>
    %dot_general3A_732 = tpu.matmul %max3A_402, %slice3A_730, %dot_general3A_731 {dimension_numbers = #tpu.dot_dimension_numbers<[1], [1], [0], [0], [0, 0, 1, 0], [], []>, transpose_lhs_hint = false} : vector<64x64xf32>, vector<64x64xf32>, vector<64x64xf32> -> vector<64x64xf32>
    %get3A_733 = arith.index_cast %min3A_125 : i32 to index
    %get3A_734 = arith.constant 0 : index
    %get3A_735 = arith.constant 0 : index
    %get3A_736 = vector.load %arg8[%get3A_733, %get3A_734, %get3A_735] : memref<64x1x64xf32, #tpu.memory_space<vmem>>, vector<1x1x64xf32>
    %get3A_737 = vector.shape_cast %get3A_736 : vector<1x1x64xf32> to vector<1x64xf32>
    %add3A_738 = vector.broadcast %get3A_737 : vector<1x64xf32> to vector<64x64xf32>
    %add3A_739 = arith.addf %dot_general3A_732, %add3A_738 : vector<64x64xf32>
    %max3A_740 = arith.constant 0.000000e+00 : f32
    %max3A_741 = vector.broadcast %max3A_740 : f32 to vector<64x64xf32>
    %max3A_742 = arith.maximumf %add3A_739, %max3A_741 : vector<64x64xf32>
    %get3A_743 = arith.index_cast %min3A_141 : i32 to index
    %get3A_744 = arith.constant 0 : index
    %get3A_745 = arith.constant 0 : index
    %get3A_746 = vector.load %arg7[%get3A_743, %get3A_744, %get3A_745] : memref<64x64x65xf32, #tpu.memory_space<vmem>>, vector<1x64x65xf32>
    %get3A_747 = vector.shape_cast %get3A_746 : vector<1x64x65xf32> to vector<64x65xf32>
    %add3A_748 = arith.addf %get3A_63, %get3A_747 : vector<64x65xf32>
    %slice3A_749 = vector.extract_strided_slice %add3A_748 {offsets = [0, 0], sizes = [64, 64], strides = [1, 1]} : vector<64x65xf32> to vector<64x64xf32>
    %dot_general3A_750 = arith.constant dense<0.000000e+00> : vector<64x64xf32>
    %dot_general3A_751 = tpu.matmul %max3A_424, %slice3A_749, %dot_general3A_750 {dimension_numbers = #tpu.dot_dimension_numbers<[1], [1], [0], [0], [0, 0, 1, 0], [], []>, transpose_lhs_hint = false} : vector<64x64xf32>, vector<64x64xf32>, vector<64x64xf32> -> vector<64x64xf32>
    %get3A_752 = arith.index_cast %min3A_141 : i32 to index
    %get3A_753 = arith.constant 0 : index
    %get3A_754 = arith.constant 0 : index
    %get3A_755 = vector.load %arg8[%get3A_752, %get3A_753, %get3A_754] : memref<64x1x64xf32, #tpu.memory_space<vmem>>, vector<1x1x64xf32>
    %get3A_756 = vector.shape_cast %get3A_755 : vector<1x1x64xf32> to vector<1x64xf32>
    %add3A_757 = vector.broadcast %get3A_756 : vector<1x64xf32> to vector<64x64xf32>
    %add3A_758 = arith.addf %dot_general3A_751, %add3A_757 : vector<64x64xf32>
    %max3A_759 = arith.constant 0.000000e+00 : f32
    %max3A_760 = vector.broadcast %max3A_759 : f32 to vector<64x64xf32>
    %max3A_761 = arith.maximumf %add3A_758, %max3A_760 : vector<64x64xf32>
    %get3A_762 = arith.index_cast %min3A_157 : i32 to index
    %get3A_763 = arith.constant 0 : index
    %get3A_764 = arith.constant 0 : index
    %get3A_765 = vector.load %arg7[%get3A_762, %get3A_763, %get3A_764] : memref<64x64x65xf32, #tpu.memory_space<vmem>>, vector<1x64x65xf32>
    %get3A_766 = vector.shape_cast %get3A_765 : vector<1x64x65xf32> to vector<64x65xf32>
    %add3A_767 = arith.addf %get3A_63, %get3A_766 : vector<64x65xf32>
    %slice3A_768 = vector.extract_strided_slice %add3A_767 {offsets = [0, 0], sizes = [64, 64], strides = [1, 1]} : vector<64x65xf32> to vector<64x64xf32>
    %dot_general3A_769 = arith.constant dense<0.000000e+00> : vector<64x64xf32>
    %dot_general3A_770 = tpu.matmul %max3A_446, %slice3A_768, %dot_general3A_769 {dimension_numbers = #tpu.dot_dimension_numbers<[1], [1], [0], [0], [0, 0, 1, 0], [], []>, transpose_lhs_hint = false} : vector<64x64xf32>, vector<64x64xf32>, vector<64x64xf32> -> vector<64x64xf32>
    %get3A_771 = arith.index_cast %min3A_157 : i32 to index
    %get3A_772 = arith.constant 0 : index
    %get3A_773 = arith.constant 0 : index
    %get3A_774 = vector.load %arg8[%get3A_771, %get3A_772, %get3A_773] : memref<64x1x64xf32, #tpu.memory_space<vmem>>, vector<1x1x64xf32>
    %get3A_775 = vector.shape_cast %get3A_774 : vector<1x1x64xf32> to vector<1x64xf32>
    %add3A_776 = vector.broadcast %get3A_775 : vector<1x64xf32> to vector<64x64xf32>
    %add3A_777 = arith.addf %dot_general3A_770, %add3A_776 : vector<64x64xf32>
    %max3A_778 = arith.constant 0.000000e+00 : f32
    %max3A_779 = vector.broadcast %max3A_778 : f32 to vector<64x64xf32>
    %max3A_780 = arith.maximumf %add3A_777, %max3A_779 : vector<64x64xf32>
    %get3A_781 = arith.index_cast %min3A_173 : i32 to index
    %get3A_782 = arith.constant 0 : index
    %get3A_783 = arith.constant 0 : index
    %get3A_784 = vector.load %arg7[%get3A_781, %get3A_782, %get3A_783] : memref<64x64x65xf32, #tpu.memory_space<vmem>>, vector<1x64x65xf32>
    %get3A_785 = vector.shape_cast %get3A_784 : vector<1x64x65xf32> to vector<64x65xf32>
    %add3A_786 = arith.addf %get3A_63, %get3A_785 : vector<64x65xf32>
    %slice3A_787 = vector.extract_strided_slice %add3A_786 {offsets = [0, 0], sizes = [64, 64], strides = [1, 1]} : vector<64x65xf32> to vector<64x64xf32>
    %dot_general3A_788 = arith.constant dense<0.000000e+00> : vector<64x64xf32>
    %dot_general3A_789 = tpu.matmul %max3A_468, %slice3A_787, %dot_general3A_788 {dimension_numbers = #tpu.dot_dimension_numbers<[1], [1], [0], [0], [0, 0, 1, 0], [], []>, transpose_lhs_hint = false} : vector<64x64xf32>, vector<64x64xf32>, vector<64x64xf32> -> vector<64x64xf32>
    %get3A_790 = arith.index_cast %min3A_173 : i32 to index
    %get3A_791 = arith.constant 0 : index
    %get3A_792 = arith.constant 0 : index
    %get3A_793 = vector.load %arg8[%get3A_790, %get3A_791, %get3A_792] : memref<64x1x64xf32, #tpu.memory_space<vmem>>, vector<1x1x64xf32>
    %get3A_794 = vector.shape_cast %get3A_793 : vector<1x1x64xf32> to vector<1x64xf32>
    %add3A_795 = vector.broadcast %get3A_794 : vector<1x64xf32> to vector<64x64xf32>
    %add3A_796 = arith.addf %dot_general3A_789, %add3A_795 : vector<64x64xf32>
    %max3A_797 = arith.constant 0.000000e+00 : f32
    %max3A_798 = vector.broadcast %max3A_797 : f32 to vector<64x64xf32>
    %max3A_799 = arith.maximumf %add3A_796, %max3A_798 : vector<64x64xf32>
    %get3A_800 = arith.index_cast %min3A_189 : i32 to index
    %get3A_801 = arith.constant 0 : index
    %get3A_802 = arith.constant 0 : index
    %get3A_803 = vector.load %arg7[%get3A_800, %get3A_801, %get3A_802] : memref<64x64x65xf32, #tpu.memory_space<vmem>>, vector<1x64x65xf32>
    %get3A_804 = vector.shape_cast %get3A_803 : vector<1x64x65xf32> to vector<64x65xf32>
    %add3A_805 = arith.addf %get3A_63, %get3A_804 : vector<64x65xf32>
    %slice3A_806 = vector.extract_strided_slice %add3A_805 {offsets = [0, 0], sizes = [64, 64], strides = [1, 1]} : vector<64x65xf32> to vector<64x64xf32>
    %dot_general3A_807 = arith.constant dense<0.000000e+00> : vector<64x64xf32>
    %dot_general3A_808 = tpu.matmul %max3A_490, %slice3A_806, %dot_general3A_807 {dimension_numbers = #tpu.dot_dimension_numbers<[1], [1], [0], [0], [0, 0, 1, 0], [], []>, transpose_lhs_hint = false} : vector<64x64xf32>, vector<64x64xf32>, vector<64x64xf32> -> vector<64x64xf32>
    %get3A_809 = arith.index_cast %min3A_189 : i32 to index
    %get3A_810 = arith.constant 0 : index
    %get3A_811 = arith.constant 0 : index
    %get3A_812 = vector.load %arg8[%get3A_809, %get3A_810, %get3A_811] : memref<64x1x64xf32, #tpu.memory_space<vmem>>, vector<1x1x64xf32>
    %get3A_813 = vector.shape_cast %get3A_812 : vector<1x1x64xf32> to vector<1x64xf32>
    %add3A_814 = vector.broadcast %get3A_813 : vector<1x64xf32> to vector<64x64xf32>
    %add3A_815 = arith.addf %dot_general3A_808, %add3A_814 : vector<64x64xf32>
    %max3A_816 = arith.constant 0.000000e+00 : f32
    %max3A_817 = vector.broadcast %max3A_816 : f32 to vector<64x64xf32>
    %max3A_818 = arith.maximumf %add3A_815, %max3A_817 : vector<64x64xf32>
    %get3A_819 = arith.index_cast %min3A_205 : i32 to index
    %get3A_820 = arith.constant 0 : index
    %get3A_821 = arith.constant 0 : index
    %get3A_822 = vector.load %arg7[%get3A_819, %get3A_820, %get3A_821] : memref<64x64x65xf32, #tpu.memory_space<vmem>>, vector<1x64x65xf32>
    %get3A_823 = vector.shape_cast %get3A_822 : vector<1x64x65xf32> to vector<64x65xf32>
    %add3A_824 = arith.addf %get3A_63, %get3A_823 : vector<64x65xf32>
    %slice3A_825 = vector.extract_strided_slice %add3A_824 {offsets = [0, 0], sizes = [64, 64], strides = [1, 1]} : vector<64x65xf32> to vector<64x64xf32>
    %dot_general3A_826 = arith.constant dense<0.000000e+00> : vector<64x64xf32>
    %dot_general3A_827 = tpu.matmul %max3A_512, %slice3A_825, %dot_general3A_826 {dimension_numbers = #tpu.dot_dimension_numbers<[1], [1], [0], [0], [0, 0, 1, 0], [], []>, transpose_lhs_hint = false} : vector<64x64xf32>, vector<64x64xf32>, vector<64x64xf32> -> vector<64x64xf32>
    %get3A_828 = arith.index_cast %min3A_205 : i32 to index
    %get3A_829 = arith.constant 0 : index
    %get3A_830 = arith.constant 0 : index
    %get3A_831 = vector.load %arg8[%get3A_828, %get3A_829, %get3A_830] : memref<64x1x64xf32, #tpu.memory_space<vmem>>, vector<1x1x64xf32>
    %get3A_832 = vector.shape_cast %get3A_831 : vector<1x1x64xf32> to vector<1x64xf32>
    %add3A_833 = vector.broadcast %get3A_832 : vector<1x64xf32> to vector<64x64xf32>
    %add3A_834 = arith.addf %dot_general3A_827, %add3A_833 : vector<64x64xf32>
    %max3A_835 = arith.constant 0.000000e+00 : f32
    %max3A_836 = vector.broadcast %max3A_835 : f32 to vector<64x64xf32>
    %max3A_837 = arith.maximumf %add3A_834, %max3A_836 : vector<64x64xf32>
    %get3A_838 = arith.index_cast %min3A_221 : i32 to index
    %get3A_839 = arith.constant 0 : index
    %get3A_840 = arith.constant 0 : index
    %get3A_841 = vector.load %arg7[%get3A_838, %get3A_839, %get3A_840] : memref<64x64x65xf32, #tpu.memory_space<vmem>>, vector<1x64x65xf32>
    %get3A_842 = vector.shape_cast %get3A_841 : vector<1x64x65xf32> to vector<64x65xf32>
    %add3A_843 = arith.addf %get3A_63, %get3A_842 : vector<64x65xf32>
    %slice3A_844 = vector.extract_strided_slice %add3A_843 {offsets = [0, 0], sizes = [64, 64], strides = [1, 1]} : vector<64x65xf32> to vector<64x64xf32>
    %dot_general3A_845 = arith.constant dense<0.000000e+00> : vector<64x64xf32>
    %dot_general3A_846 = tpu.matmul %max3A_534, %slice3A_844, %dot_general3A_845 {dimension_numbers = #tpu.dot_dimension_numbers<[1], [1], [0], [0], [0, 0, 1, 0], [], []>, transpose_lhs_hint = false} : vector<64x64xf32>, vector<64x64xf32>, vector<64x64xf32> -> vector<64x64xf32>
    %get3A_847 = arith.index_cast %min3A_221 : i32 to index
    %get3A_848 = arith.constant 0 : index
    %get3A_849 = arith.constant 0 : index
    %get3A_850 = vector.load %arg8[%get3A_847, %get3A_848, %get3A_849] : memref<64x1x64xf32, #tpu.memory_space<vmem>>, vector<1x1x64xf32>
    %get3A_851 = vector.shape_cast %get3A_850 : vector<1x1x64xf32> to vector<1x64xf32>
    %add3A_852 = vector.broadcast %get3A_851 : vector<1x64xf32> to vector<64x64xf32>
    %add3A_853 = arith.addf %dot_general3A_846, %add3A_852 : vector<64x64xf32>
    %max3A_854 = arith.constant 0.000000e+00 : f32
    %max3A_855 = vector.broadcast %max3A_854 : f32 to vector<64x64xf32>
    %max3A_856 = arith.maximumf %add3A_853, %max3A_855 : vector<64x64xf32>
    %get3A_857 = arith.index_cast %min3A_237 : i32 to index
    %get3A_858 = arith.constant 0 : index
    %get3A_859 = arith.constant 0 : index
    %get3A_860 = vector.load %arg7[%get3A_857, %get3A_858, %get3A_859] : memref<64x64x65xf32, #tpu.memory_space<vmem>>, vector<1x64x65xf32>
    %get3A_861 = vector.shape_cast %get3A_860 : vector<1x64x65xf32> to vector<64x65xf32>
    %add3A_862 = arith.addf %get3A_63, %get3A_861 : vector<64x65xf32>
    %slice3A_863 = vector.extract_strided_slice %add3A_862 {offsets = [0, 0], sizes = [64, 64], strides = [1, 1]} : vector<64x65xf32> to vector<64x64xf32>
    %dot_general3A_864 = arith.constant dense<0.000000e+00> : vector<64x64xf32>
    %dot_general3A_865 = tpu.matmul %max3A_556, %slice3A_863, %dot_general3A_864 {dimension_numbers = #tpu.dot_dimension_numbers<[1], [1], [0], [0], [0, 0, 1, 0], [], []>, transpose_lhs_hint = false} : vector<64x64xf32>, vector<64x64xf32>, vector<64x64xf32> -> vector<64x64xf32>
    %get3A_866 = arith.index_cast %min3A_237 : i32 to index
    %get3A_867 = arith.constant 0 : index
    %get3A_868 = arith.constant 0 : index
    %get3A_869 = vector.load %arg8[%get3A_866, %get3A_867, %get3A_868] : memref<64x1x64xf32, #tpu.memory_space<vmem>>, vector<1x1x64xf32>
    %get3A_870 = vector.shape_cast %get3A_869 : vector<1x1x64xf32> to vector<1x64xf32>
    %add3A_871 = vector.broadcast %get3A_870 : vector<1x64xf32> to vector<64x64xf32>
    %add3A_872 = arith.addf %dot_general3A_865, %add3A_871 : vector<64x64xf32>
    %max3A_873 = arith.constant 0.000000e+00 : f32
    %max3A_874 = vector.broadcast %max3A_873 : f32 to vector<64x64xf32>
    %max3A_875 = arith.maximumf %add3A_872, %max3A_874 : vector<64x64xf32>
    %get3A_876 = arith.index_cast %min3A_253 : i32 to index
    %get3A_877 = arith.constant 0 : index
    %get3A_878 = arith.constant 0 : index
    %get3A_879 = vector.load %arg7[%get3A_876, %get3A_877, %get3A_878] : memref<64x64x65xf32, #tpu.memory_space<vmem>>, vector<1x64x65xf32>
    %get3A_880 = vector.shape_cast %get3A_879 : vector<1x64x65xf32> to vector<64x65xf32>
    %add3A_881 = arith.addf %get3A_63, %get3A_880 : vector<64x65xf32>
    %slice3A_882 = vector.extract_strided_slice %add3A_881 {offsets = [0, 0], sizes = [64, 64], strides = [1, 1]} : vector<64x65xf32> to vector<64x64xf32>
    %dot_general3A_883 = arith.constant dense<0.000000e+00> : vector<64x64xf32>
    %dot_general3A_884 = tpu.matmul %max3A_578, %slice3A_882, %dot_general3A_883 {dimension_numbers = #tpu.dot_dimension_numbers<[1], [1], [0], [0], [0, 0, 1, 0], [], []>, transpose_lhs_hint = false} : vector<64x64xf32>, vector<64x64xf32>, vector<64x64xf32> -> vector<64x64xf32>
    %get3A_885 = arith.index_cast %min3A_253 : i32 to index
    %get3A_886 = arith.constant 0 : index
    %get3A_887 = arith.constant 0 : index
    %get3A_888 = vector.load %arg8[%get3A_885, %get3A_886, %get3A_887] : memref<64x1x64xf32, #tpu.memory_space<vmem>>, vector<1x1x64xf32>
    %get3A_889 = vector.shape_cast %get3A_888 : vector<1x1x64xf32> to vector<1x64xf32>
    %add3A_890 = vector.broadcast %get3A_889 : vector<1x64xf32> to vector<64x64xf32>
    %add3A_891 = arith.addf %dot_general3A_884, %add3A_890 : vector<64x64xf32>
    %max3A_892 = arith.constant 0.000000e+00 : f32
    %max3A_893 = vector.broadcast %max3A_892 : f32 to vector<64x64xf32>
    %max3A_894 = arith.maximumf %add3A_891, %max3A_893 : vector<64x64xf32>
    %get3A_895 = arith.index_cast %min3A_269 : i32 to index
    %get3A_896 = arith.constant 0 : index
    %get3A_897 = arith.constant 0 : index
    %get3A_898 = vector.load %arg7[%get3A_895, %get3A_896, %get3A_897] : memref<64x64x65xf32, #tpu.memory_space<vmem>>, vector<1x64x65xf32>
    %get3A_899 = vector.shape_cast %get3A_898 : vector<1x64x65xf32> to vector<64x65xf32>
    %add3A_900 = arith.addf %get3A_63, %get3A_899 : vector<64x65xf32>
    %slice3A_901 = vector.extract_strided_slice %add3A_900 {offsets = [0, 0], sizes = [64, 64], strides = [1, 1]} : vector<64x65xf32> to vector<64x64xf32>
    %dot_general3A_902 = arith.constant dense<0.000000e+00> : vector<64x64xf32>
    %dot_general3A_903 = tpu.matmul %max3A_600, %slice3A_901, %dot_general3A_902 {dimension_numbers = #tpu.dot_dimension_numbers<[1], [1], [0], [0], [0, 0, 1, 0], [], []>, transpose_lhs_hint = false} : vector<64x64xf32>, vector<64x64xf32>, vector<64x64xf32> -> vector<64x64xf32>
    %get3A_904 = arith.index_cast %min3A_269 : i32 to index
    %get3A_905 = arith.constant 0 : index
    %get3A_906 = arith.constant 0 : index
    %get3A_907 = vector.load %arg8[%get3A_904, %get3A_905, %get3A_906] : memref<64x1x64xf32, #tpu.memory_space<vmem>>, vector<1x1x64xf32>
    %get3A_908 = vector.shape_cast %get3A_907 : vector<1x1x64xf32> to vector<1x64xf32>
    %add3A_909 = vector.broadcast %get3A_908 : vector<1x64xf32> to vector<64x64xf32>
    %add3A_910 = arith.addf %dot_general3A_903, %add3A_909 : vector<64x64xf32>
    %max3A_911 = arith.constant 0.000000e+00 : f32
    %max3A_912 = vector.broadcast %max3A_911 : f32 to vector<64x64xf32>
    %max3A_913 = arith.maximumf %add3A_910, %max3A_912 : vector<64x64xf32>
    %get3A_914 = arith.index_cast %min3A_285 : i32 to index
    %get3A_915 = arith.constant 0 : index
    %get3A_916 = arith.constant 0 : index
    %get3A_917 = vector.load %arg7[%get3A_914, %get3A_915, %get3A_916] : memref<64x64x65xf32, #tpu.memory_space<vmem>>, vector<1x64x65xf32>
    %get3A_918 = vector.shape_cast %get3A_917 : vector<1x64x65xf32> to vector<64x65xf32>
    %add3A_919 = arith.addf %get3A_63, %get3A_918 : vector<64x65xf32>
    %slice3A_920 = vector.extract_strided_slice %add3A_919 {offsets = [0, 0], sizes = [64, 64], strides = [1, 1]} : vector<64x65xf32> to vector<64x64xf32>
    %dot_general3A_921 = arith.constant dense<0.000000e+00> : vector<64x64xf32>
    %dot_general3A_922 = tpu.matmul %max3A_622, %slice3A_920, %dot_general3A_921 {dimension_numbers = #tpu.dot_dimension_numbers<[1], [1], [0], [0], [0, 0, 1, 0], [], []>, transpose_lhs_hint = false} : vector<64x64xf32>, vector<64x64xf32>, vector<64x64xf32> -> vector<64x64xf32>
    %get3A_923 = arith.index_cast %min3A_285 : i32 to index
    %get3A_924 = arith.constant 0 : index
    %get3A_925 = arith.constant 0 : index
    %get3A_926 = vector.load %arg8[%get3A_923, %get3A_924, %get3A_925] : memref<64x1x64xf32, #tpu.memory_space<vmem>>, vector<1x1x64xf32>
    %get3A_927 = vector.shape_cast %get3A_926 : vector<1x1x64xf32> to vector<1x64xf32>
    %add3A_928 = vector.broadcast %get3A_927 : vector<1x64xf32> to vector<64x64xf32>
    %add3A_929 = arith.addf %dot_general3A_922, %add3A_928 : vector<64x64xf32>
    %max3A_930 = arith.constant 0.000000e+00 : f32
    %max3A_931 = vector.broadcast %max3A_930 : f32 to vector<64x64xf32>
    %max3A_932 = arith.maximumf %add3A_929, %max3A_931 : vector<64x64xf32>
    %get3A_933 = arith.index_cast %min3A_301 : i32 to index
    %get3A_934 = arith.constant 0 : index
    %get3A_935 = arith.constant 0 : index
    %get3A_936 = vector.load %arg7[%get3A_933, %get3A_934, %get3A_935] : memref<64x64x65xf32, #tpu.memory_space<vmem>>, vector<1x64x65xf32>
    %get3A_937 = vector.shape_cast %get3A_936 : vector<1x64x65xf32> to vector<64x65xf32>
    %add3A_938 = arith.addf %get3A_63, %get3A_937 : vector<64x65xf32>
    %slice3A_939 = vector.extract_strided_slice %add3A_938 {offsets = [0, 0], sizes = [64, 64], strides = [1, 1]} : vector<64x65xf32> to vector<64x64xf32>
    %dot_general3A_940 = arith.constant dense<0.000000e+00> : vector<64x64xf32>
    %dot_general3A_941 = tpu.matmul %max3A_644, %slice3A_939, %dot_general3A_940 {dimension_numbers = #tpu.dot_dimension_numbers<[1], [1], [0], [0], [0, 0, 1, 0], [], []>, transpose_lhs_hint = false} : vector<64x64xf32>, vector<64x64xf32>, vector<64x64xf32> -> vector<64x64xf32>
    %get3A_942 = arith.index_cast %min3A_301 : i32 to index
    %get3A_943 = arith.constant 0 : index
    %get3A_944 = arith.constant 0 : index
    %get3A_945 = vector.load %arg8[%get3A_942, %get3A_943, %get3A_944] : memref<64x1x64xf32, #tpu.memory_space<vmem>>, vector<1x1x64xf32>
    %get3A_946 = vector.shape_cast %get3A_945 : vector<1x1x64xf32> to vector<1x64xf32>
    %add3A_947 = vector.broadcast %get3A_946 : vector<1x64xf32> to vector<64x64xf32>
    %add3A_948 = arith.addf %dot_general3A_941, %add3A_947 : vector<64x64xf32>
    %max3A_949 = arith.constant 0.000000e+00 : f32
    %max3A_950 = vector.broadcast %max3A_949 : f32 to vector<64x64xf32>
    %max3A_951 = arith.maximumf %add3A_948, %max3A_950 : vector<64x64xf32>
    %get3A_952 = arith.index_cast %min3A_317 : i32 to index
    %get3A_953 = arith.constant 0 : index
    %get3A_954 = arith.constant 0 : index
    %get3A_955 = vector.load %arg7[%get3A_952, %get3A_953, %get3A_954] : memref<64x64x65xf32, #tpu.memory_space<vmem>>, vector<1x64x65xf32>
    %get3A_956 = vector.shape_cast %get3A_955 : vector<1x64x65xf32> to vector<64x65xf32>
    %add3A_957 = arith.addf %get3A_63, %get3A_956 : vector<64x65xf32>
    %slice3A_958 = vector.extract_strided_slice %add3A_957 {offsets = [0, 0], sizes = [64, 64], strides = [1, 1]} : vector<64x65xf32> to vector<64x64xf32>
    %dot_general3A_959 = arith.constant dense<0.000000e+00> : vector<64x64xf32>
    %dot_general3A_960 = tpu.matmul %max3A_666, %slice3A_958, %dot_general3A_959 {dimension_numbers = #tpu.dot_dimension_numbers<[1], [1], [0], [0], [0, 0, 1, 0], [], []>, transpose_lhs_hint = false} : vector<64x64xf32>, vector<64x64xf32>, vector<64x64xf32> -> vector<64x64xf32>
    %get3A_961 = arith.index_cast %min3A_317 : i32 to index
    %get3A_962 = arith.constant 0 : index
    %get3A_963 = arith.constant 0 : index
    %get3A_964 = vector.load %arg8[%get3A_961, %get3A_962, %get3A_963] : memref<64x1x64xf32, #tpu.memory_space<vmem>>, vector<1x1x64xf32>
    %get3A_965 = vector.shape_cast %get3A_964 : vector<1x1x64xf32> to vector<1x64xf32>
    %add3A_966 = vector.broadcast %get3A_965 : vector<1x64xf32> to vector<64x64xf32>
    %add3A_967 = arith.addf %dot_general3A_960, %add3A_966 : vector<64x64xf32>
    %max3A_968 = arith.constant 0.000000e+00 : f32
    %max3A_969 = vector.broadcast %max3A_968 : f32 to vector<64x64xf32>
    %max3A_970 = arith.maximumf %add3A_967, %max3A_969 : vector<64x64xf32>
    %get3A_971 = arith.index_cast %min3A_77 : i32 to index
    %get3A_972 = arith.constant 0 : index
    %get3A_973 = arith.constant 0 : index
    %get3A_974 = vector.load %arg10[%get3A_971, %get3A_972, %get3A_973] : memref<64x35x65xf32, #tpu.memory_space<vmem>>, vector<1x35x65xf32>
    %get3A_975 = vector.shape_cast %get3A_974 : vector<1x35x65xf32> to vector<35x65xf32>
    %add3A_976 = arith.addf %get3A_66, %get3A_975 : vector<35x65xf32>
    %slice3A_977 = vector.extract_strided_slice %add3A_976 {offsets = [0, 0], sizes = [35, 64], strides = [1, 1]} : vector<35x65xf32> to vector<35x64xf32>
    %dot_general3A_978 = arith.constant dense<0.000000e+00> : vector<64x35xf32>
    %dot_general3A_979 = tpu.matmul %max3A_685, %slice3A_977, %dot_general3A_978 {dimension_numbers = #tpu.dot_dimension_numbers<[1], [1], [0], [0], [0, 0, 1, 0], [], []>, transpose_lhs_hint = false} : vector<64x64xf32>, vector<35x64xf32>, vector<64x35xf32> -> vector<64x35xf32>
    %get3A_980 = arith.index_cast %min3A_77 : i32 to index
    %get3A_981 = arith.constant 0 : index
    %get3A_982 = arith.constant 0 : index
    %get3A_983 = vector.load %arg11[%get3A_980, %get3A_981, %get3A_982] : memref<64x1x35xf32, #tpu.memory_space<vmem>>, vector<1x1x35xf32>
    %get3A_984 = vector.shape_cast %get3A_983 : vector<1x1x35xf32> to vector<1x35xf32>
    %add3A_985 = vector.broadcast %get3A_984 : vector<1x35xf32> to vector<64x35xf32>
    %add3A_986 = arith.addf %dot_general3A_979, %add3A_985 : vector<64x35xf32>
    %get3A_987 = arith.index_cast %min3A_93 : i32 to index
    %get3A_988 = arith.constant 0 : index
    %get3A_989 = arith.constant 0 : index
    %get3A_990 = vector.load %arg10[%get3A_987, %get3A_988, %get3A_989] : memref<64x35x65xf32, #tpu.memory_space<vmem>>, vector<1x35x65xf32>
    %get3A_991 = vector.shape_cast %get3A_990 : vector<1x35x65xf32> to vector<35x65xf32>
    %add3A_992 = arith.addf %get3A_66, %get3A_991 : vector<35x65xf32>
    %slice3A_993 = vector.extract_strided_slice %add3A_992 {offsets = [0, 0], sizes = [35, 64], strides = [1, 1]} : vector<35x65xf32> to vector<35x64xf32>
    %dot_general3A_994 = arith.constant dense<0.000000e+00> : vector<64x35xf32>
    %dot_general3A_995 = tpu.matmul %max3A_704, %slice3A_993, %dot_general3A_994 {dimension_numbers = #tpu.dot_dimension_numbers<[1], [1], [0], [0], [0, 0, 1, 0], [], []>, transpose_lhs_hint = false} : vector<64x64xf32>, vector<35x64xf32>, vector<64x35xf32> -> vector<64x35xf32>
    %get3A_996 = arith.index_cast %min3A_93 : i32 to index
    %get3A_997 = arith.constant 0 : index
    %get3A_998 = arith.constant 0 : index
    %get3A_999 = vector.load %arg11[%get3A_996, %get3A_997, %get3A_998] : memref<64x1x35xf32, #tpu.memory_space<vmem>>, vector<1x1x35xf32>
    %get3A_1000 = vector.shape_cast %get3A_999 : vector<1x1x35xf32> to vector<1x35xf32>
    %add3A_1001 = vector.broadcast %get3A_1000 : vector<1x35xf32> to vector<64x35xf32>
    %add3A_1002 = arith.addf %dot_general3A_995, %add3A_1001 : vector<64x35xf32>
    %get3A_1003 = arith.index_cast %min3A_109 : i32 to index
    %get3A_1004 = arith.constant 0 : index
    %get3A_1005 = arith.constant 0 : index
    %get3A_1006 = vector.load %arg10[%get3A_1003, %get3A_1004, %get3A_1005] : memref<64x35x65xf32, #tpu.memory_space<vmem>>, vector<1x35x65xf32>
    %get3A_1007 = vector.shape_cast %get3A_1006 : vector<1x35x65xf32> to vector<35x65xf32>
    %add3A_1008 = arith.addf %get3A_66, %get3A_1007 : vector<35x65xf32>
    %slice3A_1009 = vector.extract_strided_slice %add3A_1008 {offsets = [0, 0], sizes = [35, 64], strides = [1, 1]} : vector<35x65xf32> to vector<35x64xf32>
    %dot_general3A_1010 = arith.constant dense<0.000000e+00> : vector<64x35xf32>
    %dot_general3A_1011 = tpu.matmul %max3A_723, %slice3A_1009, %dot_general3A_1010 {dimension_numbers = #tpu.dot_dimension_numbers<[1], [1], [0], [0], [0, 0, 1, 0], [], []>, transpose_lhs_hint = false} : vector<64x64xf32>, vector<35x64xf32>, vector<64x35xf32> -> vector<64x35xf32>
    %get3A_1012 = arith.index_cast %min3A_109 : i32 to index
    %get3A_1013 = arith.constant 0 : index
    %get3A_1014 = arith.constant 0 : index
    %get3A_1015 = vector.load %arg11[%get3A_1012, %get3A_1013, %get3A_1014] : memref<64x1x35xf32, #tpu.memory_space<vmem>>, vector<1x1x35xf32>
    %get3A_1016 = vector.shape_cast %get3A_1015 : vector<1x1x35xf32> to vector<1x35xf32>
    %add3A_1017 = vector.broadcast %get3A_1016 : vector<1x35xf32> to vector<64x35xf32>
    %add3A_1018 = arith.addf %dot_general3A_1011, %add3A_1017 : vector<64x35xf32>
    %get3A_1019 = arith.index_cast %min3A_125 : i32 to index
    %get3A_1020 = arith.constant 0 : index
    %get3A_1021 = arith.constant 0 : index
    %get3A_1022 = vector.load %arg10[%get3A_1019, %get3A_1020, %get3A_1021] : memref<64x35x65xf32, #tpu.memory_space<vmem>>, vector<1x35x65xf32>
    %get3A_1023 = vector.shape_cast %get3A_1022 : vector<1x35x65xf32> to vector<35x65xf32>
    %add3A_1024 = arith.addf %get3A_66, %get3A_1023 : vector<35x65xf32>
    %slice3A_1025 = vector.extract_strided_slice %add3A_1024 {offsets = [0, 0], sizes = [35, 64], strides = [1, 1]} : vector<35x65xf32> to vector<35x64xf32>
    %dot_general3A_1026 = arith.constant dense<0.000000e+00> : vector<64x35xf32>
    %dot_general3A_1027 = tpu.matmul %max3A_742, %slice3A_1025, %dot_general3A_1026 {dimension_numbers = #tpu.dot_dimension_numbers<[1], [1], [0], [0], [0, 0, 1, 0], [], []>, transpose_lhs_hint = false} : vector<64x64xf32>, vector<35x64xf32>, vector<64x35xf32> -> vector<64x35xf32>
    %get3A_1028 = arith.index_cast %min3A_125 : i32 to index
    %get3A_1029 = arith.constant 0 : index
    %get3A_1030 = arith.constant 0 : index
    %get3A_1031 = vector.load %arg11[%get3A_1028, %get3A_1029, %get3A_1030] : memref<64x1x35xf32, #tpu.memory_space<vmem>>, vector<1x1x35xf32>
    %get3A_1032 = vector.shape_cast %get3A_1031 : vector<1x1x35xf32> to vector<1x35xf32>
    %add3A_1033 = vector.broadcast %get3A_1032 : vector<1x35xf32> to vector<64x35xf32>
    %add3A_1034 = arith.addf %dot_general3A_1027, %add3A_1033 : vector<64x35xf32>
    %get3A_1035 = arith.index_cast %min3A_141 : i32 to index
    %get3A_1036 = arith.constant 0 : index
    %get3A_1037 = arith.constant 0 : index
    %get3A_1038 = vector.load %arg10[%get3A_1035, %get3A_1036, %get3A_1037] : memref<64x35x65xf32, #tpu.memory_space<vmem>>, vector<1x35x65xf32>
    %get3A_1039 = vector.shape_cast %get3A_1038 : vector<1x35x65xf32> to vector<35x65xf32>
    %add3A_1040 = arith.addf %get3A_66, %get3A_1039 : vector<35x65xf32>
    %slice3A_1041 = vector.extract_strided_slice %add3A_1040 {offsets = [0, 0], sizes = [35, 64], strides = [1, 1]} : vector<35x65xf32> to vector<35x64xf32>
    %dot_general3A_1042 = arith.constant dense<0.000000e+00> : vector<64x35xf32>
    %dot_general3A_1043 = tpu.matmul %max3A_761, %slice3A_1041, %dot_general3A_1042 {dimension_numbers = #tpu.dot_dimension_numbers<[1], [1], [0], [0], [0, 0, 1, 0], [], []>, transpose_lhs_hint = false} : vector<64x64xf32>, vector<35x64xf32>, vector<64x35xf32> -> vector<64x35xf32>
    %get3A_1044 = arith.index_cast %min3A_141 : i32 to index
    %get3A_1045 = arith.constant 0 : index
    %get3A_1046 = arith.constant 0 : index
    %get3A_1047 = vector.load %arg11[%get3A_1044, %get3A_1045, %get3A_1046] : memref<64x1x35xf32, #tpu.memory_space<vmem>>, vector<1x1x35xf32>
    %get3A_1048 = vector.shape_cast %get3A_1047 : vector<1x1x35xf32> to vector<1x35xf32>
    %add3A_1049 = vector.broadcast %get3A_1048 : vector<1x35xf32> to vector<64x35xf32>
    %add3A_1050 = arith.addf %dot_general3A_1043, %add3A_1049 : vector<64x35xf32>
    %get3A_1051 = arith.index_cast %min3A_157 : i32 to index
    %get3A_1052 = arith.constant 0 : index
    %get3A_1053 = arith.constant 0 : index
    %get3A_1054 = vector.load %arg10[%get3A_1051, %get3A_1052, %get3A_1053] : memref<64x35x65xf32, #tpu.memory_space<vmem>>, vector<1x35x65xf32>
    %get3A_1055 = vector.shape_cast %get3A_1054 : vector<1x35x65xf32> to vector<35x65xf32>
    %add3A_1056 = arith.addf %get3A_66, %get3A_1055 : vector<35x65xf32>
    %slice3A_1057 = vector.extract_strided_slice %add3A_1056 {offsets = [0, 0], sizes = [35, 64], strides = [1, 1]} : vector<35x65xf32> to vector<35x64xf32>
    %dot_general3A_1058 = arith.constant dense<0.000000e+00> : vector<64x35xf32>
    %dot_general3A_1059 = tpu.matmul %max3A_780, %slice3A_1057, %dot_general3A_1058 {dimension_numbers = #tpu.dot_dimension_numbers<[1], [1], [0], [0], [0, 0, 1, 0], [], []>, transpose_lhs_hint = false} : vector<64x64xf32>, vector<35x64xf32>, vector<64x35xf32> -> vector<64x35xf32>
    %get3A_1060 = arith.index_cast %min3A_157 : i32 to index
    %get3A_1061 = arith.constant 0 : index
    %get3A_1062 = arith.constant 0 : index
    %get3A_1063 = vector.load %arg11[%get3A_1060, %get3A_1061, %get3A_1062] : memref<64x1x35xf32, #tpu.memory_space<vmem>>, vector<1x1x35xf32>
    %get3A_1064 = vector.shape_cast %get3A_1063 : vector<1x1x35xf32> to vector<1x35xf32>
    %add3A_1065 = vector.broadcast %get3A_1064 : vector<1x35xf32> to vector<64x35xf32>
    %add3A_1066 = arith.addf %dot_general3A_1059, %add3A_1065 : vector<64x35xf32>
    %get3A_1067 = arith.index_cast %min3A_173 : i32 to index
    %get3A_1068 = arith.constant 0 : index
    %get3A_1069 = arith.constant 0 : index
    %get3A_1070 = vector.load %arg10[%get3A_1067, %get3A_1068, %get3A_1069] : memref<64x35x65xf32, #tpu.memory_space<vmem>>, vector<1x35x65xf32>
    %get3A_1071 = vector.shape_cast %get3A_1070 : vector<1x35x65xf32> to vector<35x65xf32>
    %add3A_1072 = arith.addf %get3A_66, %get3A_1071 : vector<35x65xf32>
    %slice3A_1073 = vector.extract_strided_slice %add3A_1072 {offsets = [0, 0], sizes = [35, 64], strides = [1, 1]} : vector<35x65xf32> to vector<35x64xf32>
    %dot_general3A_1074 = arith.constant dense<0.000000e+00> : vector<64x35xf32>
    %dot_general3A_1075 = tpu.matmul %max3A_799, %slice3A_1073, %dot_general3A_1074 {dimension_numbers = #tpu.dot_dimension_numbers<[1], [1], [0], [0], [0, 0, 1, 0], [], []>, transpose_lhs_hint = false} : vector<64x64xf32>, vector<35x64xf32>, vector<64x35xf32> -> vector<64x35xf32>
    %get3A_1076 = arith.index_cast %min3A_173 : i32 to index
    %get3A_1077 = arith.constant 0 : index
    %get3A_1078 = arith.constant 0 : index
    %get3A_1079 = vector.load %arg11[%get3A_1076, %get3A_1077, %get3A_1078] : memref<64x1x35xf32, #tpu.memory_space<vmem>>, vector<1x1x35xf32>
    %get3A_1080 = vector.shape_cast %get3A_1079 : vector<1x1x35xf32> to vector<1x35xf32>
    %add3A_1081 = vector.broadcast %get3A_1080 : vector<1x35xf32> to vector<64x35xf32>
    %add3A_1082 = arith.addf %dot_general3A_1075, %add3A_1081 : vector<64x35xf32>
    %get3A_1083 = arith.index_cast %min3A_189 : i32 to index
    %get3A_1084 = arith.constant 0 : index
    %get3A_1085 = arith.constant 0 : index
    %get3A_1086 = vector.load %arg10[%get3A_1083, %get3A_1084, %get3A_1085] : memref<64x35x65xf32, #tpu.memory_space<vmem>>, vector<1x35x65xf32>
    %get3A_1087 = vector.shape_cast %get3A_1086 : vector<1x35x65xf32> to vector<35x65xf32>
    %add3A_1088 = arith.addf %get3A_66, %get3A_1087 : vector<35x65xf32>
    %slice3A_1089 = vector.extract_strided_slice %add3A_1088 {offsets = [0, 0], sizes = [35, 64], strides = [1, 1]} : vector<35x65xf32> to vector<35x64xf32>
    %dot_general3A_1090 = arith.constant dense<0.000000e+00> : vector<64x35xf32>
    %dot_general3A_1091 = tpu.matmul %max3A_818, %slice3A_1089, %dot_general3A_1090 {dimension_numbers = #tpu.dot_dimension_numbers<[1], [1], [0], [0], [0, 0, 1, 0], [], []>, transpose_lhs_hint = false} : vector<64x64xf32>, vector<35x64xf32>, vector<64x35xf32> -> vector<64x35xf32>
    %get3A_1092 = arith.index_cast %min3A_189 : i32 to index
    %get3A_1093 = arith.constant 0 : index
    %get3A_1094 = arith.constant 0 : index
    %get3A_1095 = vector.load %arg11[%get3A_1092, %get3A_1093, %get3A_1094] : memref<64x1x35xf32, #tpu.memory_space<vmem>>, vector<1x1x35xf32>
    %get3A_1096 = vector.shape_cast %get3A_1095 : vector<1x1x35xf32> to vector<1x35xf32>
    %add3A_1097 = vector.broadcast %get3A_1096 : vector<1x35xf32> to vector<64x35xf32>
    %add3A_1098 = arith.addf %dot_general3A_1091, %add3A_1097 : vector<64x35xf32>
    %get3A_1099 = arith.index_cast %min3A_205 : i32 to index
    %get3A_1100 = arith.constant 0 : index
    %get3A_1101 = arith.constant 0 : index
    %get3A_1102 = vector.load %arg10[%get3A_1099, %get3A_1100, %get3A_1101] : memref<64x35x65xf32, #tpu.memory_space<vmem>>, vector<1x35x65xf32>
    %get3A_1103 = vector.shape_cast %get3A_1102 : vector<1x35x65xf32> to vector<35x65xf32>
    %add3A_1104 = arith.addf %get3A_66, %get3A_1103 : vector<35x65xf32>
    %slice3A_1105 = vector.extract_strided_slice %add3A_1104 {offsets = [0, 0], sizes = [35, 64], strides = [1, 1]} : vector<35x65xf32> to vector<35x64xf32>
    %dot_general3A_1106 = arith.constant dense<0.000000e+00> : vector<64x35xf32>
    %dot_general3A_1107 = tpu.matmul %max3A_837, %slice3A_1105, %dot_general3A_1106 {dimension_numbers = #tpu.dot_dimension_numbers<[1], [1], [0], [0], [0, 0, 1, 0], [], []>, transpose_lhs_hint = false} : vector<64x64xf32>, vector<35x64xf32>, vector<64x35xf32> -> vector<64x35xf32>
    %get3A_1108 = arith.index_cast %min3A_205 : i32 to index
    %get3A_1109 = arith.constant 0 : index
    %get3A_1110 = arith.constant 0 : index
    %get3A_1111 = vector.load %arg11[%get3A_1108, %get3A_1109, %get3A_1110] : memref<64x1x35xf32, #tpu.memory_space<vmem>>, vector<1x1x35xf32>
    %get3A_1112 = vector.shape_cast %get3A_1111 : vector<1x1x35xf32> to vector<1x35xf32>
    %add3A_1113 = vector.broadcast %get3A_1112 : vector<1x35xf32> to vector<64x35xf32>
    %add3A_1114 = arith.addf %dot_general3A_1107, %add3A_1113 : vector<64x35xf32>
    %get3A_1115 = arith.index_cast %min3A_221 : i32 to index
    %get3A_1116 = arith.constant 0 : index
    %get3A_1117 = arith.constant 0 : index
    %get3A_1118 = vector.load %arg10[%get3A_1115, %get3A_1116, %get3A_1117] : memref<64x35x65xf32, #tpu.memory_space<vmem>>, vector<1x35x65xf32>
    %get3A_1119 = vector.shape_cast %get3A_1118 : vector<1x35x65xf32> to vector<35x65xf32>
    %add3A_1120 = arith.addf %get3A_66, %get3A_1119 : vector<35x65xf32>
    %slice3A_1121 = vector.extract_strided_slice %add3A_1120 {offsets = [0, 0], sizes = [35, 64], strides = [1, 1]} : vector<35x65xf32> to vector<35x64xf32>
    %dot_general3A_1122 = arith.constant dense<0.000000e+00> : vector<64x35xf32>
    %dot_general3A_1123 = tpu.matmul %max3A_856, %slice3A_1121, %dot_general3A_1122 {dimension_numbers = #tpu.dot_dimension_numbers<[1], [1], [0], [0], [0, 0, 1, 0], [], []>, transpose_lhs_hint = false} : vector<64x64xf32>, vector<35x64xf32>, vector<64x35xf32> -> vector<64x35xf32>
    %get3A_1124 = arith.index_cast %min3A_221 : i32 to index
    %get3A_1125 = arith.constant 0 : index
    %get3A_1126 = arith.constant 0 : index
    %get3A_1127 = vector.load %arg11[%get3A_1124, %get3A_1125, %get3A_1126] : memref<64x1x35xf32, #tpu.memory_space<vmem>>, vector<1x1x35xf32>
    %get3A_1128 = vector.shape_cast %get3A_1127 : vector<1x1x35xf32> to vector<1x35xf32>
    %add3A_1129 = vector.broadcast %get3A_1128 : vector<1x35xf32> to vector<64x35xf32>
    %add3A_1130 = arith.addf %dot_general3A_1123, %add3A_1129 : vector<64x35xf32>
    %get3A_1131 = arith.index_cast %min3A_237 : i32 to index
    %get3A_1132 = arith.constant 0 : index
    %get3A_1133 = arith.constant 0 : index
    %get3A_1134 = vector.load %arg10[%get3A_1131, %get3A_1132, %get3A_1133] : memref<64x35x65xf32, #tpu.memory_space<vmem>>, vector<1x35x65xf32>
    %get3A_1135 = vector.shape_cast %get3A_1134 : vector<1x35x65xf32> to vector<35x65xf32>
    %add3A_1136 = arith.addf %get3A_66, %get3A_1135 : vector<35x65xf32>
    %slice3A_1137 = vector.extract_strided_slice %add3A_1136 {offsets = [0, 0], sizes = [35, 64], strides = [1, 1]} : vector<35x65xf32> to vector<35x64xf32>
    %dot_general3A_1138 = arith.constant dense<0.000000e+00> : vector<64x35xf32>
    %dot_general3A_1139 = tpu.matmul %max3A_875, %slice3A_1137, %dot_general3A_1138 {dimension_numbers = #tpu.dot_dimension_numbers<[1], [1], [0], [0], [0, 0, 1, 0], [], []>, transpose_lhs_hint = false} : vector<64x64xf32>, vector<35x64xf32>, vector<64x35xf32> -> vector<64x35xf32>
    %get3A_1140 = arith.index_cast %min3A_237 : i32 to index
    %get3A_1141 = arith.constant 0 : index
    %get3A_1142 = arith.constant 0 : index
    %get3A_1143 = vector.load %arg11[%get3A_1140, %get3A_1141, %get3A_1142] : memref<64x1x35xf32, #tpu.memory_space<vmem>>, vector<1x1x35xf32>
    %get3A_1144 = vector.shape_cast %get3A_1143 : vector<1x1x35xf32> to vector<1x35xf32>
    %add3A_1145 = vector.broadcast %get3A_1144 : vector<1x35xf32> to vector<64x35xf32>
    %add3A_1146 = arith.addf %dot_general3A_1139, %add3A_1145 : vector<64x35xf32>
    %get3A_1147 = arith.index_cast %min3A_253 : i32 to index
    %get3A_1148 = arith.constant 0 : index
    %get3A_1149 = arith.constant 0 : index
    %get3A_1150 = vector.load %arg10[%get3A_1147, %get3A_1148, %get3A_1149] : memref<64x35x65xf32, #tpu.memory_space<vmem>>, vector<1x35x65xf32>
    %get3A_1151 = vector.shape_cast %get3A_1150 : vector<1x35x65xf32> to vector<35x65xf32>
    %add3A_1152 = arith.addf %get3A_66, %get3A_1151 : vector<35x65xf32>
    %slice3A_1153 = vector.extract_strided_slice %add3A_1152 {offsets = [0, 0], sizes = [35, 64], strides = [1, 1]} : vector<35x65xf32> to vector<35x64xf32>
    %dot_general3A_1154 = arith.constant dense<0.000000e+00> : vector<64x35xf32>
    %dot_general3A_1155 = tpu.matmul %max3A_894, %slice3A_1153, %dot_general3A_1154 {dimension_numbers = #tpu.dot_dimension_numbers<[1], [1], [0], [0], [0, 0, 1, 0], [], []>, transpose_lhs_hint = false} : vector<64x64xf32>, vector<35x64xf32>, vector<64x35xf32> -> vector<64x35xf32>
    %get3A_1156 = arith.index_cast %min3A_253 : i32 to index
    %get3A_1157 = arith.constant 0 : index
    %get3A_1158 = arith.constant 0 : index
    %get3A_1159 = vector.load %arg11[%get3A_1156, %get3A_1157, %get3A_1158] : memref<64x1x35xf32, #tpu.memory_space<vmem>>, vector<1x1x35xf32>
    %get3A_1160 = vector.shape_cast %get3A_1159 : vector<1x1x35xf32> to vector<1x35xf32>
    %add3A_1161 = vector.broadcast %get3A_1160 : vector<1x35xf32> to vector<64x35xf32>
    %add3A_1162 = arith.addf %dot_general3A_1155, %add3A_1161 : vector<64x35xf32>
    %get3A_1163 = arith.index_cast %min3A_269 : i32 to index
    %get3A_1164 = arith.constant 0 : index
    %get3A_1165 = arith.constant 0 : index
    %get3A_1166 = vector.load %arg10[%get3A_1163, %get3A_1164, %get3A_1165] : memref<64x35x65xf32, #tpu.memory_space<vmem>>, vector<1x35x65xf32>
    %get3A_1167 = vector.shape_cast %get3A_1166 : vector<1x35x65xf32> to vector<35x65xf32>
    %add3A_1168 = arith.addf %get3A_66, %get3A_1167 : vector<35x65xf32>
    %slice3A_1169 = vector.extract_strided_slice %add3A_1168 {offsets = [0, 0], sizes = [35, 64], strides = [1, 1]} : vector<35x65xf32> to vector<35x64xf32>
    %dot_general3A_1170 = arith.constant dense<0.000000e+00> : vector<64x35xf32>
    %dot_general3A_1171 = tpu.matmul %max3A_913, %slice3A_1169, %dot_general3A_1170 {dimension_numbers = #tpu.dot_dimension_numbers<[1], [1], [0], [0], [0, 0, 1, 0], [], []>, transpose_lhs_hint = false} : vector<64x64xf32>, vector<35x64xf32>, vector<64x35xf32> -> vector<64x35xf32>
    %get3A_1172 = arith.index_cast %min3A_269 : i32 to index
    %get3A_1173 = arith.constant 0 : index
    %get3A_1174 = arith.constant 0 : index
    %get3A_1175 = vector.load %arg11[%get3A_1172, %get3A_1173, %get3A_1174] : memref<64x1x35xf32, #tpu.memory_space<vmem>>, vector<1x1x35xf32>
    %get3A_1176 = vector.shape_cast %get3A_1175 : vector<1x1x35xf32> to vector<1x35xf32>
    %add3A_1177 = vector.broadcast %get3A_1176 : vector<1x35xf32> to vector<64x35xf32>
    %add3A_1178 = arith.addf %dot_general3A_1171, %add3A_1177 : vector<64x35xf32>
    %get3A_1179 = arith.index_cast %min3A_285 : i32 to index
    %get3A_1180 = arith.constant 0 : index
    %get3A_1181 = arith.constant 0 : index
    %get3A_1182 = vector.load %arg10[%get3A_1179, %get3A_1180, %get3A_1181] : memref<64x35x65xf32, #tpu.memory_space<vmem>>, vector<1x35x65xf32>
    %get3A_1183 = vector.shape_cast %get3A_1182 : vector<1x35x65xf32> to vector<35x65xf32>
    %add3A_1184 = arith.addf %get3A_66, %get3A_1183 : vector<35x65xf32>
    %slice3A_1185 = vector.extract_strided_slice %add3A_1184 {offsets = [0, 0], sizes = [35, 64], strides = [1, 1]} : vector<35x65xf32> to vector<35x64xf32>
    %dot_general3A_1186 = arith.constant dense<0.000000e+00> : vector<64x35xf32>
    %dot_general3A_1187 = tpu.matmul %max3A_932, %slice3A_1185, %dot_general3A_1186 {dimension_numbers = #tpu.dot_dimension_numbers<[1], [1], [0], [0], [0, 0, 1, 0], [], []>, transpose_lhs_hint = false} : vector<64x64xf32>, vector<35x64xf32>, vector<64x35xf32> -> vector<64x35xf32>
    %get3A_1188 = arith.index_cast %min3A_285 : i32 to index
    %get3A_1189 = arith.constant 0 : index
    %get3A_1190 = arith.constant 0 : index
    %get3A_1191 = vector.load %arg11[%get3A_1188, %get3A_1189, %get3A_1190] : memref<64x1x35xf32, #tpu.memory_space<vmem>>, vector<1x1x35xf32>
    %get3A_1192 = vector.shape_cast %get3A_1191 : vector<1x1x35xf32> to vector<1x35xf32>
    %add3A_1193 = vector.broadcast %get3A_1192 : vector<1x35xf32> to vector<64x35xf32>
    %add3A_1194 = arith.addf %dot_general3A_1187, %add3A_1193 : vector<64x35xf32>
    %get3A_1195 = arith.index_cast %min3A_301 : i32 to index
    %get3A_1196 = arith.constant 0 : index
    %get3A_1197 = arith.constant 0 : index
    %get3A_1198 = vector.load %arg10[%get3A_1195, %get3A_1196, %get3A_1197] : memref<64x35x65xf32, #tpu.memory_space<vmem>>, vector<1x35x65xf32>
    %get3A_1199 = vector.shape_cast %get3A_1198 : vector<1x35x65xf32> to vector<35x65xf32>
    %add3A_1200 = arith.addf %get3A_66, %get3A_1199 : vector<35x65xf32>
    %slice3A_1201 = vector.extract_strided_slice %add3A_1200 {offsets = [0, 0], sizes = [35, 64], strides = [1, 1]} : vector<35x65xf32> to vector<35x64xf32>
    %dot_general3A_1202 = arith.constant dense<0.000000e+00> : vector<64x35xf32>
    %dot_general3A_1203 = tpu.matmul %max3A_951, %slice3A_1201, %dot_general3A_1202 {dimension_numbers = #tpu.dot_dimension_numbers<[1], [1], [0], [0], [0, 0, 1, 0], [], []>, transpose_lhs_hint = false} : vector<64x64xf32>, vector<35x64xf32>, vector<64x35xf32> -> vector<64x35xf32>
    %get3A_1204 = arith.index_cast %min3A_301 : i32 to index
    %get3A_1205 = arith.constant 0 : index
    %get3A_1206 = arith.constant 0 : index
    %get3A_1207 = vector.load %arg11[%get3A_1204, %get3A_1205, %get3A_1206] : memref<64x1x35xf32, #tpu.memory_space<vmem>>, vector<1x1x35xf32>
    %get3A_1208 = vector.shape_cast %get3A_1207 : vector<1x1x35xf32> to vector<1x35xf32>
    %add3A_1209 = vector.broadcast %get3A_1208 : vector<1x35xf32> to vector<64x35xf32>
    %add3A_1210 = arith.addf %dot_general3A_1203, %add3A_1209 : vector<64x35xf32>
    %get3A_1211 = arith.index_cast %min3A_317 : i32 to index
    %get3A_1212 = arith.constant 0 : index
    %get3A_1213 = arith.constant 0 : index
    %get3A_1214 = vector.load %arg10[%get3A_1211, %get3A_1212, %get3A_1213] : memref<64x35x65xf32, #tpu.memory_space<vmem>>, vector<1x35x65xf32>
    %get3A_1215 = vector.shape_cast %get3A_1214 : vector<1x35x65xf32> to vector<35x65xf32>
    %add3A_1216 = arith.addf %get3A_66, %get3A_1215 : vector<35x65xf32>
    %slice3A_1217 = vector.extract_strided_slice %add3A_1216 {offsets = [0, 0], sizes = [35, 64], strides = [1, 1]} : vector<35x65xf32> to vector<35x64xf32>
    %dot_general3A_1218 = arith.constant dense<0.000000e+00> : vector<64x35xf32>
    %dot_general3A_1219 = tpu.matmul %max3A_970, %slice3A_1217, %dot_general3A_1218 {dimension_numbers = #tpu.dot_dimension_numbers<[1], [1], [0], [0], [0, 0, 1, 0], [], []>, transpose_lhs_hint = false} : vector<64x64xf32>, vector<35x64xf32>, vector<64x35xf32> -> vector<64x35xf32>
    %get3A_1220 = arith.index_cast %min3A_317 : i32 to index
    %get3A_1221 = arith.constant 0 : index
    %get3A_1222 = arith.constant 0 : index
    %get3A_1223 = vector.load %arg11[%get3A_1220, %get3A_1221, %get3A_1222] : memref<64x1x35xf32, #tpu.memory_space<vmem>>, vector<1x1x35xf32>
    %get3A_1224 = vector.shape_cast %get3A_1223 : vector<1x1x35xf32> to vector<1x35xf32>
    %add3A_1225 = vector.broadcast %get3A_1224 : vector<1x35xf32> to vector<64x35xf32>
    %add3A_1226 = arith.addf %dot_general3A_1219, %add3A_1225 : vector<64x35xf32>
    %reduce_max3A = arith.constant dense<0xFF800000> : vector<64xf32>
    %reduce_max3A_1227 = vector.multi_reduction <maximumf>, %add3A_986, %reduce_max3A [1] : vector<64x35xf32> to vector<64xf32>
    %broadcast_in_dim3A = vector.shape_cast %reduce_max3A_1227 : vector<64xf32> to vector<64x1xf32>
    %sub3A_1228 = vector.broadcast %broadcast_in_dim3A : vector<64x1xf32> to vector<64x35xf32>
    %sub3A_1229 = arith.subf %add3A_986, %sub3A_1228 : vector<64x35xf32>
    %exp3A = math.exp %sub3A_1229 : vector<64x35xf32>
    %dot_general3A_1230 = arith.constant dense<0.000000e+00> : vector<64x35xf32>
    %dot_general3A_1231 = tpu.matmul %exp3A, %convert_element_type3A_57, %dot_general3A_1230 {dimension_numbers = #tpu.dot_dimension_numbers<[1], [0], [0], [1], [0, 0, 1, 1], [], []>, transpose_lhs_hint = false} : vector<64x35xf32>, vector<35x35xf32>, vector<64x35xf32> -> vector<64x35xf32>
    %div3A_1232 = arith.divf %exp3A, %dot_general3A_1231 : vector<64x35xf32>
    %swap3A = arith.constant 0 : index
    %swap3A_1233 = arith.constant 0 : index
    %swap3A_1234 = vector.load %arg12[%swap3A, %swap3A_1233] : memref<1024x128xf32, #tpu.memory_space<vmem>>, vector<64x35xf32>
    tpu.vector_store %arg12[%swap3A, %swap3A_1233], %div3A_1232 {strides = array<i32>} : memref<1024x128xf32, #tpu.memory_space<vmem>>, vector<64x35xf32>,
    %reduce_max3A_1235 = arith.constant dense<0xFF800000> : vector<64xf32>
    %reduce_max3A_1236 = vector.multi_reduction <maximumf>, %add3A_1002, %reduce_max3A_1235 [1] : vector<64x35xf32> to vector<64xf32>
    %broadcast_in_dim3A_1237 = vector.shape_cast %reduce_max3A_1236 : vector<64xf32> to vector<64x1xf32>
    %sub3A_1238 = vector.broadcast %broadcast_in_dim3A_1237 : vector<64x1xf32> to vector<64x35xf32>
    %sub3A_1239 = arith.subf %add3A_1002, %sub3A_1238 : vector<64x35xf32>
    %exp3A_1240 = math.exp %sub3A_1239 : vector<64x35xf32>
    %dot_general3A_1241 = arith.constant dense<0.000000e+00> : vector<64x35xf32>
    %dot_general3A_1242 = tpu.matmul %exp3A_1240, %convert_element_type3A_57, %dot_general3A_1241 {dimension_numbers = #tpu.dot_dimension_numbers<[1], [0], [0], [1], [0, 0, 1, 1], [], []>, transpose_lhs_hint = false} : vector<64x35xf32>, vector<35x35xf32>, vector<64x35xf32> -> vector<64x35xf32>
    %div3A_1243 = arith.divf %exp3A_1240, %dot_general3A_1242 : vector<64x35xf32>
    %swap3A_1244 = arith.constant 64 : index
    %swap3A_1245 = arith.constant 0 : index
    %swap3A_1246 = vector.load %arg12[%swap3A_1244, %swap3A_1245] : memref<1024x128xf32, #tpu.memory_space<vmem>>, vector<64x35xf32>
    tpu.vector_store %arg12[%swap3A_1244, %swap3A_1245], %div3A_1243 {strides = array<i32>} : memref<1024x128xf32, #tpu.memory_space<vmem>>, vector<64x35xf32>,
    %reduce_max3A_1247 = arith.constant dense<0xFF800000> : vector<64xf32>
    %reduce_max3A_1248 = vector.multi_reduction <maximumf>, %add3A_1018, %reduce_max3A_1247 [1] : vector<64x35xf32> to vector<64xf32>
    %broadcast_in_dim3A_1249 = vector.shape_cast %reduce_max3A_1248 : vector<64xf32> to vector<64x1xf32>
    %sub3A_1250 = vector.broadcast %broadcast_in_dim3A_1249 : vector<64x1xf32> to vector<64x35xf32>
    %sub3A_1251 = arith.subf %add3A_1018, %sub3A_1250 : vector<64x35xf32>
    %exp3A_1252 = math.exp %sub3A_1251 : vector<64x35xf32>
    %dot_general3A_1253 = arith.constant dense<0.000000e+00> : vector<64x35xf32>
    %dot_general3A_1254 = tpu.matmul %exp3A_1252, %convert_element_type3A_57, %dot_general3A_1253 {dimension_numbers = #tpu.dot_dimension_numbers<[1], [0], [0], [1], [0, 0, 1, 1], [], []>, transpose_lhs_hint = false} : vector<64x35xf32>, vector<35x35xf32>, vector<64x35xf32> -> vector<64x35xf32>
    %div3A_1255 = arith.divf %exp3A_1252, %dot_general3A_1254 : vector<64x35xf32>
    %swap3A_1256 = arith.constant 128 : index
    %swap3A_1257 = arith.constant 0 : index
    %swap3A_1258 = vector.load %arg12[%swap3A_1256, %swap3A_1257] : memref<1024x128xf32, #tpu.memory_space<vmem>>, vector<64x35xf32>
    tpu.vector_store %arg12[%swap3A_1256, %swap3A_1257], %div3A_1255 {strides = array<i32>} : memref<1024x128xf32, #tpu.memory_space<vmem>>, vector<64x35xf32>,
    %reduce_max3A_1259 = arith.constant dense<0xFF800000> : vector<64xf32>
    %reduce_max3A_1260 = vector.multi_reduction <maximumf>, %add3A_1034, %reduce_max3A_1259 [1] : vector<64x35xf32> to vector<64xf32>
    %broadcast_in_dim3A_1261 = vector.shape_cast %reduce_max3A_1260 : vector<64xf32> to vector<64x1xf32>
    %sub3A_1262 = vector.broadcast %broadcast_in_dim3A_1261 : vector<64x1xf32> to vector<64x35xf32>
    %sub3A_1263 = arith.subf %add3A_1034, %sub3A_1262 : vector<64x35xf32>
    %exp3A_1264 = math.exp %sub3A_1263 : vector<64x35xf32>
    %dot_general3A_1265 = arith.constant dense<0.000000e+00> : vector<64x35xf32>
    %dot_general3A_1266 = tpu.matmul %exp3A_1264, %convert_element_type3A_57, %dot_general3A_1265 {dimension_numbers = #tpu.dot_dimension_numbers<[1], [0], [0], [1], [0, 0, 1, 1], [], []>, transpose_lhs_hint = false} : vector<64x35xf32>, vector<35x35xf32>, vector<64x35xf32> -> vector<64x35xf32>
    %div3A_1267 = arith.divf %exp3A_1264, %dot_general3A_1266 : vector<64x35xf32>
    %swap3A_1268 = arith.constant 192 : index
    %swap3A_1269 = arith.constant 0 : index
    %swap3A_1270 = vector.load %arg12[%swap3A_1268, %swap3A_1269] : memref<1024x128xf32, #tpu.memory_space<vmem>>, vector<64x35xf32>
    tpu.vector_store %arg12[%swap3A_1268, %swap3A_1269], %div3A_1267 {strides = array<i32>} : memref<1024x128xf32, #tpu.memory_space<vmem>>, vector<64x35xf32>,
    %reduce_max3A_1271 = arith.constant dense<0xFF800000> : vector<64xf32>
    %reduce_max3A_1272 = vector.multi_reduction <maximumf>, %add3A_1050, %reduce_max3A_1271 [1] : vector<64x35xf32> to vector<64xf32>
    %broadcast_in_dim3A_1273 = vector.shape_cast %reduce_max3A_1272 : vector<64xf32> to vector<64x1xf32>
    %sub3A_1274 = vector.broadcast %broadcast_in_dim3A_1273 : vector<64x1xf32> to vector<64x35xf32>
    %sub3A_1275 = arith.subf %add3A_1050, %sub3A_1274 : vector<64x35xf32>
    %exp3A_1276 = math.exp %sub3A_1275 : vector<64x35xf32>
    %dot_general3A_1277 = arith.constant dense<0.000000e+00> : vector<64x35xf32>
    %dot_general3A_1278 = tpu.matmul %exp3A_1276, %convert_element_type3A_57, %dot_general3A_1277 {dimension_numbers = #tpu.dot_dimension_numbers<[1], [0], [0], [1], [0, 0, 1, 1], [], []>, transpose_lhs_hint = false} : vector<64x35xf32>, vector<35x35xf32>, vector<64x35xf32> -> vector<64x35xf32>
    %div3A_1279 = arith.divf %exp3A_1276, %dot_general3A_1278 : vector<64x35xf32>
    %swap3A_1280 = arith.constant 256 : index
    %swap3A_1281 = arith.constant 0 : index
    %swap3A_1282 = vector.load %arg12[%swap3A_1280, %swap3A_1281] : memref<1024x128xf32, #tpu.memory_space<vmem>>, vector<64x35xf32>
    tpu.vector_store %arg12[%swap3A_1280, %swap3A_1281], %div3A_1279 {strides = array<i32>} : memref<1024x128xf32, #tpu.memory_space<vmem>>, vector<64x35xf32>,
    %reduce_max3A_1283 = arith.constant dense<0xFF800000> : vector<64xf32>
    %reduce_max3A_1284 = vector.multi_reduction <maximumf>, %add3A_1066, %reduce_max3A_1283 [1] : vector<64x35xf32> to vector<64xf32>
    %broadcast_in_dim3A_1285 = vector.shape_cast %reduce_max3A_1284 : vector<64xf32> to vector<64x1xf32>
    %sub3A_1286 = vector.broadcast %broadcast_in_dim3A_1285 : vector<64x1xf32> to vector<64x35xf32>
    %sub3A_1287 = arith.subf %add3A_1066, %sub3A_1286 : vector<64x35xf32>
    %exp3A_1288 = math.exp %sub3A_1287 : vector<64x35xf32>
    %dot_general3A_1289 = arith.constant dense<0.000000e+00> : vector<64x35xf32>
    %dot_general3A_1290 = tpu.matmul %exp3A_1288, %convert_element_type3A_57, %dot_general3A_1289 {dimension_numbers = #tpu.dot_dimension_numbers<[1], [0], [0], [1], [0, 0, 1, 1], [], []>, transpose_lhs_hint = false} : vector<64x35xf32>, vector<35x35xf32>, vector<64x35xf32> -> vector<64x35xf32>
    %div3A_1291 = arith.divf %exp3A_1288, %dot_general3A_1290 : vector<64x35xf32>
    %swap3A_1292 = arith.constant 320 : index
    %swap3A_1293 = arith.constant 0 : index
    %swap3A_1294 = vector.load %arg12[%swap3A_1292, %swap3A_1293] : memref<1024x128xf32, #tpu.memory_space<vmem>>, vector<64x35xf32>
    tpu.vector_store %arg12[%swap3A_1292, %swap3A_1293], %div3A_1291 {strides = array<i32>} : memref<1024x128xf32, #tpu.memory_space<vmem>>, vector<64x35xf32>,
    %reduce_max3A_1295 = arith.constant dense<0xFF800000> : vector<64xf32>
    %reduce_max3A_1296 = vector.multi_reduction <maximumf>, %add3A_1082, %reduce_max3A_1295 [1] : vector<64x35xf32> to vector<64xf32>
    %broadcast_in_dim3A_1297 = vector.shape_cast %reduce_max3A_1296 : vector<64xf32> to vector<64x1xf32>
    %sub3A_1298 = vector.broadcast %broadcast_in_dim3A_1297 : vector<64x1xf32> to vector<64x35xf32>
    %sub3A_1299 = arith.subf %add3A_1082, %sub3A_1298 : vector<64x35xf32>
    %exp3A_1300 = math.exp %sub3A_1299 : vector<64x35xf32>
    %dot_general3A_1301 = arith.constant dense<0.000000e+00> : vector<64x35xf32>
    %dot_general3A_1302 = tpu.matmul %exp3A_1300, %convert_element_type3A_57, %dot_general3A_1301 {dimension_numbers = #tpu.dot_dimension_numbers<[1], [0], [0], [1], [0, 0, 1, 1], [], []>, transpose_lhs_hint = false} : vector<64x35xf32>, vector<35x35xf32>, vector<64x35xf32> -> vector<64x35xf32>
    %div3A_1303 = arith.divf %exp3A_1300, %dot_general3A_1302 : vector<64x35xf32>
    %swap3A_1304 = arith.constant 384 : index
    %swap3A_1305 = arith.constant 0 : index
    %swap3A_1306 = vector.load %arg12[%swap3A_1304, %swap3A_1305] : memref<1024x128xf32, #tpu.memory_space<vmem>>, vector<64x35xf32>
    tpu.vector_store %arg12[%swap3A_1304, %swap3A_1305], %div3A_1303 {strides = array<i32>} : memref<1024x128xf32, #tpu.memory_space<vmem>>, vector<64x35xf32>,
    %reduce_max3A_1307 = arith.constant dense<0xFF800000> : vector<64xf32>
    %reduce_max3A_1308 = vector.multi_reduction <maximumf>, %add3A_1098, %reduce_max3A_1307 [1] : vector<64x35xf32> to vector<64xf32>
    %broadcast_in_dim3A_1309 = vector.shape_cast %reduce_max3A_1308 : vector<64xf32> to vector<64x1xf32>
    %sub3A_1310 = vector.broadcast %broadcast_in_dim3A_1309 : vector<64x1xf32> to vector<64x35xf32>
    %sub3A_1311 = arith.subf %add3A_1098, %sub3A_1310 : vector<64x35xf32>
    %exp3A_1312 = math.exp %sub3A_1311 : vector<64x35xf32>
    %dot_general3A_1313 = arith.constant dense<0.000000e+00> : vector<64x35xf32>
    %dot_general3A_1314 = tpu.matmul %exp3A_1312, %convert_element_type3A_57, %dot_general3A_1313 {dimension_numbers = #tpu.dot_dimension_numbers<[1], [0], [0], [1], [0, 0, 1, 1], [], []>, transpose_lhs_hint = false} : vector<64x35xf32>, vector<35x35xf32>, vector<64x35xf32> -> vector<64x35xf32>
    %div3A_1315 = arith.divf %exp3A_1312, %dot_general3A_1314 : vector<64x35xf32>
    %swap3A_1316 = arith.constant 448 : index
    %swap3A_1317 = arith.constant 0 : index
    %swap3A_1318 = vector.load %arg12[%swap3A_1316, %swap3A_1317] : memref<1024x128xf32, #tpu.memory_space<vmem>>, vector<64x35xf32>
    tpu.vector_store %arg12[%swap3A_1316, %swap3A_1317], %div3A_1315 {strides = array<i32>} : memref<1024x128xf32, #tpu.memory_space<vmem>>, vector<64x35xf32>,
    %reduce_max3A_1319 = arith.constant dense<0xFF800000> : vector<64xf32>
    %reduce_max3A_1320 = vector.multi_reduction <maximumf>, %add3A_1114, %reduce_max3A_1319 [1] : vector<64x35xf32> to vector<64xf32>
    %broadcast_in_dim3A_1321 = vector.shape_cast %reduce_max3A_1320 : vector<64xf32> to vector<64x1xf32>
    %sub3A_1322 = vector.broadcast %broadcast_in_dim3A_1321 : vector<64x1xf32> to vector<64x35xf32>
    %sub3A_1323 = arith.subf %add3A_1114, %sub3A_1322 : vector<64x35xf32>
    %exp3A_1324 = math.exp %sub3A_1323 : vector<64x35xf32>
    %dot_general3A_1325 = arith.constant dense<0.000000e+00> : vector<64x35xf32>
    %dot_general3A_1326 = tpu.matmul %exp3A_1324, %convert_element_type3A_57, %dot_general3A_1325 {dimension_numbers = #tpu.dot_dimension_numbers<[1], [0], [0], [1], [0, 0, 1, 1], [], []>, transpose_lhs_hint = false} : vector<64x35xf32>, vector<35x35xf32>, vector<64x35xf32> -> vector<64x35xf32>
    %div3A_1327 = arith.divf %exp3A_1324, %dot_general3A_1326 : vector<64x35xf32>
    %swap3A_1328 = arith.constant 512 : index
    %swap3A_1329 = arith.constant 0 : index
    %swap3A_1330 = vector.load %arg12[%swap3A_1328, %swap3A_1329] : memref<1024x128xf32, #tpu.memory_space<vmem>>, vector<64x35xf32>
    tpu.vector_store %arg12[%swap3A_1328, %swap3A_1329], %div3A_1327 {strides = array<i32>} : memref<1024x128xf32, #tpu.memory_space<vmem>>, vector<64x35xf32>,
    %reduce_max3A_1331 = arith.constant dense<0xFF800000> : vector<64xf32>
    %reduce_max3A_1332 = vector.multi_reduction <maximumf>, %add3A_1130, %reduce_max3A_1331 [1] : vector<64x35xf32> to vector<64xf32>
    %broadcast_in_dim3A_1333 = vector.shape_cast %reduce_max3A_1332 : vector<64xf32> to vector<64x1xf32>
    %sub3A_1334 = vector.broadcast %broadcast_in_dim3A_1333 : vector<64x1xf32> to vector<64x35xf32>
    %sub3A_1335 = arith.subf %add3A_1130, %sub3A_1334 : vector<64x35xf32>
    %exp3A_1336 = math.exp %sub3A_1335 : vector<64x35xf32>
    %dot_general3A_1337 = arith.constant dense<0.000000e+00> : vector<64x35xf32>
    %dot_general3A_1338 = tpu.matmul %exp3A_1336, %convert_element_type3A_57, %dot_general3A_1337 {dimension_numbers = #tpu.dot_dimension_numbers<[1], [0], [0], [1], [0, 0, 1, 1], [], []>, transpose_lhs_hint = false} : vector<64x35xf32>, vector<35x35xf32>, vector<64x35xf32> -> vector<64x35xf32>
    %div3A_1339 = arith.divf %exp3A_1336, %dot_general3A_1338 : vector<64x35xf32>
    %swap3A_1340 = arith.constant 576 : index
    %swap3A_1341 = arith.constant 0 : index
    %swap3A_1342 = vector.load %arg12[%swap3A_1340, %swap3A_1341] : memref<1024x128xf32, #tpu.memory_space<vmem>>, vector<64x35xf32>
    tpu.vector_store %arg12[%swap3A_1340, %swap3A_1341], %div3A_1339 {strides = array<i32>} : memref<1024x128xf32, #tpu.memory_space<vmem>>, vector<64x35xf32>,
    %reduce_max3A_1343 = arith.constant dense<0xFF800000> : vector<64xf32>
    %reduce_max3A_1344 = vector.multi_reduction <maximumf>, %add3A_1146, %reduce_max3A_1343 [1] : vector<64x35xf32> to vector<64xf32>
    %broadcast_in_dim3A_1345 = vector.shape_cast %reduce_max3A_1344 : vector<64xf32> to vector<64x1xf32>
    %sub3A_1346 = vector.broadcast %broadcast_in_dim3A_1345 : vector<64x1xf32> to vector<64x35xf32>
    %sub3A_1347 = arith.subf %add3A_1146, %sub3A_1346 : vector<64x35xf32>
    %exp3A_1348 = math.exp %sub3A_1347 : vector<64x35xf32>
    %dot_general3A_1349 = arith.constant dense<0.000000e+00> : vector<64x35xf32>
    %dot_general3A_1350 = tpu.matmul %exp3A_1348, %convert_element_type3A_57, %dot_general3A_1349 {dimension_numbers = #tpu.dot_dimension_numbers<[1], [0], [0], [1], [0, 0, 1, 1], [], []>, transpose_lhs_hint = false} : vector<64x35xf32>, vector<35x35xf32>, vector<64x35xf32> -> vector<64x35xf32>
    %div3A_1351 = arith.divf %exp3A_1348, %dot_general3A_1350 : vector<64x35xf32>
    %swap3A_1352 = arith.constant 640 : index
    %swap3A_1353 = arith.constant 0 : index
    %swap3A_1354 = vector.load %arg12[%swap3A_1352, %swap3A_1353] : memref<1024x128xf32, #tpu.memory_space<vmem>>, vector<64x35xf32>
    tpu.vector_store %arg12[%swap3A_1352, %swap3A_1353], %div3A_1351 {strides = array<i32>} : memref<1024x128xf32, #tpu.memory_space<vmem>>, vector<64x35xf32>,
    %reduce_max3A_1355 = arith.constant dense<0xFF800000> : vector<64xf32>
    %reduce_max3A_1356 = vector.multi_reduction <maximumf>, %add3A_1162, %reduce_max3A_1355 [1] : vector<64x35xf32> to vector<64xf32>
    %broadcast_in_dim3A_1357 = vector.shape_cast %reduce_max3A_1356 : vector<64xf32> to vector<64x1xf32>
    %sub3A_1358 = vector.broadcast %broadcast_in_dim3A_1357 : vector<64x1xf32> to vector<64x35xf32>
    %sub3A_1359 = arith.subf %add3A_1162, %sub3A_1358 : vector<64x35xf32>
    %exp3A_1360 = math.exp %sub3A_1359 : vector<64x35xf32>
    %dot_general3A_1361 = arith.constant dense<0.000000e+00> : vector<64x35xf32>
    %dot_general3A_1362 = tpu.matmul %exp3A_1360, %convert_element_type3A_57, %dot_general3A_1361 {dimension_numbers = #tpu.dot_dimension_numbers<[1], [0], [0], [1], [0, 0, 1, 1], [], []>, transpose_lhs_hint = false} : vector<64x35xf32>, vector<35x35xf32>, vector<64x35xf32> -> vector<64x35xf32>
    %div3A_1363 = arith.divf %exp3A_1360, %dot_general3A_1362 : vector<64x35xf32>
    %swap3A_1364 = arith.constant 704 : index
    %swap3A_1365 = arith.constant 0 : index
    %swap3A_1366 = vector.load %arg12[%swap3A_1364, %swap3A_1365] : memref<1024x128xf32, #tpu.memory_space<vmem>>, vector<64x35xf32>
    tpu.vector_store %arg12[%swap3A_1364, %swap3A_1365], %div3A_1363 {strides = array<i32>} : memref<1024x128xf32, #tpu.memory_space<vmem>>, vector<64x35xf32>,
    %reduce_max3A_1367 = arith.constant dense<0xFF800000> : vector<64xf32>
    %reduce_max3A_1368 = vector.multi_reduction <maximumf>, %add3A_1178, %reduce_max3A_1367 [1] : vector<64x35xf32> to vector<64xf32>
    %broadcast_in_dim3A_1369 = vector.shape_cast %reduce_max3A_1368 : vector<64xf32> to vector<64x1xf32>
    %sub3A_1370 = vector.broadcast %broadcast_in_dim3A_1369 : vector<64x1xf32> to vector<64x35xf32>
    %sub3A_1371 = arith.subf %add3A_1178, %sub3A_1370 : vector<64x35xf32>
    %exp3A_1372 = math.exp %sub3A_1371 : vector<64x35xf32>
    %dot_general3A_1373 = arith.constant dense<0.000000e+00> : vector<64x35xf32>
    %dot_general3A_1374 = tpu.matmul %exp3A_1372, %convert_element_type3A_57, %dot_general3A_1373 {dimension_numbers = #tpu.dot_dimension_numbers<[1], [0], [0], [1], [0, 0, 1, 1], [], []>, transpose_lhs_hint = false} : vector<64x35xf32>, vector<35x35xf32>, vector<64x35xf32> -> vector<64x35xf32>
    %div3A_1375 = arith.divf %exp3A_1372, %dot_general3A_1374 : vector<64x35xf32>
    %swap3A_1376 = arith.constant 768 : index
    %swap3A_1377 = arith.constant 0 : index
    %swap3A_1378 = vector.load %arg12[%swap3A_1376, %swap3A_1377] : memref<1024x128xf32, #tpu.memory_space<vmem>>, vector<64x35xf32>
    tpu.vector_store %arg12[%swap3A_1376, %swap3A_1377], %div3A_1375 {strides = array<i32>} : memref<1024x128xf32, #tpu.memory_space<vmem>>, vector<64x35xf32>,
    %reduce_max3A_1379 = arith.constant dense<0xFF800000> : vector<64xf32>
    %reduce_max3A_1380 = vector.multi_reduction <maximumf>, %add3A_1194, %reduce_max3A_1379 [1] : vector<64x35xf32> to vector<64xf32>
    %broadcast_in_dim3A_1381 = vector.shape_cast %reduce_max3A_1380 : vector<64xf32> to vector<64x1xf32>
    %sub3A_1382 = vector.broadcast %broadcast_in_dim3A_1381 : vector<64x1xf32> to vector<64x35xf32>
    %sub3A_1383 = arith.subf %add3A_1194, %sub3A_1382 : vector<64x35xf32>
    %exp3A_1384 = math.exp %sub3A_1383 : vector<64x35xf32>
    %dot_general3A_1385 = arith.constant dense<0.000000e+00> : vector<64x35xf32>
    %dot_general3A_1386 = tpu.matmul %exp3A_1384, %convert_element_type3A_57, %dot_general3A_1385 {dimension_numbers = #tpu.dot_dimension_numbers<[1], [0], [0], [1], [0, 0, 1, 1], [], []>, transpose_lhs_hint = false} : vector<64x35xf32>, vector<35x35xf32>, vector<64x35xf32> -> vector<64x35xf32>
    %div3A_1387 = arith.divf %exp3A_1384, %dot_general3A_1386 : vector<64x35xf32>
    %swap3A_1388 = arith.constant 832 : index
    %swap3A_1389 = arith.constant 0 : index
    %swap3A_1390 = vector.load %arg12[%swap3A_1388, %swap3A_1389] : memref<1024x128xf32, #tpu.memory_space<vmem>>, vector<64x35xf32>
    tpu.vector_store %arg12[%swap3A_1388, %swap3A_1389], %div3A_1387 {strides = array<i32>} : memref<1024x128xf32, #tpu.memory_space<vmem>>, vector<64x35xf32>,
    %reduce_max3A_1391 = arith.constant dense<0xFF800000> : vector<64xf32>
    %reduce_max3A_1392 = vector.multi_reduction <maximumf>, %add3A_1210, %reduce_max3A_1391 [1] : vector<64x35xf32> to vector<64xf32>
    %broadcast_in_dim3A_1393 = vector.shape_cast %reduce_max3A_1392 : vector<64xf32> to vector<64x1xf32>
    %sub3A_1394 = vector.broadcast %broadcast_in_dim3A_1393 : vector<64x1xf32> to vector<64x35xf32>
    %sub3A_1395 = arith.subf %add3A_1210, %sub3A_1394 : vector<64x35xf32>
    %exp3A_1396 = math.exp %sub3A_1395 : vector<64x35xf32>
    %dot_general3A_1397 = arith.constant dense<0.000000e+00> : vector<64x35xf32>
    %dot_general3A_1398 = tpu.matmul %exp3A_1396, %convert_element_type3A_57, %dot_general3A_1397 {dimension_numbers = #tpu.dot_dimension_numbers<[1], [0], [0], [1], [0, 0, 1, 1], [], []>, transpose_lhs_hint = false} : vector<64x35xf32>, vector<35x35xf32>, vector<64x35xf32> -> vector<64x35xf32>
    %div3A_1399 = arith.divf %exp3A_1396, %dot_general3A_1398 : vector<64x35xf32>
    %swap3A_1400 = arith.constant 896 : index
    %swap3A_1401 = arith.constant 0 : index
    %swap3A_1402 = vector.load %arg12[%swap3A_1400, %swap3A_1401] : memref<1024x128xf32, #tpu.memory_space<vmem>>, vector<64x35xf32>
    tpu.vector_store %arg12[%swap3A_1400, %swap3A_1401], %div3A_1399 {strides = array<i32>} : memref<1024x128xf32, #tpu.memory_space<vmem>>, vector<64x35xf32>,
    %reduce_max3A_1403 = arith.constant dense<0xFF800000> : vector<64xf32>
    %reduce_max3A_1404 = vector.multi_reduction <maximumf>, %add3A_1226, %reduce_max3A_1403 [1] : vector<64x35xf32> to vector<64xf32>
    %broadcast_in_dim3A_1405 = vector.shape_cast %reduce_max3A_1404 : vector<64xf32> to vector<64x1xf32>
    %sub3A_1406 = vector.broadcast %broadcast_in_dim3A_1405 : vector<64x1xf32> to vector<64x35xf32>
    %sub3A_1407 = arith.subf %add3A_1226, %sub3A_1406 : vector<64x35xf32>
    %exp3A_1408 = math.exp %sub3A_1407 : vector<64x35xf32>
    %dot_general3A_1409 = arith.constant dense<0.000000e+00> : vector<64x35xf32>
    %dot_general3A_1410 = tpu.matmul %exp3A_1408, %convert_element_type3A_57, %dot_general3A_1409 {dimension_numbers = #tpu.dot_dimension_numbers<[1], [0], [0], [1], [0, 0, 1, 1], [], []>, transpose_lhs_hint = false} : vector<64x35xf32>, vector<35x35xf32>, vector<64x35xf32> -> vector<64x35xf32>
    %div3A_1411 = arith.divf %exp3A_1408, %dot_general3A_1410 : vector<64x35xf32>
    %swap3A_1412 = arith.constant 960 : index
    %swap3A_1413 = arith.constant 0 : index
    %swap3A_1414 = vector.load %arg12[%swap3A_1412, %swap3A_1413] : memref<1024x128xf32, #tpu.memory_space<vmem>>, vector<64x35xf32>
    tpu.vector_store %arg12[%swap3A_1412, %swap3A_1413], %div3A_1411 {strides = array<i32>} : memref<1024x128xf32, #tpu.memory_space<vmem>>, vector<64x35xf32>,
    return
  }
  func.func @transform_0(%arg0: i32) -> (i32, i32) {
    %c0_i32 = arith.constant 0 : i32
    %c0_i32_0 = arith.constant 0 : i32
    return %arg0, %c0_i32 : i32, i32
  }
  func.func @transform_1(%arg0: i32) -> (i32, i32) {
    %c0_i32 = arith.constant 0 : i32
    %c0_i32_0 = arith.constant 0 : i32
    %c0_i32_1 = arith.constant 0 : i32
    return %c0_i32, %c0_i32_0 : i32, i32
  }
  func.func @transform_2(%arg0: i32) -> (i32, i32) {
    %c0_i32 = arith.constant 0 : i32
    %c0_i32_0 = arith.constant 0 : i32
    %c0_i32_1 = arith.constant 0 : i32
    return %c0_i32, %c0_i32_0 : i32, i32
  }
  func.func @transform_3(%arg0: i32) -> (i32, i32, i32) {
    %c0_i32 = arith.constant 0 : i32
    %c0_i32_0 = arith.constant 0 : i32
    %c0_i32_1 = arith.constant 0 : i32
    %c0_i32_2 = arith.constant 0 : i32
    return %c0_i32, %c0_i32_0, %c0_i32_1 : i32, i32, i32
  }
  func.func @transform_4(%arg0: i32) -> (i32, i32, i32) {
    %c0_i32 = arith.constant 0 : i32
    %c0_i32_0 = arith.constant 0 : i32
    %c0_i32_1 = arith.constant 0 : i32
    %c0_i32_2 = arith.constant 0 : i32
    return %c0_i32, %c0_i32_0, %c0_i32_1 : i32, i32, i32
  }
  func.func @transform_5(%arg0: i32) -> (i32, i32) {
    %c0_i32 = arith.constant 0 : i32
    %c0_i32_0 = arith.constant 0 : i32
    %c0_i32_1 = arith.constant 0 : i32
    return %c0_i32, %c0_i32_0 : i32, i32
  }
  func.func @transform_6(%arg0: i32) -> (i32, i32, i32) {
    %c0_i32 = arith.constant 0 : i32
    %c0_i32_0 = arith.constant 0 : i32
    %c0_i32_1 = arith.constant 0 : i32
    %c0_i32_2 = arith.constant 0 : i32
    return %c0_i32, %c0_i32_0, %c0_i32_1 : i32, i32, i32
  }
  func.func @transform_7(%arg0: i32) -> (i32, i32, i32) {
    %c0_i32 = arith.constant 0 : i32
    %c0_i32_0 = arith.constant 0 : i32
    %c0_i32_1 = arith.constant 0 : i32
    %c0_i32_2 = arith.constant 0 : i32
    return %c0_i32, %c0_i32_0, %c0_i32_1 : i32, i32, i32
  }
  func.func @transform_8(%arg0: i32) -> (i32, i32) {
    %c0_i32 = arith.constant 0 : i32
    %c0_i32_0 = arith.constant 0 : i32
    %c0_i32_1 = arith.constant 0 : i32
    return %c0_i32, %c0_i32_0 : i32, i32
  }
  func.func @transform_9(%arg0: i32) -> (i32, i32, i32) {
    %c0_i32 = arith.constant 0 : i32
    %c0_i32_0 = arith.constant 0 : i32
    %c0_i32_1 = arith.constant 0 : i32
    %c0_i32_2 = arith.constant 0 : i32
    return %c0_i32, %c0_i32_0, %c0_i32_1 : i32, i32, i32
  }
  func.func @transform_10(%arg0: i32) -> (i32, i32, i32) {
    %c0_i32 = arith.constant 0 : i32
    %c0_i32_0 = arith.constant 0 : i32
    %c0_i32_1 = arith.constant 0 : i32
    %c0_i32_2 = arith.constant 0 : i32
    return %c0_i32, %c0_i32_0, %c0_i32_1 : i32, i32, i32
  }
  func.func @transform_11(%arg0: i32) -> (i32, i32) {
    %c0_i32 = arith.constant 0 : i32
    %c0_i32_0 = arith.constant 0 : i32
    return %arg0, %c0_i32 : i32, i32
  }
}

</mosaic_0001>

<sc_bundles>
// kernel: kernel.5.cloned.1.call-start
scs
__scs_entry_jumppad:
0x0: {  	(pc) =	sbr.rel $0x88, $3  }
0x1: {  	(tag) =	ssettag $0x0;
	lr =	simm.s32 $0x1  }
0x2: {  	[smem:$0x3F93] =	sst lr;
	_ =	strace $0xD0000000  }
0x3: {  	_ = 	snop  }
0x4: {  	_ = 	snop  }
0x5: {  	_ = 	snop  }
0x6: {  	_ = 	snop  }
0x7: {  	_ = 	snop  }
__scs_overlays_trampoline_lowered:
0x8: {  	[smem:$0x3FA2] =	sst s0  }
0x9: {  	[smem:$0x3FA3] =	sst s1  }
0xa: {  	[smem:$0x3FA4] =	sst s2  }
0xb: {  	[smem:$0x3FA5] =	sst s3  }
0xc: {  	[smem:$0x3FA6] =	sst s4  }
0xd: {  	[smem:$0x3FA7] =	sst s5  }
0xe: {  	[smem:$0x3FA8] =	sst s6  }
0xf: {  	[smem:$0x3FA9] =	sst s7  }
0x10: {  	[smem:$0x3FAA] =	sst s8  }
0x11: {  	[smem:$0x3FAB] =	sst s9;
	s0 =	simm.s32 @!p0 $0x0  }
0x12: {  	s1 =	sld [smem:$0x3F91];
	s0 =	simm.s32 @p0 $0x1  }
0x13: {  	[smem:$0x3FAC] =	sst s0;
	s0 =	simm.s32 @!p1 $0x0  }
0x14: {  	s2 =	sld [smem:$0x3F90];
	s0 =	simm.s32 @p1 $0x1  }
0x15: {  	[smem:$0x3FAD] =	sst s0;
	s0 =	simm.s32 @!p2 $0x0  }
0x16: {  	s3 =	sld [smem:$0x3FDB];
	s0 =	simm.s32 @p2 $0x1  }
0x17: {  	s4 =	simm.s32 $0x1BF5;
	[smem:$0x3FAF] =	sst s0  }
0x18: {  	s0 =	sld [smem:$0x3F92];
	_ =	swait.ge [sflag:s4], $0x0  }
0x19: {  	s7 =	sld [smem:$0x3F93]  }
0x1a: {  	s8 =	sadd.s32 $0xFFFFE003, lr  }
0x1b: {  	s9 =	sadd.s32 $0xFFFFFEF7, lr;
	s5 =	simm.s32 $0xFFFFFFFF;
	p2 =	slt.u32 s8, $0xFFFFF086  }
0x1c: {  	p1 =	slt.u32 s9, $0xF7A;
	s5 =	simm.s32 @!p2 $0x0  }
0x1d: {  	s5 =	simm.s32 @p1 $0x1;
	p0 =	seq.s32 s7, s2  }
0x1e: {  	s7 =	smul.u32 @!p0 $0xF7A, s2;
	p2 =	seq.s32 @!p0 s5, $0x0  }
0x1f: {  	s9 =	smul.u32 $0xF7A, s1;
	s8 =	simm.s32 @!p0 $0x1BF5;
	p2 =	por !p2, p0  }
0x20: {  	[sflag:s8] =	ssyncset.s32 @!p0 $0xFFFFF086;
	s6 =	sadd.s32 @!p0 s3, s7;
	s7 =	simm.s32 @!p0 $0x108  }
0x21: {  	s3 =	sadd.s32 s3, s9;
	s6 =	sadd.s32 @!p0 $0x88, s6;
	s7 =	simm.s32 @p2 $0x1082  }
0x22: {  	[simem:s7], [sflag:s8] =	dma.local @!p0 [hbm:s6], $0xF7A  }
0x23: {  	s9 =	sor.u32 $0xD0000000, s2;
	s6 =	simm.s32 $0x108;
	_ =	swait.ge @!p0 [sflag:s8], $0x0  }
0x24: {  	s3 =	sadd.s32 $0x88, s3;
	s6 =	simm.s32 @!p1 $0x1082;
	[sflag:s4] =	ssyncset.s32 $0xFFFFF086  }
0x25: {  	[simem:s6], [sflag:s4] =	dma.local [hbm:s3], $0xF7A  }
0x26: {  	[smem:$0x3F93] =	sst s1;
	(tag) =	ssettag s2;
	_ =	strace s9  }
0x27: {  	s1 =	sld [smem:$0x3FA3]  }
0x28: {  	s2 =	sld [smem:$0x3FA4]  }
0x29: {  	s4 =	sld [smem:$0x3FA6]  }
0x2a: {  	p0 =	seq.s32 s5, $0x0;
	s5 =	sld [smem:$0x3FA7]  }
0x2b: {  	s6 =	sld [smem:$0x3FA8]  }
0x2c: {  	s7 =	sld [smem:$0x3FA9]  }
0x2d: {  	s3 =	simm.s32 $0x108;
	s8 =	sld [smem:$0x3FAA]  }
0x2e: {  	s3 =	simm.s32 @!p0 $0x1082;
	s9 =	sld [smem:$0x3FAB]  }
0x2f: {  	lr =	sadd.s32 s0, s3;
	s0 =	sld [smem:$0x3FA2]  }
0x30: {  	s3 =	sld [smem:$0x3FA5]  }
0x31: {  	[smem:$0x3FAE] =	sst s10  }
0x32: {  	s10 =	sld [smem:$0x3FAC];
	_ =	sdelay $0x3  }
0x33: {  	p0 =	seq.s32 s10, $0x1;
	s10 =	sld [smem:$0x3FAE];
	_ =	sdelay $0x3  }
0x34: {  	[smem:$0x3FAE] =	sst s10  }
0x35: {  	s10 =	sld [smem:$0x3FAD];
	_ =	sdelay $0x3  }
0x36: {  	p1 =	seq.s32 s10, $0x1;
	s10 =	sld [smem:$0x3FAE];
	_ =	sdelay $0x3  }
0x37: {  	[smem:$0x3FAE] =	sst s10  }
0x38: {  	s10 =	sld [smem:$0x3FAF]  }
0x39: {  	_ = 	snop;
	(pc) =	sbr.ind lr, $3  }
0x3a: {  	_ = 	snop  }
0x3b: {  	_ = 	snop  }
0x3c: {  	p2 =	seq.s32 s10, $0x1;
	s10 =	sld [smem:$0x3FAE]  }
0x3d: {  	_ =	shalt  }
0x3e: {  	_ =	shalt  }
0x3f: {  	_ =	shalt  }
0x40: {  	_ =	shalt  }
0x41: {  	_ =	shalt  }
0x42: {  	_ =	shalt  }
0x43: {  	_ =	shalt  }
0x44: {  	_ =	shalt  }
0x45: {  	_ =	shalt  }
0x46: {  	_ =	shalt  }
0x47: {  	_ =	shalt  }
0x48: {  	_ =	shalt  }
0x49: {  	_ =	shalt  }
0x4a: {  	_ =	shalt  }
0x4b: {  	_ =	shalt  }
0x4c: {  	_ =	shalt  }
0x4d: {  	_ =	shalt  }
0x4e: {  	_ =	shalt  }
0x4f: {  	_ =	shalt  }
0x50: {  	_ =	shalt  }
0x51: {  	_ =	shalt  }
0x52: {  	_ =	shalt  }
0x53: {  	_ =	shalt  }
0x54: {  	_ =	shalt  }
0x55: {  	_ =	shalt  }
0x56: {  	_ =	shalt  }
0x57: {  	_ =	shalt  }
0x58: {  	_ =	shalt  }
0x59: {  	_ =	shalt  }
0x5a: {  	_ =	shalt  }
0x5b: {  	_ =	shalt  }
0x5c: {  	_ =	shalt  }
0x5d: {  	_ =	shalt  }
0x5e: {  	_ =	shalt  }
0x5f: {  	_ =	shalt  }
0x60: {  	_ =	shalt  }
0x61: {  	_ =	shalt  }
0x62: {  	_ =	shalt  }
0x63: {  	_ =	shalt  }
0x64: {  	_ =	shalt  }
0x65: {  	_ =	shalt  }
0x66: {  	_ =	shalt  }
0x67: {  	_ =	shalt  }
0x68: {  	_ =	shalt  }
0x69: {  	_ =	shalt  }
0x6a: {  	_ =	shalt  }
0x6b: {  	_ =	shalt  }
0x6c: {  	_ =	shalt  }
0x6d: {  	_ =	shalt  }
0x6e: {  	_ =	shalt  }
0x6f: {  	_ =	shalt  }
0x70: {  	_ =	shalt  }
0x71: {  	_ =	shalt  }
0x72: {  	_ =	shalt  }
0x73: {  	_ =	shalt  }
0x74: {  	_ =	shalt  }
0x75: {  	_ =	shalt  }
0x76: {  	_ =	shalt  }
0x77: {  	_ =	shalt  }
0x78: {  	_ =	shalt  }
0x79: {  	_ =	shalt  }
0x7a: {  	_ =	shalt  }
0x7b: {  	_ =	shalt  }
0x7c: {  	_ =	shalt  }
0x7d: {  	_ =	shalt  }
0x7e: {  	_ =	shalt  }
0x7f: {  	_ =	shalt  }
0x80: {  	_ =	shalt  }
0x81: {  	_ =	shalt  }
0x82: {  	_ =	shalt  }
0x83: {  	_ =	shalt  }
0x84: {  	_ =	shalt  }
0x85: {  	_ =	shalt  }
0x86: {  	_ =	shalt  }
0x87: {  	_ =	shalt  }
.Lfunc_end0:
.L_simem_size_0:
called_computation_lowered:
.L_overlay_start_0:
0x88: {  	s2 =	sld [smem:$0x3FD9]  }
0x89: {  	s3 =	sld [smem:$0x3FFE];
	_ =	sdelay $0x1  }
0x8a: {  	s1 =	srdreg.scid  }
0x8b: {  	s0 =	sand.u32 $0x1, s1  }
0x8c: {  	s17 =	sshll.u32 s0, $0xA;
	s2 =	sadd.s32 s3, s2  }
0x8d: {  	s2 =	sadd.s32 s2, s17  }
0x8e: {  	[smem:$0x3FBA] =	sst s2  }
0x8f: {  	_ = 	snop  }
0x90: {  	s2 =	sld [smem:$0x3FC9]  }
0x91: {  	s18 =	sld [smem:$0x3FC8]  }
0x92: {  	s4 =	sld [smem:$0x3FD0];
	(tm) =	ssettm $0x1  }
0x93: {  	s5 =	sld [smem:$0x3FFB];
	_ =	sdelay $0x3  }
0x94: {  	_ =	strace s5  }
0x95: {  	s5 =	sld [smem:$0x3FFC];
	_ =	sdelay $0x3  }
0x96: {  	_ =	strace s5  }
0x97: {  	s5 =	sld [smem:$0x3FFD];
	_ =	sdelay $0x3  }
0x98: {  	_ =	strace s5  }
0x99: {  	_ =	strace $0x8FFFFFFF  }
0x9a: {  	s19 =	sld [smem:$0x3FDB];
	_ =	sdelay $0x1  }
0x9b: {  	s6 =	simm.s32 $_scs_section_size  }
0x9c: {  	s7 =	simm.s32 $_size__tile_overlayer_lowered;
	s8 =	simm.s32 $_tile_overlayer_lowered  }
0x9d: {  	s22 =	simm.s32 $0x1BFF;
	s21 =	sshll.u32 s8, $0x1;
	s5 =	sadd.s32 s6, s19  }
0x9e: {  	s9 =	simm.s32 $0x0;
	s20 =	sshll.u32 s7, $0x1;
	s7 =	sadd.s32 s21, s5  }
0x9f: {  	[timem:s9], [sflag:s22] =	dma.local [hbm:s7], s20  }
0xa0: {  	_ =	swait.ge [sflag:s22], s20  }
0xa1: {  	s6 =	ssub.s32 $0x0, s20;
	[sflag:s22] =	ssyncset.done $0x0  }
0xa2: {  	[sflag:s22] =	ssyncadd.s32 s6;
	_ =	sdelay $0x1  }
0xa3: {  	s23 =	simm.s32 $0x1B8B  }
0xa4: {  	_ =	swait.ge [sflag:s23], $0x1  }
0xa5: {  	[sflag:s23] =	ssyncset.done $0x0  }
0xa6: {  	s25 =	simm.s32 $0x1B8E;
	s24 =	sld [smem:$0x3FFE];
	[sflag:s23] =	ssyncadd.s32 $0xFFFFFFFF  }
0xa7: {  	s26 =	simm.s32 $execute0_lowered;
	[smem:$0x3FD2] =	sst s25  }
0xa8: {  	s7 =	sshll.u32 s26, $0x1;
	_ =	strace $0x80000046;
	[dreg:$0x1] =	wrdreg $0xFFFFFFFF  }
0xa9: {  	s28 =	simm.s32 $_size_execute0_lowered;
	s5 =	sadd.s32 s5, s7;
	[dreg:$0x0] =	wrdreg $0x0  }
0xaa: {  	s7 =	sshll.u32 s28, $0x1;
	[dreg:$0x2] =	wrdreg s5  }
0xab: {  	[dreg:$0x3] =	wrdreg s7  }
0xac: {  	[dreg:$0x4] =	wrdreg $0xC0  }
0xad: {  	_ =	task [dreg:s9], $0x5FFFF  }
0xae: {  	[dreg:$0x1] =	wrdreg $0xFFFFFFFF  }
0xaf: {  	[dreg:$0x0] =	wrdreg $0x60  }
0xb0: {  	[dreg:$0x2] =	wrdreg s18  }
0xb1: {  	[dreg:$0x3] =	wrdreg s2  }
0xb2: {  	[dreg:$0x4] =	wrdreg s24  }
0xb3: {  	[dreg:$0x5] =	wrdreg s4  }
0xb4: {  	[dreg:$0x6] =	wrdreg $0x9  }
0xb5: {  	_ =	task.clear_ibuf [dreg:s9], $0x7FFFF;
	_ =	strace $0x90000046  }
0xb6: {  	s29 =	simm.s32 $0x9;
	_ =	strace $0x80000048  }
0xb7: {  	_ =	swait.ge [sflag:s29], $0x1  }
0xb8: {  	[sflag:s29] =	ssyncadd.s32 $0xFFFFFFFF  }
0xb9: {  	_ =	strace $0x90000048  }
0xba: {  	_ =	sfence  }
0xbb: {  	s30 =	sld [smem:$0x0];
	_ =	sdelay $0x2  }
0xbc: {  	s31 =	sshll.u32 s1, $0xD;
	s1 =	sshrl.u32 s1, $0x2  }
0xbd: {  	s3 =	sand.u32 $0x4000, s31;
	s1 =	sadd.s32 s1, s30  }
0xbe: {  	s0 =	sor.u32 s3, s0;
	s1 =	sshll.u32 s1, $0x11  }
0xbf: {  	s0 =	sor.u32 s1, s0  }
0xc0: {  	s0 =	sadd.s32 $0x8F2B, s0  }
0xc1: {  	[sflag:s0] =	ssyncadd.remote.s32 $0x1  }
0xc2: {  	_ =	sfence.sel $0xFFFF  }
0xc3: {  	[dreg:$0x0] =	wrdreg $0xFFFFFFFF;
	(pc) =	sbr.abs _section_cstart, $3  }
0xc4: {  	[dreg:$0x1] =	wrdreg $0xFFFFFFFF  }
0xc5: {  	_ =	task.clear_ibuf [dreg:s9], $0x2FFFF;
	_ =	strace $0x9FFFFFFF  }
0xc6: {  	(tm) =	ssettm $0x7FFFFFFF  }
0xc7: {  	_ =	shalt  }
tec
execute0_lowered:
.L_overlay_start_1:
0x0: {  	(tag) =	ssettag $0x1  }
0x1: {  	s1 =	rddreg [dreg:$0x0]  }
0x2: {  	s15 =	rddreg [dreg:$0x1]  }
0x3: {  	s5 =	rddreg [dreg:$0x2]  }
0x4: {  	s14 =	rddreg [dreg:$0x3]  }
0x5: {  	s0 =	rddreg [dreg:$0x4];
	s3 =	simm.s32 $0x0;
	s4 =	srdreg.scid  }
0x6: {  	s2 =	stileid.u32;
	s20 =	simm.s32 $0x2180;
	s21 =	simm.s32 $0x2200  }
0x7: {  	s22 =	simm.s32 $0x80;
	s23 =	simm.s32 $0x1;
	s24 =	simm.s32 $0x0  }
0x8: {  	[smem:$0x7FF] =	sst s3;
	s6 =	sand.u32 $0x1, s4;
	s8 =	sshll.u32 s2, $0x1  }
0x9: {  	s4 =	sadd.s32 $0x1E00, s5;
	s5 =	sadd.s32 $0x21E00, s5;
	s7 =	ssub.s32 $0x2, s6  }
0xa: {  	_ =	strace $0x80000047;
	s19 =	sor.u32 s6, s8;
	s9 =	sshrl.u32 s7, $0x1  }
0xb: {  	s6 =	sshll.u32 s19, $0x7;
	s17 =	sshll.u32 s19, $0x4;
	s18 =	sshll.u32 s19, $0xB  }
0xc: {  	p0 =	sne.s32 s19, $0x0;
	s19 =	simm.s32 $0x2080;
	s16 =	ssub.s32 s7, s9  }
0xd: {  	s7 =	sor.u32 $0x10, s6;
	s8 =	sor.u32 $0x20, s6;
	s9 =	sor.u32 $0x30, s6  }
0xe: {  	s10 =	sor.u32 $0x40, s6;
	s11 =	sor.u32 $0x50, s6;
	s12 =	sor.u32 $0x60, s6  }
0xf: {  	s13 =	sor.u32 $0x70, s6;
	s14 =	sadd.s32 s14, s17;
	s15 =	sadd.s32 s15, s18  }
0x10: {  	v0 =	vimm.s32 $0x0;
	s17 =	simm.s32 $0x2;
	s18 =	simm.s32 $0x1000;
	s16 =	smax.u32 s16, $0x1  }
.LBB2_1:
0x11: {  	[tilespmem:s3], [sflag:$0x2] =	stream.linear.gather [hbm4b:s1+s3], $0x1000, $0x38;
	[tilespmem:$0x6200] =	vst v63  }
0x12: {  	_ =	swait.ge [sflag:s17], $0x1000  }
0x13: {  	[sflag:s17] =	ssyncset.done $0x0  }
0x14: {  	[sflag:s17] =	ssyncadd.s32 $0xFFFFF000  }
0x15: {  	[tilespmem:$0x1000] =	vst v0  }
0x16: {  	[tilespmem:$0x1010] =	vst v0  }
0x17: {  	[tilespmem:$0x1020] =	vst v0  }
0x18: {  	s25 =	simm.s32 $0x0;
	s26 =	simm.s32 $0x40;
	[tilespmem:$0x1030] =	vst v0  }
.LBB2_2:
0x19: {  	p1 =	sne.s32 s26, $0x3FC0;
	v1 =	vld [tilespmem:s25+$0x0];
	_ =	sdelay $0x4  }
0x1a: {  	(xrf1) =	vunique.msk.u32 $0xffff, v1;
	_ =	sdelay $0x2  }
0x1b: {  	v2 =	vld.idx.msk [tilespmem:v1+s18+$0x0], $0xffff;
	_ =	sdelay $0xa  }
0x1c: {  	_, v3, vm0 =	vpop (xrf1);
	_ =	sdelay $0x1  }
.Ltmp0:
0x1d: {  	(pc) =	sbr.rel @p1 .LBB2_2-.Ltmp0, $4  }
0x1e: {  	v2 =	vadd.s32 v2, v3  }
0x1f: {  	v3 =	vadd.s32 $0xFFFFFFFF, v2  }
0x20: {  	[tilespmem:s25+$0x1080] =	vst v3  }
0x21: {  	s25 =	sshra.s32 s26, $0x2;
	s26 =	sadd.s32 $0x40, s26;
	[tilespmem:v1+s18+$0x0] =	vst.idx.msk vm0, v2  }
0x22: {  	v1 =	vld [tilespmem:s25+$0x0];
	_ =	sdelay $0x4  }
0x23: {  	(xrf1) =	vunique.msk.u32 $0xffff, v1;
	_ =	sdelay $0xb  }
0x24: {  	v2 =	vld.idx.msk [tilespmem:v1+s18+$0x0], $0xffff;
	_ =	sdelay $0x1  }
0x25: {  	_, v3, vm0 =	vpop (xrf1);
	_ =	sdelay $0x2  }
0x26: {  	v2 =	vadd.s32 v2, v3  }
0x27: {  	v3 =	vadd.s32 $0xFFFFFFFF, v2  }
0x28: {  	[tilespmem:s25+$0x1080] =	vst v3  }
0x29: {  	[tilespmem:v1+s18+$0x0] =	vst.idx.msk vm0, v2  }
0x2a: {  	v1 =	vld [tilespmem:$0x1000];
	_ =	sdelay $0x1  }
0x2b: {  	v2 =	vld [tilespmem:$0x1010];
	_ =	sdelay $0x2  }
0x2c: {  	v1 =	vadd.s32 $0x3F, v1  }
0x2d: {  	v3 =	vshra.s32 v1, $0x1F  }
0x2e: {  	v2 =	vadd.s32 $0x3F, v2;
	v3 =	vshrl.u32 v3, $0x1A  }
0x2f: {  	v4 =	vand.u32 $0x3F, v1;
	vm9 =	vlt.s32 v1, $0x1;
	v1 =	vadd.s32 v3, v1;
	v3 =	vld [tilespmem:$0x1020]  }
0x30: {  	v55 =	vshra.s32 v2, $0x1F;
	v5 =	vand.u32 $0x3F, v2;
	vm10 =	vlt.s32 v2, $0x1  }
0x31: {  	vm1 =	vne.s32 v4, $0x0;
	v4 =	vshrl.u32 v55, $0x1A;
	vm11 =	vne.s32 v5, $0x0  }
0x32: {  	vm0 =	vmand vm9, vm1;
	v4 =	vadd.s32 v4, v2;
	v1 =	vshrl.u32 v1, $0x6  }
0x33: {  	v54 =	vsel vm0, $0xFFFFFFFF, v0;
	v2 =	vshrl.u32 v4, $0x6;
	vm0 =	vmand vm10, vm11  }
0x34: {  	v1 =	vadd.s32 v54, v1;
	v56 =	vsel vm0, $0xFFFFFFFF, v0;
	v3 =	vadd.s32 $0x3F, v3  }
0x35: {  	v1 =	vshll.u32 v1, $0x6;
	v57 =	vshra.s32 v3, $0x1F;
	v6 =	vand.u32 $0x3F, v3  }
0x36: {  	vm12 =	vlt.s32 v3, $0x1;
	v5 =	vshrl.u32 v57, $0x1A;
	vm13 =	vne.s32 v6, $0x0  }
0x37: {  	v2 =	vadd.s32 v56, v2;
	v3 =	vadd.s32 v5, v3;
	vm0 =	vmand vm12, vm13  }
0x38: {  	(xrf0) =	vadd.scan.msk.s32 $0xffff, v1;
	v2 =	vshll.u32 v2, $0x6;
	v3 =	vshrl.u32 v3, $0x6;
	v58 =	vsel vm0, $0xFFFFFFFF, v0  }
0x39: {  	(xrf0) =	vadd.scan.msk.s32 $0xffff, v2;
	v3 =	vadd.s32 v58, v3  }
0x3a: {  	v3 =	vshll.u32 v3, $0x6  }
0x3b: {  	(xrf0) =	vadd.scan.msk.s32 $0xffff, v3;
	_ =	sdelay $0x2  }
0x3c: {  	v59, _, _ =	vpop (xrf0)  }
0x3d: {  	v61 =	vld [tilespmem:$0x1030];
	v60, _, _ =	vpop (xrf0);
	(v2sf) =	vpush v59, $0xF  }
0x3e: {  	(v2sf) =	vpush v60, $0xF  }
0x3f: {  	v7, _, _ =	vpop (xrf0)  }
0x40: {  	(v2sf) =	vpush v7, $0xF;
	_ =	sdelay $0x1  }
0x41: {  	v6 =	vadd.s32 $0x3F, v61  }
0x42: {  	v8 =	vshra.s32 v6, $0x1F;
	v9 =	vand.u32 $0x3F, v6  }
0x43: {  	vm15 =	vlt.s32 v6, $0x1;
	vm14 =	vne.s32 v9, $0x0;
	v8 =	vshrl.u32 v8, $0x1A  }
0x44: {  	v6 =	vadd.s32 v8, v6;
	vm0 =	vmand vm15, vm14  }
0x45: {  	v6 =	vshrl.u32 v6, $0x6;
	v62 =	vsel vm0, $0xFFFFFFFF, v0  }
0x46: {  	v6 =	vadd.s32 v62, v6  }
0x47: {  	v6 =	vshll.u32 v6, $0x6  }
0x48: {  	(xrf0) =	vadd.scan.msk.s32 $0xffff, v6  }
0x49: {  	v63 =	vbroadcast v59, $0xF  }
0x4a: {  	v1 =	vsub.s32 v59, v1  }
0x4b: {  	[tilespmem:$0x2080] =	vst v1;
	v1 =	vsub.s32 v63, v2;
	v2 =	vsub.s32 v7, v3;
	s30 =	spop (v2sf)  }
0x4c: {  	[tilespmem:$0x2100] =	vst v59;
	v1 =	vadd.s32 v60, v1;
	s26 =	spop (v2sf)  }
0x4d: {  	[tilespmem:$0x2090] =	vst v1;
	v1 =	vadd.s32 v63, v60;
	s25 =	sadd.s32 s30, s26  }
0x4e: {  	[tilespmem:$0x2110] =	vst v1;
	v1 =	vadd.s32 s25, v2;
	v2, _, _ =	vpop (xrf0);
	s31 =	spop (v2sf)  }
0x4f: {  	[tilespmem:$0x20A0] =	vst v1;
	v1 =	vadd.s32 s25, v7;
	v3 =	vsub.s32 v2, v6;
	s25 =	sadd.s32 s25, s31  }
0x50: {  	[tilespmem:$0x2120] =	vst v1;
	v1 =	vadd.s32 s25, v3  }
0x51: {  	[tilespmem:$0x20B0] =	vst v1;
	v1 =	vadd.s32 s25, v2  }
0x52: {  	s26 =	simm.s32 @!p0 $0x2100;
	s25 =	simm.s32 @!p0 $0x0;
	[tilespmem:$0x2130] =	vst v1  }
0x53: {  	[hbm4b:s5+s25] =	stream.linear.scatter @!p0 [tilespmem:s26], [sflag:$0x2], $0x80, $0x38;
	[tilespmem:$0x6200] =	vst v63  }
0x54: {  	s25 =	simm.s32 @!p0 $0x2  }
0x55: {  	_ =	swait.ge @!p0 [sflag:s25], $0x80  }
0x56: {  	[sflag:s25] =	ssyncset.done @!p0 $0x0  }
0x57: {  	[sflag:s25] =	ssyncadd.s32 @!p0 $0xFFFFFF80  }
0x58: {  	v1 =	vld [tilespmem:s6+$0x0];
	_ =	sdelay $0x6  }
0x59: {  	v2 =	vld [tilespmem:s6+$0x1080]  }
0x5a: {  	v1 =	vld.idx.msk [tilespmem:v1+s19+$0x0], $0xffff;
	_ =	sdelay $0x4  }
0x5b: {  	v1 =	vadd.s32 v1, v2  }
0x5c: {  	[tilespmem:$0x2180] =	vst v1  }
0x5d: {  	v1 =	vld [tilespmem:s7+$0x0];
	_ =	sdelay $0x6  }
0x5e: {  	v2 =	vld [tilespmem:s7+$0x1080]  }
0x5f: {  	v1 =	vld.idx.msk [tilespmem:v1+s19+$0x0], $0xffff;
	_ =	sdelay $0x4  }
0x60: {  	v1 =	vadd.s32 v1, v2  }
0x61: {  	[tilespmem:$0x2190] =	vst v1  }
0x62: {  	v1 =	vld [tilespmem:s8+$0x0];
	_ =	sdelay $0x6  }
0x63: {  	v2 =	vld [tilespmem:s8+$0x1080]  }
0x64: {  	v1 =	vld.idx.msk [tilespmem:v1+s19+$0x0], $0xffff;
	_ =	sdelay $0x4  }
0x65: {  	v1 =	vadd.s32 v1, v2  }
0x66: {  	[tilespmem:$0x21A0] =	vst v1  }
0x67: {  	v1 =	vld [tilespmem:s9+$0x0];
	_ =	sdelay $0x6  }
0x68: {  	v2 =	vld [tilespmem:s9+$0x1080]  }
0x69: {  	v1 =	vld.idx.msk [tilespmem:v1+s19+$0x0], $0xffff;
	_ =	sdelay $0x4  }
0x6a: {  	v1 =	vadd.s32 v1, v2  }
0x6b: {  	[tilespmem:$0x21B0] =	vst v1  }
0x6c: {  	v1 =	vld [tilespmem:s10+$0x0];
	_ =	sdelay $0x6  }
0x6d: {  	v2 =	vld [tilespmem:s10+$0x1080]  }
0x6e: {  	v1 =	vld.idx.msk [tilespmem:v1+s19+$0x0], $0xffff;
	_ =	sdelay $0x4  }
0x6f: {  	v1 =	vadd.s32 v1, v2  }
0x70: {  	[tilespmem:$0x21C0] =	vst v1  }
0x71: {  	v1 =	vld [tilespmem:s11+$0x0];
	_ =	sdelay $0x6  }
0x72: {  	v2 =	vld [tilespmem:s11+$0x1080]  }
0x73: {  	v1 =	vld.idx.msk [tilespmem:v1+s19+$0x0], $0xffff;
	_ =	sdelay $0x4  }
0x74: {  	v1 =	vadd.s32 v1, v2  }
0x75: {  	[tilespmem:$0x21D0] =	vst v1  }
0x76: {  	v1 =	vld [tilespmem:s12+$0x0];
	_ =	sdelay $0x6  }
0x77: {  	v2 =	vld [tilespmem:s12+$0x1080]  }
0x78: {  	v1 =	vld.idx.msk [tilespmem:v1+s19+$0x0], $0xffff;
	_ =	sdelay $0x4  }
0x79: {  	v1 =	vadd.s32 v1, v2  }
0x7a: {  	[tilespmem:$0x21E0] =	vst v1  }
0x7b: {  	v1 =	vld [tilespmem:s13+$0x0];
	_ =	sdelay $0x6  }
0x7c: {  	v2 =	vld [tilespmem:s13+$0x1080]  }
0x7d: {  	v1 =	vld.idx.msk [tilespmem:v1+s19+$0x0], $0xffff;
	_ =	sdelay $0x4  }
0x7e: {  	v1 =	vadd.s32 v1, v2  }
0x7f: {  	[tilespmem:$0x21F0] =	vst v1  }
0x80: {  	[hbm4b:s14+s3] =	stream.linear.scatter [tilespmem:s20], [sflag:$0x2], $0x80, $0x38;
	[tilespmem:$0x6200] =	vst v63  }
0x81: {  	_ =	swait.ge [sflag:s17], $0x80  }
0x82: {  	[sflag:s17] =	ssyncset.done $0x0  }
0x83: {  	[sflag:s17] =	ssyncadd.s32 $0xFFFFFF80  }
0x84: {  	[tilespmem:s21], [sflag:$0x2] =	stream.linear.gather [hbm4b:s15+s3], $0x4000, $0x38;
	[tilespmem:$0x6200] =	vst v63  }
0x85: {  	s24 =	sadd.s32 $0x1, s24;
	_ =	swait.ge [sflag:s17], $0x4000  }
0x86: {  	p1 =	sne.s32 s24, s16;
	[sflag:s17] =	ssyncset.done $0x0  }
.Ltmp1:
0x87: {  	[sflag:s17] =	ssyncadd.s32 $0xFFFFC000;
	(pc) =	sbr.rel @p1 .LBB2_1-.Ltmp1, $4  }
0x88: {  	[hbm4b:s4+s22] =	stream.indirect.scatter [tilespmem:s21], [sflag:$0x1], $0x80, s20, s22, $0xb8;
	[tilespmem:$0x6200] =	vst v63  }
0x89: {  	_ =	swait.ge [sflag:s23], $0x4000  }
0x8a: {  	[sflag:s23] =	ssyncset.done $0x0  }
0x8b: {  	[sflag:s23] =	ssyncadd.s32 $0xFFFFC000  }
0x8c: {  	_ =	sfence.sel $0x180000  }
0x8d: {  	[bflag:$0x0] =	sbarrier.arrive $0xFFFF  }
0x8e: {  	p0 =	sne.s32 s2, $0x0;
	_ =	strace $0x90000047  }
0x8f: {  	s0 =	sadd.s32 @!p0 $0x100000, s0;
	[bflag:$0x2] =	sbarrier.arrive $0xFFFF  }
0x90: {  	[sflag:s0] =	ssyncadd.tile.s32 @!p0 $0x1;
	_ =	shalt  }
.Lfunc_end2:
_tile_overlayer_lowered:
.L_overlay_start_2:
0x91: {  	(tag) =	ssettag $0x2  }
0x92: {  	s0 =	rddreg [dreg:$0x0];
	s2 =	stileid.u32  }
0x93: {  	s1 =	rddreg [dreg:$0x1];
	p0 =	sne.s32 s2, $0x0  }
0x94: {  	s3 =	rddreg [dreg:$0x2];
	[bflag:$0x3] =	sbarrier.arrive $0xFFFF;
	s2 =	simm.s32 @!p0 $0x1C02  }
0x95: {  	[timem:s3], [sflag:s2] =	dma.local @!p0 [hbm:s0], s1  }
0x96: {  	s0 =	simm.s32 @!p0 $0x2  }
0x97: {  	_ =	swait.ge @!p0 [sflag:s0], s1  }
0x98: {  	s1 =	ssub.s32 @!p0 $0x0, s1;
	[sflag:s0] =	ssyncset.done @!p0 $0x0  }
0x99: {  	[sflag:s0] =	ssyncadd.s32 @!p0 s1  }
0x9a: {  	[bflag:$0x3] =	sbarrier.arrive $0xFFFF  }
0x9b: {  	_ =	shalt  }

// kernel: kernel.8.cloned.1.call-start
scs
__scs_entry_jumppad:
0x0: {  	(pc) =	sbr.rel $0x88, $3  }
0x1: {  	(tag) =	ssettag $0x0;
	lr =	simm.s32 $0x1  }
0x2: {  	[smem:$0x3F93] =	sst lr;
	_ =	strace $0xD0000000  }
0x3: {  	_ = 	snop  }
0x4: {  	_ = 	snop  }
0x5: {  	_ = 	snop  }
0x6: {  	_ = 	snop  }
0x7: {  	_ = 	snop  }
__scs_overlays_trampoline_lowered:
0x8: {  	[smem:$0x3FA2] =	sst s0  }
0x9: {  	[smem:$0x3FA3] =	sst s1  }
0xa: {  	[smem:$0x3FA4] =	sst s2  }
0xb: {  	[smem:$0x3FA5] =	sst s3  }
0xc: {  	[smem:$0x3FA6] =	sst s4  }
0xd: {  	[smem:$0x3FA7] =	sst s5  }
0xe: {  	[smem:$0x3FA8] =	sst s6  }
0xf: {  	[smem:$0x3FA9] =	sst s7  }
0x10: {  	[smem:$0x3FAA] =	sst s8  }
0x11: {  	[smem:$0x3FAB] =	sst s9;
	s0 =	simm.s32 @!p0 $0x0  }
0x12: {  	s1 =	sld [smem:$0x3F91];
	s0 =	simm.s32 @p0 $0x1  }
0x13: {  	[smem:$0x3FAC] =	sst s0;
	s0 =	simm.s32 @!p1 $0x0  }
0x14: {  	s2 =	sld [smem:$0x3F90];
	s0 =	simm.s32 @p1 $0x1  }
0x15: {  	[smem:$0x3FAD] =	sst s0;
	s0 =	simm.s32 @!p2 $0x0  }
0x16: {  	s3 =	sld [smem:$0x3FDB];
	s0 =	simm.s32 @p2 $0x1  }
0x17: {  	s4 =	simm.s32 $0x1BF5;
	[smem:$0x3FAF] =	sst s0  }
0x18: {  	s0 =	sld [smem:$0x3F92];
	_ =	swait.ge [sflag:s4], $0x0  }
0x19: {  	s7 =	sld [smem:$0x3F93]  }
0x1a: {  	s8 =	sadd.s32 $0xFFFFE003, lr  }
0x1b: {  	s9 =	sadd.s32 $0xFFFFFEF7, lr;
	s5 =	simm.s32 $0xFFFFFFFF;
	p2 =	slt.u32 s8, $0xFFFFF086  }
0x1c: {  	p1 =	slt.u32 s9, $0xF7A;
	s5 =	simm.s32 @!p2 $0x0  }
0x1d: {  	s5 =	simm.s32 @p1 $0x1;
	p0 =	seq.s32 s7, s2  }
0x1e: {  	s7 =	smul.u32 @!p0 $0xF7A, s2;
	p2 =	seq.s32 @!p0 s5, $0x0  }
0x1f: {  	s9 =	smul.u32 $0xF7A, s1;
	s8 =	simm.s32 @!p0 $0x1BF5;
	p2 =	por !p2, p0  }
0x20: {  	[sflag:s8] =	ssyncset.s32 @!p0 $0xFFFFF086;
	s6 =	sadd.s32 @!p0 s3, s7;
	s7 =	simm.s32 @!p0 $0x108  }
0x21: {  	s3 =	sadd.s32 s3, s9;
	s6 =	sadd.s32 @!p0 $0x88, s6;
	s7 =	simm.s32 @p2 $0x1082  }
0x22: {  	[simem:s7], [sflag:s8] =	dma.local @!p0 [hbm:s6], $0xF7A  }
0x23: {  	s9 =	sor.u32 $0xD0000000, s2;
	s6 =	simm.s32 $0x108;
	_ =	swait.ge @!p0 [sflag:s8], $0x0  }
0x24: {  	s3 =	sadd.s32 $0x88, s3;
	s6 =	simm.s32 @!p1 $0x1082;
	[sflag:s4] =	ssyncset.s32 $0xFFFFF086  }
0x25: {  	[simem:s6], [sflag:s4] =	dma.local [hbm:s3], $0xF7A  }
0x26: {  	[smem:$0x3F93] =	sst s1;
	(tag) =	ssettag s2;
	_ =	strace s9  }
0x27: {  	s1 =	sld [smem:$0x3FA3]  }
0x28: {  	s2 =	sld [smem:$0x3FA4]  }
0x29: {  	s4 =	sld [smem:$0x3FA6]  }
0x2a: {  	p0 =	seq.s32 s5, $0x0;
	s5 =	sld [smem:$0x3FA7]  }
0x2b: {  	s6 =	sld [smem:$0x3FA8]  }
0x2c: {  	s7 =	sld [smem:$0x3FA9]  }
0x2d: {  	s3 =	simm.s32 $0x108;
	s8 =	sld [smem:$0x3FAA]  }
0x2e: {  	s3 =	simm.s32 @!p0 $0x1082;
	s9 =	sld [smem:$0x3FAB]  }
0x2f: {  	lr =	sadd.s32 s0, s3;
	s0 =	sld [smem:$0x3FA2]  }
0x30: {  	s3 =	sld [smem:$0x3FA5]  }
0x31: {  	[smem:$0x3FAE] =	sst s10  }
0x32: {  	s10 =	sld [smem:$0x3FAC];
	_ =	sdelay $0x3  }
0x33: {  	p0 =	seq.s32 s10, $0x1;
	s10 =	sld [smem:$0x3FAE];
	_ =	sdelay $0x3  }
0x34: {  	[smem:$0x3FAE] =	sst s10  }
0x35: {  	s10 =	sld [smem:$0x3FAD];
	_ =	sdelay $0x3  }
0x36: {  	p1 =	seq.s32 s10, $0x1;
	s10 =	sld [smem:$0x3FAE];
	_ =	sdelay $0x3  }
0x37: {  	[smem:$0x3FAE] =	sst s10  }
0x38: {  	s10 =	sld [smem:$0x3FAF]  }
0x39: {  	_ = 	snop;
	(pc) =	sbr.ind lr, $3  }
0x3a: {  	_ = 	snop  }
0x3b: {  	_ = 	snop  }
0x3c: {  	p2 =	seq.s32 s10, $0x1;
	s10 =	sld [smem:$0x3FAE]  }
0x3d: {  	_ =	shalt  }
0x3e: {  	_ =	shalt  }
0x3f: {  	_ =	shalt  }
0x40: {  	_ =	shalt  }
0x41: {  	_ =	shalt  }
0x42: {  	_ =	shalt  }
0x43: {  	_ =	shalt  }
0x44: {  	_ =	shalt  }
0x45: {  	_ =	shalt  }
0x46: {  	_ =	shalt  }
0x47: {  	_ =	shalt  }
0x48: {  	_ =	shalt  }
0x49: {  	_ =	shalt  }
0x4a: {  	_ =	shalt  }
0x4b: {  	_ =	shalt  }
0x4c: {  	_ =	shalt  }
0x4d: {  	_ =	shalt  }
0x4e: {  	_ =	shalt  }
0x4f: {  	_ =	shalt  }
0x50: {  	_ =	shalt  }
0x51: {  	_ =	shalt  }
0x52: {  	_ =	shalt  }
0x53: {  	_ =	shalt  }
0x54: {  	_ =	shalt  }
0x55: {  	_ =	shalt  }
0x56: {  	_ =	shalt  }
0x57: {  	_ =	shalt  }
0x58: {  	_ =	shalt  }
0x59: {  	_ =	shalt  }
0x5a: {  	_ =	shalt  }
0x5b: {  	_ =	shalt  }
0x5c: {  	_ =	shalt  }
0x5d: {  	_ =	shalt  }
0x5e: {  	_ =	shalt  }
0x5f: {  	_ =	shalt  }
0x60: {  	_ =	shalt  }
0x61: {  	_ =	shalt  }
0x62: {  	_ =	shalt  }
0x63: {  	_ =	shalt  }
0x64: {  	_ =	shalt  }
0x65: {  	_ =	shalt  }
0x66: {  	_ =	shalt  }
0x67: {  	_ =	shalt  }
0x68: {  	_ =	shalt  }
0x69: {  	_ =	shalt  }
0x6a: {  	_ =	shalt  }
0x6b: {  	_ =	shalt  }
0x6c: {  	_ =	shalt  }
0x6d: {  	_ =	shalt  }
0x6e: {  	_ =	shalt  }
0x6f: {  	_ =	shalt  }
0x70: {  	_ =	shalt  }
0x71: {  	_ =	shalt  }
0x72: {  	_ =	shalt  }
0x73: {  	_ =	shalt  }
0x74: {  	_ =	shalt  }
0x75: {  	_ =	shalt  }
0x76: {  	_ =	shalt  }
0x77: {  	_ =	shalt  }
0x78: {  	_ =	shalt  }
0x79: {  	_ =	shalt  }
0x7a: {  	_ =	shalt  }
0x7b: {  	_ =	shalt  }
0x7c: {  	_ =	shalt  }
0x7d: {  	_ =	shalt  }
0x7e: {  	_ =	shalt  }
0x7f: {  	_ =	shalt  }
0x80: {  	_ =	shalt  }
0x81: {  	_ =	shalt  }
0x82: {  	_ =	shalt  }
0x83: {  	_ =	shalt  }
0x84: {  	_ =	shalt  }
0x85: {  	_ =	shalt  }
0x86: {  	_ =	shalt  }
0x87: {  	_ =	shalt  }
.Lfunc_end0:
.L_simem_size_0:
called_computation.1_lowered:
.L_overlay_start_0:
0x88: {  	s2 =	sld [smem:$0x3FD9]  }
0x89: {  	s3 =	sld [smem:$0x3FFE];
	_ =	sdelay $0x1  }
0x8a: {  	s1 =	srdreg.scid  }
0x8b: {  	s0 =	sand.u32 $0x1, s1  }
0x8c: {  	s17 =	sshll.u32 s0, $0xA;
	s2 =	sadd.s32 s3, s2  }
0x8d: {  	s2 =	sadd.s32 s2, s17  }
0x8e: {  	[smem:$0x3FBA] =	sst s2  }
0x8f: {  	_ = 	snop  }
0x90: {  	s2 =	sld [smem:$0x3FD0];
	(tm) =	ssettm $0x1  }
0x91: {  	s18 =	sld [smem:$0x3FFB];
	_ =	sdelay $0x3  }
0x92: {  	_ =	strace s18  }
0x93: {  	s3 =	sld [smem:$0x3FFC];
	_ =	sdelay $0x3  }
0x94: {  	_ =	strace s3  }
0x95: {  	s3 =	sld [smem:$0x3FFD];
	_ =	sdelay $0x3  }
0x96: {  	_ =	strace s3  }
0x97: {  	_ =	strace $0x8FFFFFFF  }
0x98: {  	s19 =	sld [smem:$0x3FDB];
	_ =	sdelay $0x1  }
0x99: {  	s4 =	simm.s32 $_scs_section_size  }
0x9a: {  	s5 =	simm.s32 $_size__tile_overlayer_lowered;
	s6 =	simm.s32 $_tile_overlayer_lowered  }
0x9b: {  	s22 =	simm.s32 $0x1BFF;
	s21 =	sshll.u32 s6, $0x1;
	s3 =	sadd.s32 s4, s19  }
0x9c: {  	s7 =	simm.s32 $0x0;
	s20 =	sshll.u32 s5, $0x1;
	s5 =	sadd.s32 s21, s3  }
0x9d: {  	[timem:s7], [sflag:s22] =	dma.local [hbm:s5], s20  }
0x9e: {  	_ =	swait.ge [sflag:s22], s20  }
0x9f: {  	s4 =	ssub.s32 $0x0, s20;
	[sflag:s22] =	ssyncset.done $0x0  }
0xa0: {  	[sflag:s22] =	ssyncadd.s32 s4;
	_ =	sdelay $0x1  }
0xa1: {  	s23 =	simm.s32 $0x1B8B  }
0xa2: {  	_ =	swait.ge [sflag:s23], $0x1  }
0xa3: {  	[sflag:s23] =	ssyncset.done $0x0  }
0xa4: {  	s25 =	simm.s32 $0x1B8E;
	s24 =	sld [smem:$0x3FFE];
	[sflag:s23] =	ssyncadd.s32 $0xFFFFFFFF  }
0xa5: {  	s26 =	simm.s32 $execute0_lowered;
	[smem:$0x3FD2] =	sst s25  }
0xa6: {  	s5 =	sshll.u32 s26, $0x1;
	_ =	strace $0x80000049;
	[dreg:$0x1] =	wrdreg $0xFFFFFFFF  }
0xa7: {  	s28 =	simm.s32 $_size_execute0_lowered;
	s3 =	sadd.s32 s3, s5;
	[dreg:$0x0] =	wrdreg $0x0  }
0xa8: {  	s5 =	sshll.u32 s28, $0x1;
	[dreg:$0x2] =	wrdreg s3  }
0xa9: {  	[dreg:$0x3] =	wrdreg s5  }
0xaa: {  	[dreg:$0x4] =	wrdreg $0xC0  }
0xab: {  	_ =	task [dreg:s7], $0x5FFFF  }
0xac: {  	[dreg:$0x1] =	wrdreg $0xFFFFFFFF  }
0xad: {  	[dreg:$0x0] =	wrdreg $0x60  }
0xae: {  	[dreg:$0x2] =	wrdreg s24  }
0xaf: {  	[dreg:$0x3] =	wrdreg s2  }
0xb0: {  	[dreg:$0x4] =	wrdreg $0x9  }
0xb1: {  	_ =	task.clear_ibuf [dreg:s7], $0x5FFFF;
	_ =	strace $0x90000049  }
0xb2: {  	s29 =	simm.s32 $0x9;
	_ =	strace $0x8000004B  }
0xb3: {  	_ =	swait.ge [sflag:s29], $0x1  }
0xb4: {  	[sflag:s29] =	ssyncadd.s32 $0xFFFFFFFF  }
0xb5: {  	_ =	strace $0x9000004B  }
0xb6: {  	_ =	sfence  }
0xb7: {  	s30 =	sld [smem:$0x0];
	_ =	sdelay $0x2  }
0xb8: {  	s31 =	sshll.u32 s1, $0xD;
	s1 =	sshrl.u32 s1, $0x2  }
0xb9: {  	s3 =	sand.u32 $0x4000, s31;
	s1 =	sadd.s32 s1, s30  }
0xba: {  	s0 =	sor.u32 s3, s0;
	s1 =	sshll.u32 s1, $0x11  }
0xbb: {  	s0 =	sor.u32 s1, s0  }
0xbc: {  	s0 =	sadd.s32 $0x8F2B, s0  }
0xbd: {  	[sflag:s0] =	ssyncadd.remote.s32 $0x1  }
0xbe: {  	_ =	sfence.sel $0xFFFF  }
0xbf: {  	[dreg:$0x0] =	wrdreg $0xFFFFFFFF;
	(pc) =	sbr.abs _section_cstart, $3  }
0xc0: {  	[dreg:$0x1] =	wrdreg $0xFFFFFFFF  }
0xc1: {  	_ =	task.clear_ibuf [dreg:s7], $0x2FFFF;
	_ =	strace $0x9FFFFFFF  }
0xc2: {  	(tm) =	ssettm $0x7FFFFFFF  }
0xc3: {  	_ =	shalt  }
tec
execute0_lowered:
.L_overlay_start_1:
0x0: {  	(tag) =	ssettag $0x1  }
0x1: {  	s1 =	srdreg.scid  }
0x2: {  	s8 =	rddreg [dreg:$0x0];
	s0 =	stileid.u32  }
0x3: {  	s3 =	rddreg [dreg:$0x1];
	s2 =	simm.s32 $0x0;
	s6 =	sand.u32 $0x1, s1  }
0x4: {  	s4 =	sshll.u32 s0, $0x8;
	s1 =	rddreg [dreg:$0x2];
	s5 =	sshll.u32 s6, $0x7  }
0x5: {  	s7 =	simm.s32 $0x1;
	[smem:$0x7FF] =	sst s2;
	s9 =	sor.u32 s5, s4  }
0x6: {  	_ =	strace $0x8000004A;
	s10 =	ssub.s32 $0x2, s6;
	s4 =	sshrl.u32 s9, $0x3  }
0x7: {  	s6 =	simm.s32 $0x80;
	s4 =	sadd.s32 s3, s4;
	s3 =	simm.s32 $0x2  }
0x8: {  	[tilespmem:s2], [sflag:$0x2] =	stream.linear.gather [hbm4b:s4+s2], $0x80, $0x38;
	[tilespmem:$0x4080] =	vst v63  }
0x9: {  	s5 =	sadd.s32 $0x1E00, s8;
	s11 =	sshrl.u32 s10, $0x1;
	_ =	swait.ge [sflag:s3], $0x80  }
0xa: {  	s9 =	sshll.u32 s9, $0x4;
	s31 =	ssub.s32 s10, s11;
	[sflag:s3] =	ssyncset.done $0x0  }
0xb: {  	s8 =	sadd.s32 s9, s8;
	s9 =	smax.u32 s31, $0x1;
	[sflag:s3] =	ssyncadd.s32 $0xFFFFFF80  }
0xc: {  	[tilespmem:s6], [sflag:$0x1] =	stream.indirect.gather [hbm4b:s5+s6], $0x80, s2, s6, $0xb8;
	[tilespmem:$0x4080] =	vst v63  }
0xd: {  	p0 =	sne.s32 s9, $0x1;
	_ =	swait.ge [sflag:s7], $0x4000  }
.Ltmp0:
0xe: {  	[sflag:s7] =	ssyncset.done $0x0;
	(pc) =	sbr.rel @!p0 .LBB2_2-.Ltmp0, $4  }
0xf: {  	s8 =	sadd.s32 $0x21E00, s8;
	[sflag:s7] =	ssyncadd.s32 $0xFFFFC000  }
0x10: {  	[hbm4b:s8+s2] =	stream.linear.scatter [tilespmem:s6], [sflag:$0x2], $0x4000, $0x38;
	[tilespmem:$0x4080] =	vst v63  }
0x11: {  	_ =	swait.ge [sflag:s3], $0x4000  }
0x12: {  	s9 =	sadd.s32 $0xFFFFFFFF, s9;
	[sflag:s3] =	ssyncset.done $0x0  }
.LBB2_1:
0x13: {  	p0 =	sne.s32 s9, $0x1;
	s9 =	sadd.s32 $0xFFFFFFFF, s9;
	[sflag:s3] =	ssyncadd.s32 $0xFFFFC000  }
0x14: {  	[tilespmem:s2], [sflag:$0x2] =	stream.linear.gather [hbm4b:s4+s2], $0x80, $0x38;
	[tilespmem:$0x4080] =	vst v63  }
0x15: {  	_ =	swait.ge [sflag:s3], $0x80  }
0x16: {  	[sflag:s3] =	ssyncset.done $0x0  }
0x17: {  	[sflag:s3] =	ssyncadd.s32 $0xFFFFFF80  }
0x18: {  	[tilespmem:s6], [sflag:$0x1] =	stream.indirect.gather [hbm4b:s5+s6], $0x80, s2, s6, $0xb8;
	[tilespmem:$0x4080] =	vst v63  }
0x19: {  	_ =	swait.ge [sflag:s7], $0x4000  }
.Ltmp1:
0x1a: {  	[sflag:s7] =	ssyncset.done $0x0;
	(pc) =	sbr.rel @p0 .LBB2_1-.Ltmp1, $4  }
0x1b: {  	[sflag:s7] =	ssyncadd.s32 $0xFFFFC000  }
0x1c: {  	[hbm4b:s8+s2] =	stream.linear.scatter [tilespmem:s6], [sflag:$0x2], $0x4000, $0x38;
	[tilespmem:$0x4080] =	vst v63  }
0x1d: {  	_ =	swait.ge [sflag:s3], $0x4000  }
0x1e: {  	[sflag:s3] =	ssyncset.done $0x0  }
.LBB2_2:
0x1f: {  	[sflag:s3] =	ssyncadd.s32 $0xFFFFC000  }
0x20: {  	_ =	sfence.sel $0x180000  }
0x21: {  	[bflag:$0x0] =	sbarrier.arrive $0xFFFF  }
0x22: {  	p0 =	sne.s32 s0, $0x0;
	_ =	strace $0x9000004A  }
0x23: {  	s0 =	sadd.s32 @!p0 $0x100000, s1;
	[bflag:$0x2] =	sbarrier.arrive $0xFFFF  }
0x24: {  	[sflag:s0] =	ssyncadd.tile.s32 @!p0 $0x1;
	_ =	shalt  }
.Lfunc_end2:
_tile_overlayer_lowered:
.L_overlay_start_2:
0x25: {  	(tag) =	ssettag $0x2  }
0x26: {  	s0 =	rddreg [dreg:$0x0];
	s2 =	stileid.u32  }
0x27: {  	s1 =	rddreg [dreg:$0x1];
	p0 =	sne.s32 s2, $0x0  }
0x28: {  	s3 =	rddreg [dreg:$0x2];
	[bflag:$0x3] =	sbarrier.arrive $0xFFFF;
	s2 =	simm.s32 @!p0 $0x1C02  }
0x29: {  	[timem:s3], [sflag:s2] =	dma.local @!p0 [hbm:s0], s1  }
0x2a: {  	s0 =	simm.s32 @!p0 $0x2  }
0x2b: {  	_ =	swait.ge @!p0 [sflag:s0], s1  }
0x2c: {  	s1 =	ssub.s32 @!p0 $0x0, s1;
	[sflag:s0] =	ssyncset.done @!p0 $0x0  }
0x2d: {  	[sflag:s0] =	ssyncadd.s32 @!p0 s1  }
0x2e: {  	[bflag:$0x3] =	sbarrier.arrive $0xFFFF  }
0x2f: {  	_ =	shalt  }

</sc_bundles>
